<compile_context>
chip_gen: v7x
topology: tpu7x:2x2x1
jax: 0.10.2.dev20260603
libtpu: 0.0.44.dev20260713+nightly
codegen_flags: <defaults>
</compile_context>

<pallas_src>
import functools
import jax
import jax.numpy as jnp
from jax import lax
from jax.experimental import pallas as pl
from jax.experimental.pallas import tpu as pltpu
from jax.experimental.pallas import tpu_sc as plsc

_EPS = 1e-5
_C = 16
_NC = 2
_NS = 16
_NW = _NC * _NS


def kernel(x, pos_table, gamma, beta):
    B, S, D = x.shape
    T = B * S
    xf = x.reshape(T, D)
    tpw = T // _NW
    nlv = D // 16
    mesh = plsc.VectorSubcoreMesh(core_axis_name="c", subcore_axis_name="s")

    @functools.partial(
        pl.kernel,
        mesh=mesh,
        out_type=jax.ShapeDtypeStruct((T, D), jnp.float32),
        compiler_params=pltpu.CompilerParams(needs_layout_passes=False),
        scratch_types=[
            pltpu.VMEM((_C, D), jnp.float32),
            pltpu.VMEM((_C, D), jnp.float32),
            pltpu.VMEM((_C, D), jnp.float32),
            pltpu.VMEM((D,), jnp.float32),
            pltpu.VMEM((D,), jnp.float32),
        ],
    )
    def k(x_hbm, pos_hbm, g_hbm, b_hbm, out_hbm, x_v, p_v, o_v, g_v, b_v):
        wid = lax.axis_index("s") * _NC + lax.axis_index("c")
        base = wid * tpw
        pltpu.sync_copy(g_hbm, g_v)
        pltpu.sync_copy(b_hbm, b_v)

        def chunk_body(i, carry):
            row0 = base + i * _C
            prow0 = lax.rem(row0, S)
            pltpu.sync_copy(x_hbm.at[pl.ds(row0, _C)], x_v)
            pltpu.sync_copy(pos_hbm.at[pl.ds(prow0, _C)], p_v)

            def tok_body(t, tc):
                acc = jnp.zeros((16,), jnp.float32)
                for j in range(nlv):
                    sl = pl.ds(j * 16, 16)
                    v = x_v[t, sl] + p_v[t, sl]
                    x_v[t, sl] = v
                    acc = acc + v
                mean = jnp.sum(acc) * (1.0 / D)
                acc2 = jnp.zeros((16,), jnp.float32)
                for j in range(nlv):
                    sl = pl.ds(j * 16, 16)
                    d = x_v[t, sl] - mean
                    acc2 = acc2 + d * d
                var16 = jnp.full((16,), jnp.sum(acc2) * (1.0 / D) + _EPS,
                                 dtype=jnp.float32)
                iv = lax.bitcast_convert_type(var16, jnp.int32)
                r = lax.bitcast_convert_type(
                    jnp.int32(0x5F3759DF) - lax.shift_right_logical(iv, 1),
                    jnp.float32)
                for _ in range(3):
                    r = r * (1.5 - 0.5 * var16 * r * r)
                for j in range(nlv):
                    sl = pl.ds(j * 16, 16)
                    o_v[t, sl] = (x_v[t, sl] - mean) * r * g_v[sl] + b_v[sl]
                return tc

            lax.fori_loop(0, _C, tok_body, 0)
            pltpu.sync_copy(o_v, out_hbm.at[pl.ds(row0, _C)])
            return carry

        lax.fori_loop(0, tpw // _C, chunk_body, 0)

    out = k(xf, pos_table, gamma, beta)
    return out.reshape(B, S, D)

# --- scband reference (transcript-rebuilt; emitter-appended) ---
"""Pipeline reference for scband-positional-encoding-learnt-74156905333329 (READ-ONLY COPY).

The authoritative reference and input builder live on the scoring server;
editing this copy changes nothing except your own understanding.
"""

import jax, jax.numpy as jnp
import numpy as np

MAX_SEQ_LEN = 8192
D_MODEL = 1024
BATCH = 4


def setup_inputs(seed: int = 0) -> dict:
    key = jax.random.key(seed)
    k1, k2 = jax.random.split(key)
    x = jax.random.normal(k1, (BATCH, MAX_SEQ_LEN, D_MODEL), dtype=jnp.float32)
    # learned positional embedding table (nn.Embedding init ~ N(0,1))
    pos_table = jax.random.normal(k2, (MAX_SEQ_LEN, D_MODEL), dtype=jnp.float32)
    # LayerNorm affine params (torch default init)
    gamma = jnp.ones((D_MODEL,), dtype=jnp.float32)
    beta = jnp.zeros((D_MODEL,), dtype=jnp.float32)
    return {"x": x, "pos_table": pos_table, "gamma": gamma, "beta": beta}


def _layer_norm(h, gamma, beta, eps=1e-5):
    mean = jnp.mean(h, axis=-1, keepdims=True)
    var = jnp.mean((h - mean) ** 2, axis=-1, keepdims=True)
    return (h - mean) / jnp.sqrt(var + eps) * gamma + beta


def reference(x, pos_table, gamma, beta):
    batch_size, seq_len = x.shape[0], x.shape[1]
    positions = jnp.arange(seq_len)  # [S]
    positions = jnp.broadcast_to(positions[None, :], (batch_size, seq_len))  # [B, S]
    pos_emb = jnp.take(pos_table, positions, axis=0)  # gather -> [B, S, D]
    final_emb = _layer_norm(x + pos_emb, gamma, beta)
    # dropout p=0.0 / eval mode -> identity
    return final_emb

if __name__ == "__main__":
    import jax
    _d = setup_inputs()
    print(jax.jit(kernel)(*tuple(_d.values())))

</pallas_src>

<mosaic_0001>
#map = affine_map<(d0, d1) -> (0, 0)>
#map1 = affine_map<(d0, d1) -> (0)>
module attributes {stable_mosaic.version = 14 : i64} {
  func.func @k(%arg0: i32, %arg1: i32, %arg2: memref<32768x1024xf32, #tpu.memory_space<hbm>>, %arg3: memref<8192x1024xf32, #tpu.memory_space<hbm>>, %arg4: memref<1024xf32, #tpu.memory_space<hbm>>, %arg5: memref<1024xf32, #tpu.memory_space<hbm>>, %arg6: memref<32768x1024xf32, #tpu.memory_space<hbm>>, %arg7: memref<16x1024xf32, #tpu.memory_space<vmem>>, %arg8: memref<16x1024xf32, #tpu.memory_space<vmem>>, %arg9: memref<16x1024xf32, #tpu.memory_space<vmem>>, %arg10: memref<1024xf32, #tpu.memory_space<vmem>>, %arg11: memref<1024xf32, #tpu.memory_space<vmem>>) attributes {dimension_semantics = [#tpu.dimension_semantics<core_parallel>, #tpu.dimension_semantics<subcore_parallel>], iteration_bounds = array<i64: 2, 16>, scalar_prefetch = 0 : i64, scratch_operands = 5 : i64, tpu.core_type = #tpu.core_type<sc_vector_subcore>, window_params = [{transform_indices = #map}, {transform_indices = #map}, {transform_indices = #map1}, {transform_indices = #map1}, {transform_indices = #map}]} {
    %mul3A = arith.constant 2 : i32
    %mul3A_0 = arith.muli %arg1, %mul3A : i32
    %add3A = arith.addi %mul3A_0, %arg0 : i32
    %mul3A_1 = arith.constant 1024 : i32
    %mul3A_2 = arith.muli %add3A, %mul3A_1 : i32
    "tpu.region"() ({
      %run_scoped3A = tpu.sem_alloc : memref<!tpu.dma_semaphore, #tpu.memory_space<semaphore_mem>>
      tpu.enqueue_dma source(%arg4 : memref<1024xf32, #tpu.memory_space<hbm>>) target(%arg10 : memref<1024xf32, #tpu.memory_space<vmem>>) target_semaphore(%run_scoped3A : memref<!tpu.dma_semaphore, #tpu.memory_space<semaphore_mem>>)
      tpu.wait_dma2 semaphore(%run_scoped3A : memref<!tpu.dma_semaphore, #tpu.memory_space<semaphore_mem>>) src(%arg4 : memref<1024xf32, #tpu.memory_space<hbm>>) dst(%arg10 : memref<1024xf32, #tpu.memory_space<vmem>>)
      tpu.yield
    }) : () -> ()
    "tpu.region"() ({
      %run_scoped3A = tpu.sem_alloc : memref<!tpu.dma_semaphore, #tpu.memory_space<semaphore_mem>>
      tpu.enqueue_dma source(%arg5 : memref<1024xf32, #tpu.memory_space<hbm>>) target(%arg11 : memref<1024xf32, #tpu.memory_space<vmem>>) target_semaphore(%run_scoped3A : memref<!tpu.dma_semaphore, #tpu.memory_space<semaphore_mem>>)
      tpu.wait_dma2 semaphore(%run_scoped3A : memref<!tpu.dma_semaphore, #tpu.memory_space<semaphore_mem>>) src(%arg5 : memref<1024xf32, #tpu.memory_space<hbm>>) dst(%arg11 : memref<1024xf32, #tpu.memory_space<vmem>>)
      tpu.yield
    }) : () -> ()
    %scan3A = arith.constant 0 : i32
    %scan3A_3 = arith.constant 0 : i32
    %scan3A_4 = arith.constant 64 : i32
    %scan3A_5 = arith.addi %scan3A_3, %scan3A_4 : i32
    %scan3A_6 = arith.constant 1 : i32
    scf.for %scan3A_8 = %scan3A_3 to %scan3A_5 step %scan3A_6  : i32 {
      %mul3A_9 = arith.constant 16 : i32
      %mul3A_10 = arith.muli %scan3A_8, %mul3A_9 : i32
      %add3A_11 = arith.addi %mul3A_2, %mul3A_10 : i32
      %rem3A = arith.constant 8192 : i32
      %rem3A_12 = arith.remsi %add3A_11, %rem3A : i32
      "tpu.region"() ({
        %run_scoped3A = tpu.sem_alloc : memref<!tpu.dma_semaphore, #tpu.memory_space<semaphore_mem>>
        %dma_start3A = arith.constant 0 : i32
        %dma_start3A_19 = tpu.memref_slice %arg2[%add3A_11, %dma_start3A] : memref<32768x1024xf32, #tpu.memory_space<hbm>> -> memref<16x1024xf32, #tpu.memory_space<hbm>>
        %dma_start3A_20 = arith.constant 0 : i32
        %dma_start3A_21 = tpu.memref_slice %arg2[%add3A_11, %dma_start3A_20] : memref<32768x1024xf32, #tpu.memory_space<hbm>> -> memref<16x1024xf32, #tpu.memory_space<hbm>>
        tpu.enqueue_dma source(%dma_start3A_21 : memref<16x1024xf32, #tpu.memory_space<hbm>>) target(%arg7 : memref<16x1024xf32, #tpu.memory_space<vmem>>) target_semaphore(%run_scoped3A : memref<!tpu.dma_semaphore, #tpu.memory_space<semaphore_mem>>)
        %dma_wait3A = arith.constant 0 : i32
        %dma_wait3A_22 = tpu.memref_slice %arg2[%add3A_11, %dma_wait3A] : memref<32768x1024xf32, #tpu.memory_space<hbm>> -> memref<16x1024xf32, #tpu.memory_space<hbm>>
        %dma_wait3A_23 = arith.constant 0 : i32
        %dma_wait3A_24 = tpu.memref_slice %arg2[%add3A_11, %dma_wait3A_23] : memref<32768x1024xf32, #tpu.memory_space<hbm>> -> memref<16x1024xf32, #tpu.memory_space<hbm>>
        tpu.wait_dma2 semaphore(%run_scoped3A : memref<!tpu.dma_semaphore, #tpu.memory_space<semaphore_mem>>) src(%dma_wait3A_24 : memref<16x1024xf32, #tpu.memory_space<hbm>>) dst(%arg7 : memref<16x1024xf32, #tpu.memory_space<vmem>>)
        tpu.yield
      }) : () -> ()
      "tpu.region"() ({
        %run_scoped3A = tpu.sem_alloc : memref<!tpu.dma_semaphore, #tpu.memory_space<semaphore_mem>>
        %dma_start3A = arith.constant 0 : i32
        %dma_start3A_19 = tpu.memref_slice %arg3[%rem3A_12, %dma_start3A] : memref<8192x1024xf32, #tpu.memory_space<hbm>> -> memref<16x1024xf32, #tpu.memory_space<hbm>>
        %dma_start3A_20 = arith.constant 0 : i32
        %dma_start3A_21 = tpu.memref_slice %arg3[%rem3A_12, %dma_start3A_20] : memref<8192x1024xf32, #tpu.memory_space<hbm>> -> memref<16x1024xf32, #tpu.memory_space<hbm>>
        tpu.enqueue_dma source(%dma_start3A_21 : memref<16x1024xf32, #tpu.memory_space<hbm>>) target(%arg8 : memref<16x1024xf32, #tpu.memory_space<vmem>>) target_semaphore(%run_scoped3A : memref<!tpu.dma_semaphore, #tpu.memory_space<semaphore_mem>>)
        %dma_wait3A = arith.constant 0 : i32
        %dma_wait3A_22 = tpu.memref_slice %arg3[%rem3A_12, %dma_wait3A] : memref<8192x1024xf32, #tpu.memory_space<hbm>> -> memref<16x1024xf32, #tpu.memory_space<hbm>>
        %dma_wait3A_23 = arith.constant 0 : i32
        %dma_wait3A_24 = tpu.memref_slice %arg3[%rem3A_12, %dma_wait3A_23] : memref<8192x1024xf32, #tpu.memory_space<hbm>> -> memref<16x1024xf32, #tpu.memory_space<hbm>>
        tpu.wait_dma2 semaphore(%run_scoped3A : memref<!tpu.dma_semaphore, #tpu.memory_space<semaphore_mem>>) src(%dma_wait3A_24 : memref<16x1024xf32, #tpu.memory_space<hbm>>) dst(%arg8 : memref<16x1024xf32, #tpu.memory_space<vmem>>)
        tpu.yield
      }) : () -> ()
      %scan3A_13 = arith.constant 0 : i32
      %scan3A_14 = arith.constant 0 : i32
      %scan3A_15 = arith.constant 16 : i32
      %scan3A_16 = arith.addi %scan3A_14, %scan3A_15 : i32
      %scan3A_17 = arith.constant 1 : i32
      scf.for %scan3A_19 = %scan3A_14 to %scan3A_16 step %scan3A_17  : i32 {
        %broadcast_in_dim3A = arith.constant 0.000000e+00 : f32
        %broadcast_in_dim3A_20 = vector.broadcast %broadcast_in_dim3A : f32 to vector<16xf32>
        %get3A = arith.index_cast %scan3A_19 : i32 to index
        %get3A_21 = arith.constant 0 : index
        %get3A_22 = tpu.vector_load %arg7[%get3A, %get3A_21] {strides = array<i32>} : memref<16x1024xf32, #tpu.memory_space<vmem>>, vector<16xf32>,
        %get3A_23 = arith.index_cast %scan3A_19 : i32 to index
        %get3A_24 = arith.constant 0 : index
        %get3A_25 = tpu.vector_load %arg8[%get3A_23, %get3A_24] {strides = array<i32>} : memref<16x1024xf32, #tpu.memory_space<vmem>>, vector<16xf32>,
        %add3A_26 = arith.addf %get3A_22, %get3A_25 : vector<16xf32>
        %swap3A = arith.index_cast %scan3A_19 : i32 to index
        %swap3A_27 = arith.constant 0 : index
        %swap3A_28 = tpu.vector_load %arg7[%swap3A, %swap3A_27] {strides = array<i32>} : memref<16x1024xf32, #tpu.memory_space<vmem>>, vector<16xf32>,
        tpu.vector_store %arg7[%swap3A, %swap3A_27], %add3A_26 {strides = array<i32>} : memref<16x1024xf32, #tpu.memory_space<vmem>>, vector<16xf32>,
        %add3A_29 = arith.addf %broadcast_in_dim3A_20, %add3A_26 : vector<16xf32>
        %get3A_30 = arith.index_cast %scan3A_19 : i32 to index
        %get3A_31 = arith.constant 16 : index
        %get3A_32 = tpu.vector_load %arg7[%get3A_30, %get3A_31] {strides = array<i32>} : memref<16x1024xf32, #tpu.memory_space<vmem>>, vector<16xf32>,
        %get3A_33 = arith.index_cast %scan3A_19 : i32 to index
        %get3A_34 = arith.constant 16 : index
        %get3A_35 = tpu.vector_load %arg8[%get3A_33, %get3A_34] {strides = array<i32>} : memref<16x1024xf32, #tpu.memory_space<vmem>>, vector<16xf32>,
        %add3A_36 = arith.addf %get3A_32, %get3A_35 : vector<16xf32>
        %swap3A_37 = arith.index_cast %scan3A_19 : i32 to index
        %swap3A_38 = arith.constant 16 : index
        %swap3A_39 = tpu.vector_load %arg7[%swap3A_37, %swap3A_38] {strides = array<i32>} : memref<16x1024xf32, #tpu.memory_space<vmem>>, vector<16xf32>,
        tpu.vector_store %arg7[%swap3A_37, %swap3A_38], %add3A_36 {strides = array<i32>} : memref<16x1024xf32, #tpu.memory_space<vmem>>, vector<16xf32>,
        %add3A_40 = arith.addf %add3A_29, %add3A_36 : vector<16xf32>
        %get3A_41 = arith.index_cast %scan3A_19 : i32 to index
        %get3A_42 = arith.constant 32 : index
        %get3A_43 = tpu.vector_load %arg7[%get3A_41, %get3A_42] {strides = array<i32>} : memref<16x1024xf32, #tpu.memory_space<vmem>>, vector<16xf32>,
        %get3A_44 = arith.index_cast %scan3A_19 : i32 to index
        %get3A_45 = arith.constant 32 : index
        %get3A_46 = tpu.vector_load %arg8[%get3A_44, %get3A_45] {strides = array<i32>} : memref<16x1024xf32, #tpu.memory_space<vmem>>, vector<16xf32>,
        %add3A_47 = arith.addf %get3A_43, %get3A_46 : vector<16xf32>
        %swap3A_48 = arith.index_cast %scan3A_19 : i32 to index
        %swap3A_49 = arith.constant 32 : index
        %swap3A_50 = tpu.vector_load %arg7[%swap3A_48, %swap3A_49] {strides = array<i32>} : memref<16x1024xf32, #tpu.memory_space<vmem>>, vector<16xf32>,
        tpu.vector_store %arg7[%swap3A_48, %swap3A_49], %add3A_47 {strides = array<i32>} : memref<16x1024xf32, #tpu.memory_space<vmem>>, vector<16xf32>,
        %add3A_51 = arith.addf %add3A_40, %add3A_47 : vector<16xf32>
        %get3A_52 = arith.index_cast %scan3A_19 : i32 to index
        %get3A_53 = arith.constant 48 : index
        %get3A_54 = tpu.vector_load %arg7[%get3A_52, %get3A_53] {strides = array<i32>} : memref<16x1024xf32, #tpu.memory_space<vmem>>, vector<16xf32>,
        %get3A_55 = arith.index_cast %scan3A_19 : i32 to index
        %get3A_56 = arith.constant 48 : index
        %get3A_57 = tpu.vector_load %arg8[%get3A_55, %get3A_56] {strides = array<i32>} : memref<16x1024xf32, #tpu.memory_space<vmem>>, vector<16xf32>,
        %add3A_58 = arith.addf %get3A_54, %get3A_57 : vector<16xf32>
        %swap3A_59 = arith.index_cast %scan3A_19 : i32 to index
        %swap3A_60 = arith.constant 48 : index
        %swap3A_61 = tpu.vector_load %arg7[%swap3A_59, %swap3A_60] {strides = array<i32>} : memref<16x1024xf32, #tpu.memory_space<vmem>>, vector<16xf32>,
        tpu.vector_store %arg7[%swap3A_59, %swap3A_60], %add3A_58 {strides = array<i32>} : memref<16x1024xf32, #tpu.memory_space<vmem>>, vector<16xf32>,
        %add3A_62 = arith.addf %add3A_51, %add3A_58 : vector<16xf32>
        %get3A_63 = arith.index_cast %scan3A_19 : i32 to index
        %get3A_64 = arith.constant 64 : index
        %get3A_65 = tpu.vector_load %arg7[%get3A_63, %get3A_64] {strides = array<i32>} : memref<16x1024xf32, #tpu.memory_space<vmem>>, vector<16xf32>,
        %get3A_66 = arith.index_cast %scan3A_19 : i32 to index
        %get3A_67 = arith.constant 64 : index
        %get3A_68 = tpu.vector_load %arg8[%get3A_66, %get3A_67] {strides = array<i32>} : memref<16x1024xf32, #tpu.memory_space<vmem>>, vector<16xf32>,
        %add3A_69 = arith.addf %get3A_65, %get3A_68 : vector<16xf32>
        %swap3A_70 = arith.index_cast %scan3A_19 : i32 to index
        %swap3A_71 = arith.constant 64 : index
        %swap3A_72 = tpu.vector_load %arg7[%swap3A_70, %swap3A_71] {strides = array<i32>} : memref<16x1024xf32, #tpu.memory_space<vmem>>, vector<16xf32>,
        tpu.vector_store %arg7[%swap3A_70, %swap3A_71], %add3A_69 {strides = array<i32>} : memref<16x1024xf32, #tpu.memory_space<vmem>>, vector<16xf32>,
        %add3A_73 = arith.addf %add3A_62, %add3A_69 : vector<16xf32>
        %get3A_74 = arith.index_cast %scan3A_19 : i32 to index
        %get3A_75 = arith.constant 80 : index
        %get3A_76 = tpu.vector_load %arg7[%get3A_74, %get3A_75] {strides = array<i32>} : memref<16x1024xf32, #tpu.memory_space<vmem>>, vector<16xf32>,
        %get3A_77 = arith.index_cast %scan3A_19 : i32 to index
        %get3A_78 = arith.constant 80 : index
        %get3A_79 = tpu.vector_load %arg8[%get3A_77, %get3A_78] {strides = array<i32>} : memref<16x1024xf32, #tpu.memory_space<vmem>>, vector<16xf32>,
        %add3A_80 = arith.addf %get3A_76, %get3A_79 : vector<16xf32>
        %swap3A_81 = arith.index_cast %scan3A_19 : i32 to index
        %swap3A_82 = arith.constant 80 : index
        %swap3A_83 = tpu.vector_load %arg7[%swap3A_81, %swap3A_82] {strides = array<i32>} : memref<16x1024xf32, #tpu.memory_space<vmem>>, vector<16xf32>,
        tpu.vector_store %arg7[%swap3A_81, %swap3A_82], %add3A_80 {strides = array<i32>} : memref<16x1024xf32, #tpu.memory_space<vmem>>, vector<16xf32>,
        %add3A_84 = arith.addf %add3A_73, %add3A_80 : vector<16xf32>
        %get3A_85 = arith.index_cast %scan3A_19 : i32 to index
        %get3A_86 = arith.constant 96 : index
        %get3A_87 = tpu.vector_load %arg7[%get3A_85, %get3A_86] {strides = array<i32>} : memref<16x1024xf32, #tpu.memory_space<vmem>>, vector<16xf32>,
        %get3A_88 = arith.index_cast %scan3A_19 : i32 to index
        %get3A_89 = arith.constant 96 : index
        %get3A_90 = tpu.vector_load %arg8[%get3A_88, %get3A_89] {strides = array<i32>} : memref<16x1024xf32, #tpu.memory_space<vmem>>, vector<16xf32>,
        %add3A_91 = arith.addf %get3A_87, %get3A_90 : vector<16xf32>
        %swap3A_92 = arith.index_cast %scan3A_19 : i32 to index
        %swap3A_93 = arith.constant 96 : index
        %swap3A_94 = tpu.vector_load %arg7[%swap3A_92, %swap3A_93] {strides = array<i32>} : memref<16x1024xf32, #tpu.memory_space<vmem>>, vector<16xf32>,
        tpu.vector_store %arg7[%swap3A_92, %swap3A_93], %add3A_91 {strides = array<i32>} : memref<16x1024xf32, #tpu.memory_space<vmem>>, vector<16xf32>,
        %add3A_95 = arith.addf %add3A_84, %add3A_91 : vector<16xf32>
        %get3A_96 = arith.index_cast %scan3A_19 : i32 to index
        %get3A_97 = arith.constant 112 : index
        %get3A_98 = tpu.vector_load %arg7[%get3A_96, %get3A_97] {strides = array<i32>} : memref<16x1024xf32, #tpu.memory_space<vmem>>, vector<16xf32>,
        %get3A_99 = arith.index_cast %scan3A_19 : i32 to index
        %get3A_100 = arith.constant 112 : index
        %get3A_101 = tpu.vector_load %arg8[%get3A_99, %get3A_100] {strides = array<i32>} : memref<16x1024xf32, #tpu.memory_space<vmem>>, vector<16xf32>,
        %add3A_102 = arith.addf %get3A_98, %get3A_101 : vector<16xf32>
        %swap3A_103 = arith.index_cast %scan3A_19 : i32 to index
        %swap3A_104 = arith.constant 112 : index
        %swap3A_105 = tpu.vector_load %arg7[%swap3A_103, %swap3A_104] {strides = array<i32>} : memref<16x1024xf32, #tpu.memory_space<vmem>>, vector<16xf32>,
        tpu.vector_store %arg7[%swap3A_103, %swap3A_104], %add3A_102 {strides = array<i32>} : memref<16x1024xf32, #tpu.memory_space<vmem>>, vector<16xf32>,
        %add3A_106 = arith.addf %add3A_95, %add3A_102 : vector<16xf32>
        %get3A_107 = arith.index_cast %scan3A_19 : i32 to index
        %get3A_108 = arith.constant 128 : index
        %get3A_109 = tpu.vector_load %arg7[%get3A_107, %get3A_108] {strides = array<i32>} : memref<16x1024xf32, #tpu.memory_space<vmem>>, vector<16xf32>,
        %get3A_110 = arith.index_cast %scan3A_19 : i32 to index
        %get3A_111 = arith.constant 128 : index
        %get3A_112 = tpu.vector_load %arg8[%get3A_110, %get3A_111] {strides = array<i32>} : memref<16x1024xf32, #tpu.memory_space<vmem>>, vector<16xf32>,
        %add3A_113 = arith.addf %get3A_109, %get3A_112 : vector<16xf32>
        %swap3A_114 = arith.index_cast %scan3A_19 : i32 to index
        %swap3A_115 = arith.constant 128 : index
        %swap3A_116 = tpu.vector_load %arg7[%swap3A_114, %swap3A_115] {strides = array<i32>} : memref<16x1024xf32, #tpu.memory_space<vmem>>, vector<16xf32>,
        tpu.vector_store %arg7[%swap3A_114, %swap3A_115], %add3A_113 {strides = array<i32>} : memref<16x1024xf32, #tpu.memory_space<vmem>>, vector<16xf32>,
        %add3A_117 = arith.addf %add3A_106, %add3A_113 : vector<16xf32>
        %get3A_118 = arith.index_cast %scan3A_19 : i32 to index
        %get3A_119 = arith.constant 144 : index
        %get3A_120 = tpu.vector_load %arg7[%get3A_118, %get3A_119] {strides = array<i32>} : memref<16x1024xf32, #tpu.memory_space<vmem>>, vector<16xf32>,
        %get3A_121 = arith.index_cast %scan3A_19 : i32 to index
        %get3A_122 = arith.constant 144 : index
        %get3A_123 = tpu.vector_load %arg8[%get3A_121, %get3A_122] {strides = array<i32>} : memref<16x1024xf32, #tpu.memory_space<vmem>>, vector<16xf32>,
        %add3A_124 = arith.addf %get3A_120, %get3A_123 : vector<16xf32>
        %swap3A_125 = arith.index_cast %scan3A_19 : i32 to index
        %swap3A_126 = arith.constant 144 : index
        %swap3A_127 = tpu.vector_load %arg7[%swap3A_125, %swap3A_126] {strides = array<i32>} : memref<16x1024xf32, #tpu.memory_space<vmem>>, vector<16xf32>,
        tpu.vector_store %arg7[%swap3A_125, %swap3A_126], %add3A_124 {strides = array<i32>} : memref<16x1024xf32, #tpu.memory_space<vmem>>, vector<16xf32>,
        %add3A_128 = arith.addf %add3A_117, %add3A_124 : vector<16xf32>
        %get3A_129 = arith.index_cast %scan3A_19 : i32 to index
        %get3A_130 = arith.constant 160 : index
        %get3A_131 = tpu.vector_load %arg7[%get3A_129, %get3A_130] {strides = array<i32>} : memref<16x1024xf32, #tpu.memory_space<vmem>>, vector<16xf32>,
        %get3A_132 = arith.index_cast %scan3A_19 : i32 to index
        %get3A_133 = arith.constant 160 : index
        %get3A_134 = tpu.vector_load %arg8[%get3A_132, %get3A_133] {strides = array<i32>} : memref<16x1024xf32, #tpu.memory_space<vmem>>, vector<16xf32>,
        %add3A_135 = arith.addf %get3A_131, %get3A_134 : vector<16xf32>
        %swap3A_136 = arith.index_cast %scan3A_19 : i32 to index
        %swap3A_137 = arith.constant 160 : index
        %swap3A_138 = tpu.vector_load %arg7[%swap3A_136, %swap3A_137] {strides = array<i32>} : memref<16x1024xf32, #tpu.memory_space<vmem>>, vector<16xf32>,
        tpu.vector_store %arg7[%swap3A_136, %swap3A_137], %add3A_135 {strides = array<i32>} : memref<16x1024xf32, #tpu.memory_space<vmem>>, vector<16xf32>,
        %add3A_139 = arith.addf %add3A_128, %add3A_135 : vector<16xf32>
        %get3A_140 = arith.index_cast %scan3A_19 : i32 to index
        %get3A_141 = arith.constant 176 : index
        %get3A_142 = tpu.vector_load %arg7[%get3A_140, %get3A_141] {strides = array<i32>} : memref<16x1024xf32, #tpu.memory_space<vmem>>, vector<16xf32>,
        %get3A_143 = arith.index_cast %scan3A_19 : i32 to index
        %get3A_144 = arith.constant 176 : index
        %get3A_145 = tpu.vector_load %arg8[%get3A_143, %get3A_144] {strides = array<i32>} : memref<16x1024xf32, #tpu.memory_space<vmem>>, vector<16xf32>,
        %add3A_146 = arith.addf %get3A_142, %get3A_145 : vector<16xf32>
        %swap3A_147 = arith.index_cast %scan3A_19 : i32 to index
        %swap3A_148 = arith.constant 176 : index
        %swap3A_149 = tpu.vector_load %arg7[%swap3A_147, %swap3A_148] {strides = array<i32>} : memref<16x1024xf32, #tpu.memory_space<vmem>>, vector<16xf32>,
        tpu.vector_store %arg7[%swap3A_147, %swap3A_148], %add3A_146 {strides = array<i32>} : memref<16x1024xf32, #tpu.memory_space<vmem>>, vector<16xf32>,
        %add3A_150 = arith.addf %add3A_139, %add3A_146 : vector<16xf32>
        %get3A_151 = arith.index_cast %scan3A_19 : i32 to index
        %get3A_152 = arith.constant 192 : index
        %get3A_153 = tpu.vector_load %arg7[%get3A_151, %get3A_152] {strides = array<i32>} : memref<16x1024xf32, #tpu.memory_space<vmem>>, vector<16xf32>,
        %get3A_154 = arith.index_cast %scan3A_19 : i32 to index
        %get3A_155 = arith.constant 192 : index
        %get3A_156 = tpu.vector_load %arg8[%get3A_154, %get3A_155] {strides = array<i32>} : memref<16x1024xf32, #tpu.memory_space<vmem>>, vector<16xf32>,
        %add3A_157 = arith.addf %get3A_153, %get3A_156 : vector<16xf32>
        %swap3A_158 = arith.index_cast %scan3A_19 : i32 to index
        %swap3A_159 = arith.constant 192 : index
        %swap3A_160 = tpu.vector_load %arg7[%swap3A_158, %swap3A_159] {strides = array<i32>} : memref<16x1024xf32, #tpu.memory_space<vmem>>, vector<16xf32>,
        tpu.vector_store %arg7[%swap3A_158, %swap3A_159], %add3A_157 {strides = array<i32>} : memref<16x1024xf32, #tpu.memory_space<vmem>>, vector<16xf32>,
        %add3A_161 = arith.addf %add3A_150, %add3A_157 : vector<16xf32>
        %get3A_162 = arith.index_cast %scan3A_19 : i32 to index
        %get3A_163 = arith.constant 208 : index
        %get3A_164 = tpu.vector_load %arg7[%get3A_162, %get3A_163] {strides = array<i32>} : memref<16x1024xf32, #tpu.memory_space<vmem>>, vector<16xf32>,
        %get3A_165 = arith.index_cast %scan3A_19 : i32 to index
        %get3A_166 = arith.constant 208 : index
        %get3A_167 = tpu.vector_load %arg8[%get3A_165, %get3A_166] {strides = array<i32>} : memref<16x1024xf32, #tpu.memory_space<vmem>>, vector<16xf32>,
        %add3A_168 = arith.addf %get3A_164, %get3A_167 : vector<16xf32>
        %swap3A_169 = arith.index_cast %scan3A_19 : i32 to index
        %swap3A_170 = arith.constant 208 : index
        %swap3A_171 = tpu.vector_load %arg7[%swap3A_169, %swap3A_170] {strides = array<i32>} : memref<16x1024xf32, #tpu.memory_space<vmem>>, vector<16xf32>,
        tpu.vector_store %arg7[%swap3A_169, %swap3A_170], %add3A_168 {strides = array<i32>} : memref<16x1024xf32, #tpu.memory_space<vmem>>, vector<16xf32>,
        %add3A_172 = arith.addf %add3A_161, %add3A_168 : vector<16xf32>
        %get3A_173 = arith.index_cast %scan3A_19 : i32 to index
        %get3A_174 = arith.constant 224 : index
        %get3A_175 = tpu.vector_load %arg7[%get3A_173, %get3A_174] {strides = array<i32>} : memref<16x1024xf32, #tpu.memory_space<vmem>>, vector<16xf32>,
        %get3A_176 = arith.index_cast %scan3A_19 : i32 to index
        %get3A_177 = arith.constant 224 : index
        %get3A_178 = tpu.vector_load %arg8[%get3A_176, %get3A_177] {strides = array<i32>} : memref<16x1024xf32, #tpu.memory_space<vmem>>, vector<16xf32>,
        %add3A_179 = arith.addf %get3A_175, %get3A_178 : vector<16xf32>
        %swap3A_180 = arith.index_cast %scan3A_19 : i32 to index
        %swap3A_181 = arith.constant 224 : index
        %swap3A_182 = tpu.vector_load %arg7[%swap3A_180, %swap3A_181] {strides = array<i32>} : memref<16x1024xf32, #tpu.memory_space<vmem>>, vector<16xf32>,
        tpu.vector_store %arg7[%swap3A_180, %swap3A_181], %add3A_179 {strides = array<i32>} : memref<16x1024xf32, #tpu.memory_space<vmem>>, vector<16xf32>,
        %add3A_183 = arith.addf %add3A_172, %add3A_179 : vector<16xf32>
        %get3A_184 = arith.index_cast %scan3A_19 : i32 to index
        %get3A_185 = arith.constant 240 : index
        %get3A_186 = tpu.vector_load %arg7[%get3A_184, %get3A_185] {strides = array<i32>} : memref<16x1024xf32, #tpu.memory_space<vmem>>, vector<16xf32>,
        %get3A_187 = arith.index_cast %scan3A_19 : i32 to index
        %get3A_188 = arith.constant 240 : index
        %get3A_189 = tpu.vector_load %arg8[%get3A_187, %get3A_188] {strides = array<i32>} : memref<16x1024xf32, #tpu.memory_space<vmem>>, vector<16xf32>,
        %add3A_190 = arith.addf %get3A_186, %get3A_189 : vector<16xf32>
        %swap3A_191 = arith.index_cast %scan3A_19 : i32 to index
        %swap3A_192 = arith.constant 240 : index
        %swap3A_193 = tpu.vector_load %arg7[%swap3A_191, %swap3A_192] {strides = array<i32>} : memref<16x1024xf32, #tpu.memory_space<vmem>>, vector<16xf32>,
        tpu.vector_store %arg7[%swap3A_191, %swap3A_192], %add3A_190 {strides = array<i32>} : memref<16x1024xf32, #tpu.memory_space<vmem>>, vector<16xf32>,
        %add3A_194 = arith.addf %add3A_183, %add3A_190 : vector<16xf32>
        %get3A_195 = arith.index_cast %scan3A_19 : i32 to index
        %get3A_196 = arith.constant 256 : index
        %get3A_197 = tpu.vector_load %arg7[%get3A_195, %get3A_196] {strides = array<i32>} : memref<16x1024xf32, #tpu.memory_space<vmem>>, vector<16xf32>,
        %get3A_198 = arith.index_cast %scan3A_19 : i32 to index
        %get3A_199 = arith.constant 256 : index
        %get3A_200 = tpu.vector_load %arg8[%get3A_198, %get3A_199] {strides = array<i32>} : memref<16x1024xf32, #tpu.memory_space<vmem>>, vector<16xf32>,
        %add3A_201 = arith.addf %get3A_197, %get3A_200 : vector<16xf32>
        %swap3A_202 = arith.index_cast %scan3A_19 : i32 to index
        %swap3A_203 = arith.constant 256 : index
        %swap3A_204 = tpu.vector_load %arg7[%swap3A_202, %swap3A_203] {strides = array<i32>} : memref<16x1024xf32, #tpu.memory_space<vmem>>, vector<16xf32>,
        tpu.vector_store %arg7[%swap3A_202, %swap3A_203], %add3A_201 {strides = array<i32>} : memref<16x1024xf32, #tpu.memory_space<vmem>>, vector<16xf32>,
        %add3A_205 = arith.addf %add3A_194, %add3A_201 : vector<16xf32>
        %get3A_206 = arith.index_cast %scan3A_19 : i32 to index
        %get3A_207 = arith.constant 272 : index
        %get3A_208 = tpu.vector_load %arg7[%get3A_206, %get3A_207] {strides = array<i32>} : memref<16x1024xf32, #tpu.memory_space<vmem>>, vector<16xf32>,
        %get3A_209 = arith.index_cast %scan3A_19 : i32 to index
        %get3A_210 = arith.constant 272 : index
        %get3A_211 = tpu.vector_load %arg8[%get3A_209, %get3A_210] {strides = array<i32>} : memref<16x1024xf32, #tpu.memory_space<vmem>>, vector<16xf32>,
        %add3A_212 = arith.addf %get3A_208, %get3A_211 : vector<16xf32>
        %swap3A_213 = arith.index_cast %scan3A_19 : i32 to index
        %swap3A_214 = arith.constant 272 : index
        %swap3A_215 = tpu.vector_load %arg7[%swap3A_213, %swap3A_214] {strides = array<i32>} : memref<16x1024xf32, #tpu.memory_space<vmem>>, vector<16xf32>,
        tpu.vector_store %arg7[%swap3A_213, %swap3A_214], %add3A_212 {strides = array<i32>} : memref<16x1024xf32, #tpu.memory_space<vmem>>, vector<16xf32>,
        %add3A_216 = arith.addf %add3A_205, %add3A_212 : vector<16xf32>
        %get3A_217 = arith.index_cast %scan3A_19 : i32 to index
        %get3A_218 = arith.constant 288 : index
        %get3A_219 = tpu.vector_load %arg7[%get3A_217, %get3A_218] {strides = array<i32>} : memref<16x1024xf32, #tpu.memory_space<vmem>>, vector<16xf32>,
        %get3A_220 = arith.index_cast %scan3A_19 : i32 to index
        %get3A_221 = arith.constant 288 : index
        %get3A_222 = tpu.vector_load %arg8[%get3A_220, %get3A_221] {strides = array<i32>} : memref<16x1024xf32, #tpu.memory_space<vmem>>, vector<16xf32>,
        %add3A_223 = arith.addf %get3A_219, %get3A_222 : vector<16xf32>
        %swap3A_224 = arith.index_cast %scan3A_19 : i32 to index
        %swap3A_225 = arith.constant 288 : index
        %swap3A_226 = tpu.vector_load %arg7[%swap3A_224, %swap3A_225] {strides = array<i32>} : memref<16x1024xf32, #tpu.memory_space<vmem>>, vector<16xf32>,
        tpu.vector_store %arg7[%swap3A_224, %swap3A_225], %add3A_223 {strides = array<i32>} : memref<16x1024xf32, #tpu.memory_space<vmem>>, vector<16xf32>,
        %add3A_227 = arith.addf %add3A_216, %add3A_223 : vector<16xf32>
        %get3A_228 = arith.index_cast %scan3A_19 : i32 to index
        %get3A_229 = arith.constant 304 : index
        %get3A_230 = tpu.vector_load %arg7[%get3A_228, %get3A_229] {strides = array<i32>} : memref<16x1024xf32, #tpu.memory_space<vmem>>, vector<16xf32>,
        %get3A_231 = arith.index_cast %scan3A_19 : i32 to index
        %get3A_232 = arith.constant 304 : index
        %get3A_233 = tpu.vector_load %arg8[%get3A_231, %get3A_232] {strides = array<i32>} : memref<16x1024xf32, #tpu.memory_space<vmem>>, vector<16xf32>,
        %add3A_234 = arith.addf %get3A_230, %get3A_233 : vector<16xf32>
        %swap3A_235 = arith.index_cast %scan3A_19 : i32 to index
        %swap3A_236 = arith.constant 304 : index
        %swap3A_237 = tpu.vector_load %arg7[%swap3A_235, %swap3A_236] {strides = array<i32>} : memref<16x1024xf32, #tpu.memory_space<vmem>>, vector<16xf32>,
        tpu.vector_store %arg7[%swap3A_235, %swap3A_236], %add3A_234 {strides = array<i32>} : memref<16x1024xf32, #tpu.memory_space<vmem>>, vector<16xf32>,
        %add3A_238 = arith.addf %add3A_227, %add3A_234 : vector<16xf32>
        %get3A_239 = arith.index_cast %scan3A_19 : i32 to index
        %get3A_240 = arith.constant 320 : index
        %get3A_241 = tpu.vector_load %arg7[%get3A_239, %get3A_240] {strides = array<i32>} : memref<16x1024xf32, #tpu.memory_space<vmem>>, vector<16xf32>,
        %get3A_242 = arith.index_cast %scan3A_19 : i32 to index
        %get3A_243 = arith.constant 320 : index
        %get3A_244 = tpu.vector_load %arg8[%get3A_242, %get3A_243] {strides = array<i32>} : memref<16x1024xf32, #tpu.memory_space<vmem>>, vector<16xf32>,
        %add3A_245 = arith.addf %get3A_241, %get3A_244 : vector<16xf32>
        %swap3A_246 = arith.index_cast %scan3A_19 : i32 to index
        %swap3A_247 = arith.constant 320 : index
        %swap3A_248 = tpu.vector_load %arg7[%swap3A_246, %swap3A_247] {strides = array<i32>} : memref<16x1024xf32, #tpu.memory_space<vmem>>, vector<16xf32>,
        tpu.vector_store %arg7[%swap3A_246, %swap3A_247], %add3A_245 {strides = array<i32>} : memref<16x1024xf32, #tpu.memory_space<vmem>>, vector<16xf32>,
        %add3A_249 = arith.addf %add3A_238, %add3A_245 : vector<16xf32>
        %get3A_250 = arith.index_cast %scan3A_19 : i32 to index
        %get3A_251 = arith.constant 336 : index
        %get3A_252 = tpu.vector_load %arg7[%get3A_250, %get3A_251] {strides = array<i32>} : memref<16x1024xf32, #tpu.memory_space<vmem>>, vector<16xf32>,
        %get3A_253 = arith.index_cast %scan3A_19 : i32 to index
        %get3A_254 = arith.constant 336 : index
        %get3A_255 = tpu.vector_load %arg8[%get3A_253, %get3A_254] {strides = array<i32>} : memref<16x1024xf32, #tpu.memory_space<vmem>>, vector<16xf32>,
        %add3A_256 = arith.addf %get3A_252, %get3A_255 : vector<16xf32>
        %swap3A_257 = arith.index_cast %scan3A_19 : i32 to index
        %swap3A_258 = arith.constant 336 : index
        %swap3A_259 = tpu.vector_load %arg7[%swap3A_257, %swap3A_258] {strides = array<i32>} : memref<16x1024xf32, #tpu.memory_space<vmem>>, vector<16xf32>,
        tpu.vector_store %arg7[%swap3A_257, %swap3A_258], %add3A_256 {strides = array<i32>} : memref<16x1024xf32, #tpu.memory_space<vmem>>, vector<16xf32>,
        %add3A_260 = arith.addf %add3A_249, %add3A_256 : vector<16xf32>
        %get3A_261 = arith.index_cast %scan3A_19 : i32 to index
        %get3A_262 = arith.constant 352 : index
        %get3A_263 = tpu.vector_load %arg7[%get3A_261, %get3A_262] {strides = array<i32>} : memref<16x1024xf32, #tpu.memory_space<vmem>>, vector<16xf32>,
        %get3A_264 = arith.index_cast %scan3A_19 : i32 to index
        %get3A_265 = arith.constant 352 : index
        %get3A_266 = tpu.vector_load %arg8[%get3A_264, %get3A_265] {strides = array<i32>} : memref<16x1024xf32, #tpu.memory_space<vmem>>, vector<16xf32>,
        %add3A_267 = arith.addf %get3A_263, %get3A_266 : vector<16xf32>
        %swap3A_268 = arith.index_cast %scan3A_19 : i32 to index
        %swap3A_269 = arith.constant 352 : index
        %swap3A_270 = tpu.vector_load %arg7[%swap3A_268, %swap3A_269] {strides = array<i32>} : memref<16x1024xf32, #tpu.memory_space<vmem>>, vector<16xf32>,
        tpu.vector_store %arg7[%swap3A_268, %swap3A_269], %add3A_267 {strides = array<i32>} : memref<16x1024xf32, #tpu.memory_space<vmem>>, vector<16xf32>,
        %add3A_271 = arith.addf %add3A_260, %add3A_267 : vector<16xf32>
        %get3A_272 = arith.index_cast %scan3A_19 : i32 to index
        %get3A_273 = arith.constant 368 : index
        %get3A_274 = tpu.vector_load %arg7[%get3A_272, %get3A_273] {strides = array<i32>} : memref<16x1024xf32, #tpu.memory_space<vmem>>, vector<16xf32>,
        %get3A_275 = arith.index_cast %scan3A_19 : i32 to index
        %get3A_276 = arith.constant 368 : index
        %get3A_277 = tpu.vector_load %arg8[%get3A_275, %get3A_276] {strides = array<i32>} : memref<16x1024xf32, #tpu.memory_space<vmem>>, vector<16xf32>,
        %add3A_278 = arith.addf %get3A_274, %get3A_277 : vector<16xf32>
        %swap3A_279 = arith.index_cast %scan3A_19 : i32 to index
        %swap3A_280 = arith.constant 368 : index
        %swap3A_281 = tpu.vector_load %arg7[%swap3A_279, %swap3A_280] {strides = array<i32>} : memref<16x1024xf32, #tpu.memory_space<vmem>>, vector<16xf32>,
        tpu.vector_store %arg7[%swap3A_279, %swap3A_280], %add3A_278 {strides = array<i32>} : memref<16x1024xf32, #tpu.memory_space<vmem>>, vector<16xf32>,
        %add3A_282 = arith.addf %add3A_271, %add3A_278 : vector<16xf32>
        %get3A_283 = arith.index_cast %scan3A_19 : i32 to index
        %get3A_284 = arith.constant 384 : index
        %get3A_285 = tpu.vector_load %arg7[%get3A_283, %get3A_284] {strides = array<i32>} : memref<16x1024xf32, #tpu.memory_space<vmem>>, vector<16xf32>,
        %get3A_286 = arith.index_cast %scan3A_19 : i32 to index
        %get3A_287 = arith.constant 384 : index
        %get3A_288 = tpu.vector_load %arg8[%get3A_286, %get3A_287] {strides = array<i32>} : memref<16x1024xf32, #tpu.memory_space<vmem>>, vector<16xf32>,
        %add3A_289 = arith.addf %get3A_285, %get3A_288 : vector<16xf32>
        %swap3A_290 = arith.index_cast %scan3A_19 : i32 to index
        %swap3A_291 = arith.constant 384 : index
        %swap3A_292 = tpu.vector_load %arg7[%swap3A_290, %swap3A_291] {strides = array<i32>} : memref<16x1024xf32, #tpu.memory_space<vmem>>, vector<16xf32>,
        tpu.vector_store %arg7[%swap3A_290, %swap3A_291], %add3A_289 {strides = array<i32>} : memref<16x1024xf32, #tpu.memory_space<vmem>>, vector<16xf32>,
        %add3A_293 = arith.addf %add3A_282, %add3A_289 : vector<16xf32>
        %get3A_294 = arith.index_cast %scan3A_19 : i32 to index
        %get3A_295 = arith.constant 400 : index
        %get3A_296 = tpu.vector_load %arg7[%get3A_294, %get3A_295] {strides = array<i32>} : memref<16x1024xf32, #tpu.memory_space<vmem>>, vector<16xf32>,
        %get3A_297 = arith.index_cast %scan3A_19 : i32 to index
        %get3A_298 = arith.constant 400 : index
        %get3A_299 = tpu.vector_load %arg8[%get3A_297, %get3A_298] {strides = array<i32>} : memref<16x1024xf32, #tpu.memory_space<vmem>>, vector<16xf32>,
        %add3A_300 = arith.addf %get3A_296, %get3A_299 : vector<16xf32>
        %swap3A_301 = arith.index_cast %scan3A_19 : i32 to index
        %swap3A_302 = arith.constant 400 : index
        %swap3A_303 = tpu.vector_load %arg7[%swap3A_301, %swap3A_302] {strides = array<i32>} : memref<16x1024xf32, #tpu.memory_space<vmem>>, vector<16xf32>,
        tpu.vector_store %arg7[%swap3A_301, %swap3A_302], %add3A_300 {strides = array<i32>} : memref<16x1024xf32, #tpu.memory_space<vmem>>, vector<16xf32>,
        %add3A_304 = arith.addf %add3A_293, %add3A_300 : vector<16xf32>
        %get3A_305 = arith.index_cast %scan3A_19 : i32 to index
        %get3A_306 = arith.constant 416 : index
        %get3A_307 = tpu.vector_load %arg7[%get3A_305, %get3A_306] {strides = array<i32>} : memref<16x1024xf32, #tpu.memory_space<vmem>>, vector<16xf32>,
        %get3A_308 = arith.index_cast %scan3A_19 : i32 to index
        %get3A_309 = arith.constant 416 : index
        %get3A_310 = tpu.vector_load %arg8[%get3A_308, %get3A_309] {strides = array<i32>} : memref<16x1024xf32, #tpu.memory_space<vmem>>, vector<16xf32>,
        %add3A_311 = arith.addf %get3A_307, %get3A_310 : vector<16xf32>
        %swap3A_312 = arith.index_cast %scan3A_19 : i32 to index
        %swap3A_313 = arith.constant 416 : index
        %swap3A_314 = tpu.vector_load %arg7[%swap3A_312, %swap3A_313] {strides = array<i32>} : memref<16x1024xf32, #tpu.memory_space<vmem>>, vector<16xf32>,
        tpu.vector_store %arg7[%swap3A_312, %swap3A_313], %add3A_311 {strides = array<i32>} : memref<16x1024xf32, #tpu.memory_space<vmem>>, vector<16xf32>,
        %add3A_315 = arith.addf %add3A_304, %add3A_311 : vector<16xf32>
        %get3A_316 = arith.index_cast %scan3A_19 : i32 to index
        %get3A_317 = arith.constant 432 : index
        %get3A_318 = tpu.vector_load %arg7[%get3A_316, %get3A_317] {strides = array<i32>} : memref<16x1024xf32, #tpu.memory_space<vmem>>, vector<16xf32>,
        %get3A_319 = arith.index_cast %scan3A_19 : i32 to index
        %get3A_320 = arith.constant 432 : index
        %get3A_321 = tpu.vector_load %arg8[%get3A_319, %get3A_320] {strides = array<i32>} : memref<16x1024xf32, #tpu.memory_space<vmem>>, vector<16xf32>,
        %add3A_322 = arith.addf %get3A_318, %get3A_321 : vector<16xf32>
        %swap3A_323 = arith.index_cast %scan3A_19 : i32 to index
        %swap3A_324 = arith.constant 432 : index
        %swap3A_325 = tpu.vector_load %arg7[%swap3A_323, %swap3A_324] {strides = array<i32>} : memref<16x1024xf32, #tpu.memory_space<vmem>>, vector<16xf32>,
        tpu.vector_store %arg7[%swap3A_323, %swap3A_324], %add3A_322 {strides = array<i32>} : memref<16x1024xf32, #tpu.memory_space<vmem>>, vector<16xf32>,
        %add3A_326 = arith.addf %add3A_315, %add3A_322 : vector<16xf32>
        %get3A_327 = arith.index_cast %scan3A_19 : i32 to index
        %get3A_328 = arith.constant 448 : index
        %get3A_329 = tpu.vector_load %arg7[%get3A_327, %get3A_328] {strides = array<i32>} : memref<16x1024xf32, #tpu.memory_space<vmem>>, vector<16xf32>,
        %get3A_330 = arith.index_cast %scan3A_19 : i32 to index
        %get3A_331 = arith.constant 448 : index
        %get3A_332 = tpu.vector_load %arg8[%get3A_330, %get3A_331] {strides = array<i32>} : memref<16x1024xf32, #tpu.memory_space<vmem>>, vector<16xf32>,
        %add3A_333 = arith.addf %get3A_329, %get3A_332 : vector<16xf32>
        %swap3A_334 = arith.index_cast %scan3A_19 : i32 to index
        %swap3A_335 = arith.constant 448 : index
        %swap3A_336 = tpu.vector_load %arg7[%swap3A_334, %swap3A_335] {strides = array<i32>} : memref<16x1024xf32, #tpu.memory_space<vmem>>, vector<16xf32>,
        tpu.vector_store %arg7[%swap3A_334, %swap3A_335], %add3A_333 {strides = array<i32>} : memref<16x1024xf32, #tpu.memory_space<vmem>>, vector<16xf32>,
        %add3A_337 = arith.addf %add3A_326, %add3A_333 : vector<16xf32>
        %get3A_338 = arith.index_cast %scan3A_19 : i32 to index
        %get3A_339 = arith.constant 464 : index
        %get3A_340 = tpu.vector_load %arg7[%get3A_338, %get3A_339] {strides = array<i32>} : memref<16x1024xf32, #tpu.memory_space<vmem>>, vector<16xf32>,
        %get3A_341 = arith.index_cast %scan3A_19 : i32 to index
        %get3A_342 = arith.constant 464 : index
        %get3A_343 = tpu.vector_load %arg8[%get3A_341, %get3A_342] {strides = array<i32>} : memref<16x1024xf32, #tpu.memory_space<vmem>>, vector<16xf32>,
        %add3A_344 = arith.addf %get3A_340, %get3A_343 : vector<16xf32>
        %swap3A_345 = arith.index_cast %scan3A_19 : i32 to index
        %swap3A_346 = arith.constant 464 : index
        %swap3A_347 = tpu.vector_load %arg7[%swap3A_345, %swap3A_346] {strides = array<i32>} : memref<16x1024xf32, #tpu.memory_space<vmem>>, vector<16xf32>,
        tpu.vector_store %arg7[%swap3A_345, %swap3A_346], %add3A_344 {strides = array<i32>} : memref<16x1024xf32, #tpu.memory_space<vmem>>, vector<16xf32>,
        %add3A_348 = arith.addf %add3A_337, %add3A_344 : vector<16xf32>
        %get3A_349 = arith.index_cast %scan3A_19 : i32 to index
        %get3A_350 = arith.constant 480 : index
        %get3A_351 = tpu.vector_load %arg7[%get3A_349, %get3A_350] {strides = array<i32>} : memref<16x1024xf32, #tpu.memory_space<vmem>>, vector<16xf32>,
        %get3A_352 = arith.index_cast %scan3A_19 : i32 to index
        %get3A_353 = arith.constant 480 : index
        %get3A_354 = tpu.vector_load %arg8[%get3A_352, %get3A_353] {strides = array<i32>} : memref<16x1024xf32, #tpu.memory_space<vmem>>, vector<16xf32>,
        %add3A_355 = arith.addf %get3A_351, %get3A_354 : vector<16xf32>
        %swap3A_356 = arith.index_cast %scan3A_19 : i32 to index
        %swap3A_357 = arith.constant 480 : index
        %swap3A_358 = tpu.vector_load %arg7[%swap3A_356, %swap3A_357] {strides = array<i32>} : memref<16x1024xf32, #tpu.memory_space<vmem>>, vector<16xf32>,
        tpu.vector_store %arg7[%swap3A_356, %swap3A_357], %add3A_355 {strides = array<i32>} : memref<16x1024xf32, #tpu.memory_space<vmem>>, vector<16xf32>,
        %add3A_359 = arith.addf %add3A_348, %add3A_355 : vector<16xf32>
        %get3A_360 = arith.index_cast %scan3A_19 : i32 to index
        %get3A_361 = arith.constant 496 : index
        %get3A_362 = tpu.vector_load %arg7[%get3A_360, %get3A_361] {strides = array<i32>} : memref<16x1024xf32, #tpu.memory_space<vmem>>, vector<16xf32>,
        %get3A_363 = arith.index_cast %scan3A_19 : i32 to index
        %get3A_364 = arith.constant 496 : index
        %get3A_365 = tpu.vector_load %arg8[%get3A_363, %get3A_364] {strides = array<i32>} : memref<16x1024xf32, #tpu.memory_space<vmem>>, vector<16xf32>,
        %add3A_366 = arith.addf %get3A_362, %get3A_365 : vector<16xf32>
        %swap3A_367 = arith.index_cast %scan3A_19 : i32 to index
        %swap3A_368 = arith.constant 496 : index
        %swap3A_369 = tpu.vector_load %arg7[%swap3A_367, %swap3A_368] {strides = array<i32>} : memref<16x1024xf32, #tpu.memory_space<vmem>>, vector<16xf32>,
        tpu.vector_store %arg7[%swap3A_367, %swap3A_368], %add3A_366 {strides = array<i32>} : memref<16x1024xf32, #tpu.memory_space<vmem>>, vector<16xf32>,
        %add3A_370 = arith.addf %add3A_359, %add3A_366 : vector<16xf32>
        %get3A_371 = arith.index_cast %scan3A_19 : i32 to index
        %get3A_372 = arith.constant 512 : index
        %get3A_373 = tpu.vector_load %arg7[%get3A_371, %get3A_372] {strides = array<i32>} : memref<16x1024xf32, #tpu.memory_space<vmem>>, vector<16xf32>,
        %get3A_374 = arith.index_cast %scan3A_19 : i32 to index
        %get3A_375 = arith.constant 512 : index
        %get3A_376 = tpu.vector_load %arg8[%get3A_374, %get3A_375] {strides = array<i32>} : memref<16x1024xf32, #tpu.memory_space<vmem>>, vector<16xf32>,
        %add3A_377 = arith.addf %get3A_373, %get3A_376 : vector<16xf32>
        %swap3A_378 = arith.index_cast %scan3A_19 : i32 to index
        %swap3A_379 = arith.constant 512 : index
        %swap3A_380 = tpu.vector_load %arg7[%swap3A_378, %swap3A_379] {strides = array<i32>} : memref<16x1024xf32, #tpu.memory_space<vmem>>, vector<16xf32>,
        tpu.vector_store %arg7[%swap3A_378, %swap3A_379], %add3A_377 {strides = array<i32>} : memref<16x1024xf32, #tpu.memory_space<vmem>>, vector<16xf32>,
        %add3A_381 = arith.addf %add3A_370, %add3A_377 : vector<16xf32>
        %get3A_382 = arith.index_cast %scan3A_19 : i32 to index
        %get3A_383 = arith.constant 528 : index
        %get3A_384 = tpu.vector_load %arg7[%get3A_382, %get3A_383] {strides = array<i32>} : memref<16x1024xf32, #tpu.memory_space<vmem>>, vector<16xf32>,
        %get3A_385 = arith.index_cast %scan3A_19 : i32 to index
        %get3A_386 = arith.constant 528 : index
        %get3A_387 = tpu.vector_load %arg8[%get3A_385, %get3A_386] {strides = array<i32>} : memref<16x1024xf32, #tpu.memory_space<vmem>>, vector<16xf32>,
        %add3A_388 = arith.addf %get3A_384, %get3A_387 : vector<16xf32>
        %swap3A_389 = arith.index_cast %scan3A_19 : i32 to index
        %swap3A_390 = arith.constant 528 : index
        %swap3A_391 = tpu.vector_load %arg7[%swap3A_389, %swap3A_390] {strides = array<i32>} : memref<16x1024xf32, #tpu.memory_space<vmem>>, vector<16xf32>,
        tpu.vector_store %arg7[%swap3A_389, %swap3A_390], %add3A_388 {strides = array<i32>} : memref<16x1024xf32, #tpu.memory_space<vmem>>, vector<16xf32>,
        %add3A_392 = arith.addf %add3A_381, %add3A_388 : vector<16xf32>
        %get3A_393 = arith.index_cast %scan3A_19 : i32 to index
        %get3A_394 = arith.constant 544 : index
        %get3A_395 = tpu.vector_load %arg7[%get3A_393, %get3A_394] {strides = array<i32>} : memref<16x1024xf32, #tpu.memory_space<vmem>>, vector<16xf32>,
        %get3A_396 = arith.index_cast %scan3A_19 : i32 to index
        %get3A_397 = arith.constant 544 : index
        %get3A_398 = tpu.vector_load %arg8[%get3A_396, %get3A_397] {strides = array<i32>} : memref<16x1024xf32, #tpu.memory_space<vmem>>, vector<16xf32>,
        %add3A_399 = arith.addf %get3A_395, %get3A_398 : vector<16xf32>
        %swap3A_400 = arith.index_cast %scan3A_19 : i32 to index
        %swap3A_401 = arith.constant 544 : index
        %swap3A_402 = tpu.vector_load %arg7[%swap3A_400, %swap3A_401] {strides = array<i32>} : memref<16x1024xf32, #tpu.memory_space<vmem>>, vector<16xf32>,
        tpu.vector_store %arg7[%swap3A_400, %swap3A_401], %add3A_399 {strides = array<i32>} : memref<16x1024xf32, #tpu.memory_space<vmem>>, vector<16xf32>,
        %add3A_403 = arith.addf %add3A_392, %add3A_399 : vector<16xf32>
        %get3A_404 = arith.index_cast %scan3A_19 : i32 to index
        %get3A_405 = arith.constant 560 : index
        %get3A_406 = tpu.vector_load %arg7[%get3A_404, %get3A_405] {strides = array<i32>} : memref<16x1024xf32, #tpu.memory_space<vmem>>, vector<16xf32>,
        %get3A_407 = arith.index_cast %scan3A_19 : i32 to index
        %get3A_408 = arith.constant 560 : index
        %get3A_409 = tpu.vector_load %arg8[%get3A_407, %get3A_408] {strides = array<i32>} : memref<16x1024xf32, #tpu.memory_space<vmem>>, vector<16xf32>,
        %add3A_410 = arith.addf %get3A_406, %get3A_409 : vector<16xf32>
        %swap3A_411 = arith.index_cast %scan3A_19 : i32 to index
        %swap3A_412 = arith.constant 560 : index
        %swap3A_413 = tpu.vector_load %arg7[%swap3A_411, %swap3A_412] {strides = array<i32>} : memref<16x1024xf32, #tpu.memory_space<vmem>>, vector<16xf32>,
        tpu.vector_store %arg7[%swap3A_411, %swap3A_412], %add3A_410 {strides = array<i32>} : memref<16x1024xf32, #tpu.memory_space<vmem>>, vector<16xf32>,
        %add3A_414 = arith.addf %add3A_403, %add3A_410 : vector<16xf32>
        %get3A_415 = arith.index_cast %scan3A_19 : i32 to index
        %get3A_416 = arith.constant 576 : index
        %get3A_417 = tpu.vector_load %arg7[%get3A_415, %get3A_416] {strides = array<i32>} : memref<16x1024xf32, #tpu.memory_space<vmem>>, vector<16xf32>,
        %get3A_418 = arith.index_cast %scan3A_19 : i32 to index
        %get3A_419 = arith.constant 576 : index
        %get3A_420 = tpu.vector_load %arg8[%get3A_418, %get3A_419] {strides = array<i32>} : memref<16x1024xf32, #tpu.memory_space<vmem>>, vector<16xf32>,
        %add3A_421 = arith.addf %get3A_417, %get3A_420 : vector<16xf32>
        %swap3A_422 = arith.index_cast %scan3A_19 : i32 to index
        %swap3A_423 = arith.constant 576 : index
        %swap3A_424 = tpu.vector_load %arg7[%swap3A_422, %swap3A_423] {strides = array<i32>} : memref<16x1024xf32, #tpu.memory_space<vmem>>, vector<16xf32>,
        tpu.vector_store %arg7[%swap3A_422, %swap3A_423], %add3A_421 {strides = array<i32>} : memref<16x1024xf32, #tpu.memory_space<vmem>>, vector<16xf32>,
        %add3A_425 = arith.addf %add3A_414, %add3A_421 : vector<16xf32>
        %get3A_426 = arith.index_cast %scan3A_19 : i32 to index
        %get3A_427 = arith.constant 592 : index
        %get3A_428 = tpu.vector_load %arg7[%get3A_426, %get3A_427] {strides = array<i32>} : memref<16x1024xf32, #tpu.memory_space<vmem>>, vector<16xf32>,
        %get3A_429 = arith.index_cast %scan3A_19 : i32 to index
        %get3A_430 = arith.constant 592 : index
        %get3A_431 = tpu.vector_load %arg8[%get3A_429, %get3A_430] {strides = array<i32>} : memref<16x1024xf32, #tpu.memory_space<vmem>>, vector<16xf32>,
        %add3A_432 = arith.addf %get3A_428, %get3A_431 : vector<16xf32>
        %swap3A_433 = arith.index_cast %scan3A_19 : i32 to index
        %swap3A_434 = arith.constant 592 : index
        %swap3A_435 = tpu.vector_load %arg7[%swap3A_433, %swap3A_434] {strides = array<i32>} : memref<16x1024xf32, #tpu.memory_space<vmem>>, vector<16xf32>,
        tpu.vector_store %arg7[%swap3A_433, %swap3A_434], %add3A_432 {strides = array<i32>} : memref<16x1024xf32, #tpu.memory_space<vmem>>, vector<16xf32>,
        %add3A_436 = arith.addf %add3A_425, %add3A_432 : vector<16xf32>
        %get3A_437 = arith.index_cast %scan3A_19 : i32 to index
        %get3A_438 = arith.constant 608 : index
        %get3A_439 = tpu.vector_load %arg7[%get3A_437, %get3A_438] {strides = array<i32>} : memref<16x1024xf32, #tpu.memory_space<vmem>>, vector<16xf32>,
        %get3A_440 = arith.index_cast %scan3A_19 : i32 to index
        %get3A_441 = arith.constant 608 : index
        %get3A_442 = tpu.vector_load %arg8[%get3A_440, %get3A_441] {strides = array<i32>} : memref<16x1024xf32, #tpu.memory_space<vmem>>, vector<16xf32>,
        %add3A_443 = arith.addf %get3A_439, %get3A_442 : vector<16xf32>
        %swap3A_444 = arith.index_cast %scan3A_19 : i32 to index
        %swap3A_445 = arith.constant 608 : index
        %swap3A_446 = tpu.vector_load %arg7[%swap3A_444, %swap3A_445] {strides = array<i32>} : memref<16x1024xf32, #tpu.memory_space<vmem>>, vector<16xf32>,
        tpu.vector_store %arg7[%swap3A_444, %swap3A_445], %add3A_443 {strides = array<i32>} : memref<16x1024xf32, #tpu.memory_space<vmem>>, vector<16xf32>,
        %add3A_447 = arith.addf %add3A_436, %add3A_443 : vector<16xf32>
        %get3A_448 = arith.index_cast %scan3A_19 : i32 to index
        %get3A_449 = arith.constant 624 : index
        %get3A_450 = tpu.vector_load %arg7[%get3A_448, %get3A_449] {strides = array<i32>} : memref<16x1024xf32, #tpu.memory_space<vmem>>, vector<16xf32>,
        %get3A_451 = arith.index_cast %scan3A_19 : i32 to index
        %get3A_452 = arith.constant 624 : index
        %get3A_453 = tpu.vector_load %arg8[%get3A_451, %get3A_452] {strides = array<i32>} : memref<16x1024xf32, #tpu.memory_space<vmem>>, vector<16xf32>,
        %add3A_454 = arith.addf %get3A_450, %get3A_453 : vector<16xf32>
        %swap3A_455 = arith.index_cast %scan3A_19 : i32 to index
        %swap3A_456 = arith.constant 624 : index
        %swap3A_457 = tpu.vector_load %arg7[%swap3A_455, %swap3A_456] {strides = array<i32>} : memref<16x1024xf32, #tpu.memory_space<vmem>>, vector<16xf32>,
        tpu.vector_store %arg7[%swap3A_455, %swap3A_456], %add3A_454 {strides = array<i32>} : memref<16x1024xf32, #tpu.memory_space<vmem>>, vector<16xf32>,
        %add3A_458 = arith.addf %add3A_447, %add3A_454 : vector<16xf32>
        %get3A_459 = arith.index_cast %scan3A_19 : i32 to index
        %get3A_460 = arith.constant 640 : index
        %get3A_461 = tpu.vector_load %arg7[%get3A_459, %get3A_460] {strides = array<i32>} : memref<16x1024xf32, #tpu.memory_space<vmem>>, vector<16xf32>,
        %get3A_462 = arith.index_cast %scan3A_19 : i32 to index
        %get3A_463 = arith.constant 640 : index
        %get3A_464 = tpu.vector_load %arg8[%get3A_462, %get3A_463] {strides = array<i32>} : memref<16x1024xf32, #tpu.memory_space<vmem>>, vector<16xf32>,
        %add3A_465 = arith.addf %get3A_461, %get3A_464 : vector<16xf32>
        %swap3A_466 = arith.index_cast %scan3A_19 : i32 to index
        %swap3A_467 = arith.constant 640 : index
        %swap3A_468 = tpu.vector_load %arg7[%swap3A_466, %swap3A_467] {strides = array<i32>} : memref<16x1024xf32, #tpu.memory_space<vmem>>, vector<16xf32>,
        tpu.vector_store %arg7[%swap3A_466, %swap3A_467], %add3A_465 {strides = array<i32>} : memref<16x1024xf32, #tpu.memory_space<vmem>>, vector<16xf32>,
        %add3A_469 = arith.addf %add3A_458, %add3A_465 : vector<16xf32>
        %get3A_470 = arith.index_cast %scan3A_19 : i32 to index
        %get3A_471 = arith.constant 656 : index
        %get3A_472 = tpu.vector_load %arg7[%get3A_470, %get3A_471] {strides = array<i32>} : memref<16x1024xf32, #tpu.memory_space<vmem>>, vector<16xf32>,
        %get3A_473 = arith.index_cast %scan3A_19 : i32 to index
        %get3A_474 = arith.constant 656 : index
        %get3A_475 = tpu.vector_load %arg8[%get3A_473, %get3A_474] {strides = array<i32>} : memref<16x1024xf32, #tpu.memory_space<vmem>>, vector<16xf32>,
        %add3A_476 = arith.addf %get3A_472, %get3A_475 : vector<16xf32>
        %swap3A_477 = arith.index_cast %scan3A_19 : i32 to index
        %swap3A_478 = arith.constant 656 : index
        %swap3A_479 = tpu.vector_load %arg7[%swap3A_477, %swap3A_478] {strides = array<i32>} : memref<16x1024xf32, #tpu.memory_space<vmem>>, vector<16xf32>,
        tpu.vector_store %arg7[%swap3A_477, %swap3A_478], %add3A_476 {strides = array<i32>} : memref<16x1024xf32, #tpu.memory_space<vmem>>, vector<16xf32>,
        %add3A_480 = arith.addf %add3A_469, %add3A_476 : vector<16xf32>
        %get3A_481 = arith.index_cast %scan3A_19 : i32 to index
        %get3A_482 = arith.constant 672 : index
        %get3A_483 = tpu.vector_load %arg7[%get3A_481, %get3A_482] {strides = array<i32>} : memref<16x1024xf32, #tpu.memory_space<vmem>>, vector<16xf32>,
        %get3A_484 = arith.index_cast %scan3A_19 : i32 to index
        %get3A_485 = arith.constant 672 : index
        %get3A_486 = tpu.vector_load %arg8[%get3A_484, %get3A_485] {strides = array<i32>} : memref<16x1024xf32, #tpu.memory_space<vmem>>, vector<16xf32>,
        %add3A_487 = arith.addf %get3A_483, %get3A_486 : vector<16xf32>
        %swap3A_488 = arith.index_cast %scan3A_19 : i32 to index
        %swap3A_489 = arith.constant 672 : index
        %swap3A_490 = tpu.vector_load %arg7[%swap3A_488, %swap3A_489] {strides = array<i32>} : memref<16x1024xf32, #tpu.memory_space<vmem>>, vector<16xf32>,
        tpu.vector_store %arg7[%swap3A_488, %swap3A_489], %add3A_487 {strides = array<i32>} : memref<16x1024xf32, #tpu.memory_space<vmem>>, vector<16xf32>,
        %add3A_491 = arith.addf %add3A_480, %add3A_487 : vector<16xf32>
        %get3A_492 = arith.index_cast %scan3A_19 : i32 to index
        %get3A_493 = arith.constant 688 : index
        %get3A_494 = tpu.vector_load %arg7[%get3A_492, %get3A_493] {strides = array<i32>} : memref<16x1024xf32, #tpu.memory_space<vmem>>, vector<16xf32>,
        %get3A_495 = arith.index_cast %scan3A_19 : i32 to index
        %get3A_496 = arith.constant 688 : index
        %get3A_497 = tpu.vector_load %arg8[%get3A_495, %get3A_496] {strides = array<i32>} : memref<16x1024xf32, #tpu.memory_space<vmem>>, vector<16xf32>,
        %add3A_498 = arith.addf %get3A_494, %get3A_497 : vector<16xf32>
        %swap3A_499 = arith.index_cast %scan3A_19 : i32 to index
        %swap3A_500 = arith.constant 688 : index
        %swap3A_501 = tpu.vector_load %arg7[%swap3A_499, %swap3A_500] {strides = array<i32>} : memref<16x1024xf32, #tpu.memory_space<vmem>>, vector<16xf32>,
        tpu.vector_store %arg7[%swap3A_499, %swap3A_500], %add3A_498 {strides = array<i32>} : memref<16x1024xf32, #tpu.memory_space<vmem>>, vector<16xf32>,
        %add3A_502 = arith.addf %add3A_491, %add3A_498 : vector<16xf32>
        %get3A_503 = arith.index_cast %scan3A_19 : i32 to index
        %get3A_504 = arith.constant 704 : index
        %get3A_505 = tpu.vector_load %arg7[%get3A_503, %get3A_504] {strides = array<i32>} : memref<16x1024xf32, #tpu.memory_space<vmem>>, vector<16xf32>,
        %get3A_506 = arith.index_cast %scan3A_19 : i32 to index
        %get3A_507 = arith.constant 704 : index
        %get3A_508 = tpu.vector_load %arg8[%get3A_506, %get3A_507] {strides = array<i32>} : memref<16x1024xf32, #tpu.memory_space<vmem>>, vector<16xf32>,
        %add3A_509 = arith.addf %get3A_505, %get3A_508 : vector<16xf32>
        %swap3A_510 = arith.index_cast %scan3A_19 : i32 to index
        %swap3A_511 = arith.constant 704 : index
        %swap3A_512 = tpu.vector_load %arg7[%swap3A_510, %swap3A_511] {strides = array<i32>} : memref<16x1024xf32, #tpu.memory_space<vmem>>, vector<16xf32>,
        tpu.vector_store %arg7[%swap3A_510, %swap3A_511], %add3A_509 {strides = array<i32>} : memref<16x1024xf32, #tpu.memory_space<vmem>>, vector<16xf32>,
        %add3A_513 = arith.addf %add3A_502, %add3A_509 : vector<16xf32>
        %get3A_514 = arith.index_cast %scan3A_19 : i32 to index
        %get3A_515 = arith.constant 720 : index
        %get3A_516 = tpu.vector_load %arg7[%get3A_514, %get3A_515] {strides = array<i32>} : memref<16x1024xf32, #tpu.memory_space<vmem>>, vector<16xf32>,
        %get3A_517 = arith.index_cast %scan3A_19 : i32 to index
        %get3A_518 = arith.constant 720 : index
        %get3A_519 = tpu.vector_load %arg8[%get3A_517, %get3A_518] {strides = array<i32>} : memref<16x1024xf32, #tpu.memory_space<vmem>>, vector<16xf32>,
        %add3A_520 = arith.addf %get3A_516, %get3A_519 : vector<16xf32>
        %swap3A_521 = arith.index_cast %scan3A_19 : i32 to index
        %swap3A_522 = arith.constant 720 : index
        %swap3A_523 = tpu.vector_load %arg7[%swap3A_521, %swap3A_522] {strides = array<i32>} : memref<16x1024xf32, #tpu.memory_space<vmem>>, vector<16xf32>,
        tpu.vector_store %arg7[%swap3A_521, %swap3A_522], %add3A_520 {strides = array<i32>} : memref<16x1024xf32, #tpu.memory_space<vmem>>, vector<16xf32>,
        %add3A_524 = arith.addf %add3A_513, %add3A_520 : vector<16xf32>
        %get3A_525 = arith.index_cast %scan3A_19 : i32 to index
        %get3A_526 = arith.constant 736 : index
        %get3A_527 = tpu.vector_load %arg7[%get3A_525, %get3A_526] {strides = array<i32>} : memref<16x1024xf32, #tpu.memory_space<vmem>>, vector<16xf32>,
        %get3A_528 = arith.index_cast %scan3A_19 : i32 to index
        %get3A_529 = arith.constant 736 : index
        %get3A_530 = tpu.vector_load %arg8[%get3A_528, %get3A_529] {strides = array<i32>} : memref<16x1024xf32, #tpu.memory_space<vmem>>, vector<16xf32>,
        %add3A_531 = arith.addf %get3A_527, %get3A_530 : vector<16xf32>
        %swap3A_532 = arith.index_cast %scan3A_19 : i32 to index
        %swap3A_533 = arith.constant 736 : index
        %swap3A_534 = tpu.vector_load %arg7[%swap3A_532, %swap3A_533] {strides = array<i32>} : memref<16x1024xf32, #tpu.memory_space<vmem>>, vector<16xf32>,
        tpu.vector_store %arg7[%swap3A_532, %swap3A_533], %add3A_531 {strides = array<i32>} : memref<16x1024xf32, #tpu.memory_space<vmem>>, vector<16xf32>,
        %add3A_535 = arith.addf %add3A_524, %add3A_531 : vector<16xf32>
        %get3A_536 = arith.index_cast %scan3A_19 : i32 to index
        %get3A_537 = arith.constant 752 : index
        %get3A_538 = tpu.vector_load %arg7[%get3A_536, %get3A_537] {strides = array<i32>} : memref<16x1024xf32, #tpu.memory_space<vmem>>, vector<16xf32>,
        %get3A_539 = arith.index_cast %scan3A_19 : i32 to index
        %get3A_540 = arith.constant 752 : index
        %get3A_541 = tpu.vector_load %arg8[%get3A_539, %get3A_540] {strides = array<i32>} : memref<16x1024xf32, #tpu.memory_space<vmem>>, vector<16xf32>,
        %add3A_542 = arith.addf %get3A_538, %get3A_541 : vector<16xf32>
        %swap3A_543 = arith.index_cast %scan3A_19 : i32 to index
        %swap3A_544 = arith.constant 752 : index
        %swap3A_545 = tpu.vector_load %arg7[%swap3A_543, %swap3A_544] {strides = array<i32>} : memref<16x1024xf32, #tpu.memory_space<vmem>>, vector<16xf32>,
        tpu.vector_store %arg7[%swap3A_543, %swap3A_544], %add3A_542 {strides = array<i32>} : memref<16x1024xf32, #tpu.memory_space<vmem>>, vector<16xf32>,
        %add3A_546 = arith.addf %add3A_535, %add3A_542 : vector<16xf32>
        %get3A_547 = arith.index_cast %scan3A_19 : i32 to index
        %get3A_548 = arith.constant 768 : index
        %get3A_549 = tpu.vector_load %arg7[%get3A_547, %get3A_548] {strides = array<i32>} : memref<16x1024xf32, #tpu.memory_space<vmem>>, vector<16xf32>,
        %get3A_550 = arith.index_cast %scan3A_19 : i32 to index
        %get3A_551 = arith.constant 768 : index
        %get3A_552 = tpu.vector_load %arg8[%get3A_550, %get3A_551] {strides = array<i32>} : memref<16x1024xf32, #tpu.memory_space<vmem>>, vector<16xf32>,
        %add3A_553 = arith.addf %get3A_549, %get3A_552 : vector<16xf32>
        %swap3A_554 = arith.index_cast %scan3A_19 : i32 to index
        %swap3A_555 = arith.constant 768 : index
        %swap3A_556 = tpu.vector_load %arg7[%swap3A_554, %swap3A_555] {strides = array<i32>} : memref<16x1024xf32, #tpu.memory_space<vmem>>, vector<16xf32>,
        tpu.vector_store %arg7[%swap3A_554, %swap3A_555], %add3A_553 {strides = array<i32>} : memref<16x1024xf32, #tpu.memory_space<vmem>>, vector<16xf32>,
        %add3A_557 = arith.addf %add3A_546, %add3A_553 : vector<16xf32>
        %get3A_558 = arith.index_cast %scan3A_19 : i32 to index
        %get3A_559 = arith.constant 784 : index
        %get3A_560 = tpu.vector_load %arg7[%get3A_558, %get3A_559] {strides = array<i32>} : memref<16x1024xf32, #tpu.memory_space<vmem>>, vector<16xf32>,
        %get3A_561 = arith.index_cast %scan3A_19 : i32 to index
        %get3A_562 = arith.constant 784 : index
        %get3A_563 = tpu.vector_load %arg8[%get3A_561, %get3A_562] {strides = array<i32>} : memref<16x1024xf32, #tpu.memory_space<vmem>>, vector<16xf32>,
        %add3A_564 = arith.addf %get3A_560, %get3A_563 : vector<16xf32>
        %swap3A_565 = arith.index_cast %scan3A_19 : i32 to index
        %swap3A_566 = arith.constant 784 : index
        %swap3A_567 = tpu.vector_load %arg7[%swap3A_565, %swap3A_566] {strides = array<i32>} : memref<16x1024xf32, #tpu.memory_space<vmem>>, vector<16xf32>,
        tpu.vector_store %arg7[%swap3A_565, %swap3A_566], %add3A_564 {strides = array<i32>} : memref<16x1024xf32, #tpu.memory_space<vmem>>, vector<16xf32>,
        %add3A_568 = arith.addf %add3A_557, %add3A_564 : vector<16xf32>
        %get3A_569 = arith.index_cast %scan3A_19 : i32 to index
        %get3A_570 = arith.constant 800 : index
        %get3A_571 = tpu.vector_load %arg7[%get3A_569, %get3A_570] {strides = array<i32>} : memref<16x1024xf32, #tpu.memory_space<vmem>>, vector<16xf32>,
        %get3A_572 = arith.index_cast %scan3A_19 : i32 to index
        %get3A_573 = arith.constant 800 : index
        %get3A_574 = tpu.vector_load %arg8[%get3A_572, %get3A_573] {strides = array<i32>} : memref<16x1024xf32, #tpu.memory_space<vmem>>, vector<16xf32>,
        %add3A_575 = arith.addf %get3A_571, %get3A_574 : vector<16xf32>
        %swap3A_576 = arith.index_cast %scan3A_19 : i32 to index
        %swap3A_577 = arith.constant 800 : index
        %swap3A_578 = tpu.vector_load %arg7[%swap3A_576, %swap3A_577] {strides = array<i32>} : memref<16x1024xf32, #tpu.memory_space<vmem>>, vector<16xf32>,
        tpu.vector_store %arg7[%swap3A_576, %swap3A_577], %add3A_575 {strides = array<i32>} : memref<16x1024xf32, #tpu.memory_space<vmem>>, vector<16xf32>,
        %add3A_579 = arith.addf %add3A_568, %add3A_575 : vector<16xf32>
        %get3A_580 = arith.index_cast %scan3A_19 : i32 to index
        %get3A_581 = arith.constant 816 : index
        %get3A_582 = tpu.vector_load %arg7[%get3A_580, %get3A_581] {strides = array<i32>} : memref<16x1024xf32, #tpu.memory_space<vmem>>, vector<16xf32>,
        %get3A_583 = arith.index_cast %scan3A_19 : i32 to index
        %get3A_584 = arith.constant 816 : index
        %get3A_585 = tpu.vector_load %arg8[%get3A_583, %get3A_584] {strides = array<i32>} : memref<16x1024xf32, #tpu.memory_space<vmem>>, vector<16xf32>,
        %add3A_586 = arith.addf %get3A_582, %get3A_585 : vector<16xf32>
        %swap3A_587 = arith.index_cast %scan3A_19 : i32 to index
        %swap3A_588 = arith.constant 816 : index
        %swap3A_589 = tpu.vector_load %arg7[%swap3A_587, %swap3A_588] {strides = array<i32>} : memref<16x1024xf32, #tpu.memory_space<vmem>>, vector<16xf32>,
        tpu.vector_store %arg7[%swap3A_587, %swap3A_588], %add3A_586 {strides = array<i32>} : memref<16x1024xf32, #tpu.memory_space<vmem>>, vector<16xf32>,
        %add3A_590 = arith.addf %add3A_579, %add3A_586 : vector<16xf32>
        %get3A_591 = arith.index_cast %scan3A_19 : i32 to index
        %get3A_592 = arith.constant 832 : index
        %get3A_593 = tpu.vector_load %arg7[%get3A_591, %get3A_592] {strides = array<i32>} : memref<16x1024xf32, #tpu.memory_space<vmem>>, vector<16xf32>,
        %get3A_594 = arith.index_cast %scan3A_19 : i32 to index
        %get3A_595 = arith.constant 832 : index
        %get3A_596 = tpu.vector_load %arg8[%get3A_594, %get3A_595] {strides = array<i32>} : memref<16x1024xf32, #tpu.memory_space<vmem>>, vector<16xf32>,
        %add3A_597 = arith.addf %get3A_593, %get3A_596 : vector<16xf32>
        %swap3A_598 = arith.index_cast %scan3A_19 : i32 to index
        %swap3A_599 = arith.constant 832 : index
        %swap3A_600 = tpu.vector_load %arg7[%swap3A_598, %swap3A_599] {strides = array<i32>} : memref<16x1024xf32, #tpu.memory_space<vmem>>, vector<16xf32>,
        tpu.vector_store %arg7[%swap3A_598, %swap3A_599], %add3A_597 {strides = array<i32>} : memref<16x1024xf32, #tpu.memory_space<vmem>>, vector<16xf32>,
        %add3A_601 = arith.addf %add3A_590, %add3A_597 : vector<16xf32>
        %get3A_602 = arith.index_cast %scan3A_19 : i32 to index
        %get3A_603 = arith.constant 848 : index
        %get3A_604 = tpu.vector_load %arg7[%get3A_602, %get3A_603] {strides = array<i32>} : memref<16x1024xf32, #tpu.memory_space<vmem>>, vector<16xf32>,
        %get3A_605 = arith.index_cast %scan3A_19 : i32 to index
        %get3A_606 = arith.constant 848 : index
        %get3A_607 = tpu.vector_load %arg8[%get3A_605, %get3A_606] {strides = array<i32>} : memref<16x1024xf32, #tpu.memory_space<vmem>>, vector<16xf32>,
        %add3A_608 = arith.addf %get3A_604, %get3A_607 : vector<16xf32>
        %swap3A_609 = arith.index_cast %scan3A_19 : i32 to index
        %swap3A_610 = arith.constant 848 : index
        %swap3A_611 = tpu.vector_load %arg7[%swap3A_609, %swap3A_610] {strides = array<i32>} : memref<16x1024xf32, #tpu.memory_space<vmem>>, vector<16xf32>,
        tpu.vector_store %arg7[%swap3A_609, %swap3A_610], %add3A_608 {strides = array<i32>} : memref<16x1024xf32, #tpu.memory_space<vmem>>, vector<16xf32>,
        %add3A_612 = arith.addf %add3A_601, %add3A_608 : vector<16xf32>
        %get3A_613 = arith.index_cast %scan3A_19 : i32 to index
        %get3A_614 = arith.constant 864 : index
        %get3A_615 = tpu.vector_load %arg7[%get3A_613, %get3A_614] {strides = array<i32>} : memref<16x1024xf32, #tpu.memory_space<vmem>>, vector<16xf32>,
        %get3A_616 = arith.index_cast %scan3A_19 : i32 to index
        %get3A_617 = arith.constant 864 : index
        %get3A_618 = tpu.vector_load %arg8[%get3A_616, %get3A_617] {strides = array<i32>} : memref<16x1024xf32, #tpu.memory_space<vmem>>, vector<16xf32>,
        %add3A_619 = arith.addf %get3A_615, %get3A_618 : vector<16xf32>
        %swap3A_620 = arith.index_cast %scan3A_19 : i32 to index
        %swap3A_621 = arith.constant 864 : index
        %swap3A_622 = tpu.vector_load %arg7[%swap3A_620, %swap3A_621] {strides = array<i32>} : memref<16x1024xf32, #tpu.memory_space<vmem>>, vector<16xf32>,
        tpu.vector_store %arg7[%swap3A_620, %swap3A_621], %add3A_619 {strides = array<i32>} : memref<16x1024xf32, #tpu.memory_space<vmem>>, vector<16xf32>,
        %add3A_623 = arith.addf %add3A_612, %add3A_619 : vector<16xf32>
        %get3A_624 = arith.index_cast %scan3A_19 : i32 to index
        %get3A_625 = arith.constant 880 : index
        %get3A_626 = tpu.vector_load %arg7[%get3A_624, %get3A_625] {strides = array<i32>} : memref<16x1024xf32, #tpu.memory_space<vmem>>, vector<16xf32>,
        %get3A_627 = arith.index_cast %scan3A_19 : i32 to index
        %get3A_628 = arith.constant 880 : index
        %get3A_629 = tpu.vector_load %arg8[%get3A_627, %get3A_628] {strides = array<i32>} : memref<16x1024xf32, #tpu.memory_space<vmem>>, vector<16xf32>,
        %add3A_630 = arith.addf %get3A_626, %get3A_629 : vector<16xf32>
        %swap3A_631 = arith.index_cast %scan3A_19 : i32 to index
        %swap3A_632 = arith.constant 880 : index
        %swap3A_633 = tpu.vector_load %arg7[%swap3A_631, %swap3A_632] {strides = array<i32>} : memref<16x1024xf32, #tpu.memory_space<vmem>>, vector<16xf32>,
        tpu.vector_store %arg7[%swap3A_631, %swap3A_632], %add3A_630 {strides = array<i32>} : memref<16x1024xf32, #tpu.memory_space<vmem>>, vector<16xf32>,
        %add3A_634 = arith.addf %add3A_623, %add3A_630 : vector<16xf32>
        %get3A_635 = arith.index_cast %scan3A_19 : i32 to index
        %get3A_636 = arith.constant 896 : index
        %get3A_637 = tpu.vector_load %arg7[%get3A_635, %get3A_636] {strides = array<i32>} : memref<16x1024xf32, #tpu.memory_space<vmem>>, vector<16xf32>,
        %get3A_638 = arith.index_cast %scan3A_19 : i32 to index
        %get3A_639 = arith.constant 896 : index
        %get3A_640 = tpu.vector_load %arg8[%get3A_638, %get3A_639] {strides = array<i32>} : memref<16x1024xf32, #tpu.memory_space<vmem>>, vector<16xf32>,
        %add3A_641 = arith.addf %get3A_637, %get3A_640 : vector<16xf32>
        %swap3A_642 = arith.index_cast %scan3A_19 : i32 to index
        %swap3A_643 = arith.constant 896 : index
        %swap3A_644 = tpu.vector_load %arg7[%swap3A_642, %swap3A_643] {strides = array<i32>} : memref<16x1024xf32, #tpu.memory_space<vmem>>, vector<16xf32>,
        tpu.vector_store %arg7[%swap3A_642, %swap3A_643], %add3A_641 {strides = array<i32>} : memref<16x1024xf32, #tpu.memory_space<vmem>>, vector<16xf32>,
        %add3A_645 = arith.addf %add3A_634, %add3A_641 : vector<16xf32>
        %get3A_646 = arith.index_cast %scan3A_19 : i32 to index
        %get3A_647 = arith.constant 912 : index
        %get3A_648 = tpu.vector_load %arg7[%get3A_646, %get3A_647] {strides = array<i32>} : memref<16x1024xf32, #tpu.memory_space<vmem>>, vector<16xf32>,
        %get3A_649 = arith.index_cast %scan3A_19 : i32 to index
        %get3A_650 = arith.constant 912 : index
        %get3A_651 = tpu.vector_load %arg8[%get3A_649, %get3A_650] {strides = array<i32>} : memref<16x1024xf32, #tpu.memory_space<vmem>>, vector<16xf32>,
        %add3A_652 = arith.addf %get3A_648, %get3A_651 : vector<16xf32>
        %swap3A_653 = arith.index_cast %scan3A_19 : i32 to index
        %swap3A_654 = arith.constant 912 : index
        %swap3A_655 = tpu.vector_load %arg7[%swap3A_653, %swap3A_654] {strides = array<i32>} : memref<16x1024xf32, #tpu.memory_space<vmem>>, vector<16xf32>,
        tpu.vector_store %arg7[%swap3A_653, %swap3A_654], %add3A_652 {strides = array<i32>} : memref<16x1024xf32, #tpu.memory_space<vmem>>, vector<16xf32>,
        %add3A_656 = arith.addf %add3A_645, %add3A_652 : vector<16xf32>
        %get3A_657 = arith.index_cast %scan3A_19 : i32 to index
        %get3A_658 = arith.constant 928 : index
        %get3A_659 = tpu.vector_load %arg7[%get3A_657, %get3A_658] {strides = array<i32>} : memref<16x1024xf32, #tpu.memory_space<vmem>>, vector<16xf32>,
        %get3A_660 = arith.index_cast %scan3A_19 : i32 to index
        %get3A_661 = arith.constant 928 : index
        %get3A_662 = tpu.vector_load %arg8[%get3A_660, %get3A_661] {strides = array<i32>} : memref<16x1024xf32, #tpu.memory_space<vmem>>, vector<16xf32>,
        %add3A_663 = arith.addf %get3A_659, %get3A_662 : vector<16xf32>
        %swap3A_664 = arith.index_cast %scan3A_19 : i32 to index
        %swap3A_665 = arith.constant 928 : index
        %swap3A_666 = tpu.vector_load %arg7[%swap3A_664, %swap3A_665] {strides = array<i32>} : memref<16x1024xf32, #tpu.memory_space<vmem>>, vector<16xf32>,
        tpu.vector_store %arg7[%swap3A_664, %swap3A_665], %add3A_663 {strides = array<i32>} : memref<16x1024xf32, #tpu.memory_space<vmem>>, vector<16xf32>,
        %add3A_667 = arith.addf %add3A_656, %add3A_663 : vector<16xf32>
        %get3A_668 = arith.index_cast %scan3A_19 : i32 to index
        %get3A_669 = arith.constant 944 : index
        %get3A_670 = tpu.vector_load %arg7[%get3A_668, %get3A_669] {strides = array<i32>} : memref<16x1024xf32, #tpu.memory_space<vmem>>, vector<16xf32>,
        %get3A_671 = arith.index_cast %scan3A_19 : i32 to index
        %get3A_672 = arith.constant 944 : index
        %get3A_673 = tpu.vector_load %arg8[%get3A_671, %get3A_672] {strides = array<i32>} : memref<16x1024xf32, #tpu.memory_space<vmem>>, vector<16xf32>,
        %add3A_674 = arith.addf %get3A_670, %get3A_673 : vector<16xf32>
        %swap3A_675 = arith.index_cast %scan3A_19 : i32 to index
        %swap3A_676 = arith.constant 944 : index
        %swap3A_677 = tpu.vector_load %arg7[%swap3A_675, %swap3A_676] {strides = array<i32>} : memref<16x1024xf32, #tpu.memory_space<vmem>>, vector<16xf32>,
        tpu.vector_store %arg7[%swap3A_675, %swap3A_676], %add3A_674 {strides = array<i32>} : memref<16x1024xf32, #tpu.memory_space<vmem>>, vector<16xf32>,
        %add3A_678 = arith.addf %add3A_667, %add3A_674 : vector<16xf32>
        %get3A_679 = arith.index_cast %scan3A_19 : i32 to index
        %get3A_680 = arith.constant 960 : index
        %get3A_681 = tpu.vector_load %arg7[%get3A_679, %get3A_680] {strides = array<i32>} : memref<16x1024xf32, #tpu.memory_space<vmem>>, vector<16xf32>,
        %get3A_682 = arith.index_cast %scan3A_19 : i32 to index
        %get3A_683 = arith.constant 960 : index
        %get3A_684 = tpu.vector_load %arg8[%get3A_682, %get3A_683] {strides = array<i32>} : memref<16x1024xf32, #tpu.memory_space<vmem>>, vector<16xf32>,
        %add3A_685 = arith.addf %get3A_681, %get3A_684 : vector<16xf32>
        %swap3A_686 = arith.index_cast %scan3A_19 : i32 to index
        %swap3A_687 = arith.constant 960 : index
        %swap3A_688 = tpu.vector_load %arg7[%swap3A_686, %swap3A_687] {strides = array<i32>} : memref<16x1024xf32, #tpu.memory_space<vmem>>, vector<16xf32>,
        tpu.vector_store %arg7[%swap3A_686, %swap3A_687], %add3A_685 {strides = array<i32>} : memref<16x1024xf32, #tpu.memory_space<vmem>>, vector<16xf32>,
        %add3A_689 = arith.addf %add3A_678, %add3A_685 : vector<16xf32>
        %get3A_690 = arith.index_cast %scan3A_19 : i32 to index
        %get3A_691 = arith.constant 976 : index
        %get3A_692 = tpu.vector_load %arg7[%get3A_690, %get3A_691] {strides = array<i32>} : memref<16x1024xf32, #tpu.memory_space<vmem>>, vector<16xf32>,
        %get3A_693 = arith.index_cast %scan3A_19 : i32 to index
        %get3A_694 = arith.constant 976 : index
        %get3A_695 = tpu.vector_load %arg8[%get3A_693, %get3A_694] {strides = array<i32>} : memref<16x1024xf32, #tpu.memory_space<vmem>>, vector<16xf32>,
        %add3A_696 = arith.addf %get3A_692, %get3A_695 : vector<16xf32>
        %swap3A_697 = arith.index_cast %scan3A_19 : i32 to index
        %swap3A_698 = arith.constant 976 : index
        %swap3A_699 = tpu.vector_load %arg7[%swap3A_697, %swap3A_698] {strides = array<i32>} : memref<16x1024xf32, #tpu.memory_space<vmem>>, vector<16xf32>,
        tpu.vector_store %arg7[%swap3A_697, %swap3A_698], %add3A_696 {strides = array<i32>} : memref<16x1024xf32, #tpu.memory_space<vmem>>, vector<16xf32>,
        %add3A_700 = arith.addf %add3A_689, %add3A_696 : vector<16xf32>
        %get3A_701 = arith.index_cast %scan3A_19 : i32 to index
        %get3A_702 = arith.constant 992 : index
        %get3A_703 = tpu.vector_load %arg7[%get3A_701, %get3A_702] {strides = array<i32>} : memref<16x1024xf32, #tpu.memory_space<vmem>>, vector<16xf32>,
        %get3A_704 = arith.index_cast %scan3A_19 : i32 to index
        %get3A_705 = arith.constant 992 : index
        %get3A_706 = tpu.vector_load %arg8[%get3A_704, %get3A_705] {strides = array<i32>} : memref<16x1024xf32, #tpu.memory_space<vmem>>, vector<16xf32>,
        %add3A_707 = arith.addf %get3A_703, %get3A_706 : vector<16xf32>
        %swap3A_708 = arith.index_cast %scan3A_19 : i32 to index
        %swap3A_709 = arith.constant 992 : index
        %swap3A_710 = tpu.vector_load %arg7[%swap3A_708, %swap3A_709] {strides = array<i32>} : memref<16x1024xf32, #tpu.memory_space<vmem>>, vector<16xf32>,
        tpu.vector_store %arg7[%swap3A_708, %swap3A_709], %add3A_707 {strides = array<i32>} : memref<16x1024xf32, #tpu.memory_space<vmem>>, vector<16xf32>,
        %add3A_711 = arith.addf %add3A_700, %add3A_707 : vector<16xf32>
        %get3A_712 = arith.index_cast %scan3A_19 : i32 to index
        %get3A_713 = arith.constant 1008 : index
        %get3A_714 = tpu.vector_load %arg7[%get3A_712, %get3A_713] {strides = array<i32>} : memref<16x1024xf32, #tpu.memory_space<vmem>>, vector<16xf32>,
        %get3A_715 = arith.index_cast %scan3A_19 : i32 to index
        %get3A_716 = arith.constant 1008 : index
        %get3A_717 = tpu.vector_load %arg8[%get3A_715, %get3A_716] {strides = array<i32>} : memref<16x1024xf32, #tpu.memory_space<vmem>>, vector<16xf32>,
        %add3A_718 = arith.addf %get3A_714, %get3A_717 : vector<16xf32>
        %swap3A_719 = arith.index_cast %scan3A_19 : i32 to index
        %swap3A_720 = arith.constant 1008 : index
        %swap3A_721 = tpu.vector_load %arg7[%swap3A_719, %swap3A_720] {strides = array<i32>} : memref<16x1024xf32, #tpu.memory_space<vmem>>, vector<16xf32>,
        tpu.vector_store %arg7[%swap3A_719, %swap3A_720], %add3A_718 {strides = array<i32>} : memref<16x1024xf32, #tpu.memory_space<vmem>>, vector<16xf32>,
        %add3A_722 = arith.addf %add3A_711, %add3A_718 : vector<16xf32>
        %reduce_sum3A = arith.constant true
        %reduce_sum3A_723 = vector.broadcast %reduce_sum3A : i1 to vector<16xi1>
        %reduce_sum3A_724 = tpu.scan <sum>, %add3A_722 masked %reduce_sum3A_723 : vector<16xf32>, vector<16xi1> -> vector<16xf32>
        %reduce_sum3A_725 = vector.extract %reduce_sum3A_724[15] : f32 from vector<16xf32>
        %mul3A_726 = arith.constant 9.765625E-4 : f32
        %mul3A_727 = arith.mulf %reduce_sum3A_725, %mul3A_726 : f32
        %broadcast_in_dim3A_728 = arith.constant 0.000000e+00 : f32
        %broadcast_in_dim3A_729 = vector.broadcast %broadcast_in_dim3A_728 : f32 to vector<16xf32>
        %get3A_730 = arith.index_cast %scan3A_19 : i32 to index
        %get3A_731 = arith.constant 0 : index
        %get3A_732 = tpu.vector_load %arg7[%get3A_730, %get3A_731] {strides = array<i32>} : memref<16x1024xf32, #tpu.memory_space<vmem>>, vector<16xf32>,
        %sub3A = vector.broadcast %mul3A_727 : f32 to vector<16xf32>
        %sub3A_733 = arith.subf %get3A_732, %sub3A : vector<16xf32>
        %mul3A_734 = arith.mulf %sub3A_733, %sub3A_733 : vector<16xf32>
        %add3A_735 = arith.addf %broadcast_in_dim3A_729, %mul3A_734 : vector<16xf32>
        %get3A_736 = arith.index_cast %scan3A_19 : i32 to index
        %get3A_737 = arith.constant 16 : index
        %get3A_738 = tpu.vector_load %arg7[%get3A_736, %get3A_737] {strides = array<i32>} : memref<16x1024xf32, #tpu.memory_space<vmem>>, vector<16xf32>,
        %sub3A_739 = vector.broadcast %mul3A_727 : f32 to vector<16xf32>
        %sub3A_740 = arith.subf %get3A_738, %sub3A_739 : vector<16xf32>
        %mul3A_741 = arith.mulf %sub3A_740, %sub3A_740 : vector<16xf32>
        %add3A_742 = arith.addf %add3A_735, %mul3A_741 : vector<16xf32>
        %get3A_743 = arith.index_cast %scan3A_19 : i32 to index
        %get3A_744 = arith.constant 32 : index
        %get3A_745 = tpu.vector_load %arg7[%get3A_743, %get3A_744] {strides = array<i32>} : memref<16x1024xf32, #tpu.memory_space<vmem>>, vector<16xf32>,
        %sub3A_746 = vector.broadcast %mul3A_727 : f32 to vector<16xf32>
        %sub3A_747 = arith.subf %get3A_745, %sub3A_746 : vector<16xf32>
        %mul3A_748 = arith.mulf %sub3A_747, %sub3A_747 : vector<16xf32>
        %add3A_749 = arith.addf %add3A_742, %mul3A_748 : vector<16xf32>
        %get3A_750 = arith.index_cast %scan3A_19 : i32 to index
        %get3A_751 = arith.constant 48 : index
        %get3A_752 = tpu.vector_load %arg7[%get3A_750, %get3A_751] {strides = array<i32>} : memref<16x1024xf32, #tpu.memory_space<vmem>>, vector<16xf32>,
        %sub3A_753 = vector.broadcast %mul3A_727 : f32 to vector<16xf32>
        %sub3A_754 = arith.subf %get3A_752, %sub3A_753 : vector<16xf32>
        %mul3A_755 = arith.mulf %sub3A_754, %sub3A_754 : vector<16xf32>
        %add3A_756 = arith.addf %add3A_749, %mul3A_755 : vector<16xf32>
        %get3A_757 = arith.index_cast %scan3A_19 : i32 to index
        %get3A_758 = arith.constant 64 : index
        %get3A_759 = tpu.vector_load %arg7[%get3A_757, %get3A_758] {strides = array<i32>} : memref<16x1024xf32, #tpu.memory_space<vmem>>, vector<16xf32>,
        %sub3A_760 = vector.broadcast %mul3A_727 : f32 to vector<16xf32>
        %sub3A_761 = arith.subf %get3A_759, %sub3A_760 : vector<16xf32>
        %mul3A_762 = arith.mulf %sub3A_761, %sub3A_761 : vector<16xf32>
        %add3A_763 = arith.addf %add3A_756, %mul3A_762 : vector<16xf32>
        %get3A_764 = arith.index_cast %scan3A_19 : i32 to index
        %get3A_765 = arith.constant 80 : index
        %get3A_766 = tpu.vector_load %arg7[%get3A_764, %get3A_765] {strides = array<i32>} : memref<16x1024xf32, #tpu.memory_space<vmem>>, vector<16xf32>,
        %sub3A_767 = vector.broadcast %mul3A_727 : f32 to vector<16xf32>
        %sub3A_768 = arith.subf %get3A_766, %sub3A_767 : vector<16xf32>
        %mul3A_769 = arith.mulf %sub3A_768, %sub3A_768 : vector<16xf32>
        %add3A_770 = arith.addf %add3A_763, %mul3A_769 : vector<16xf32>
        %get3A_771 = arith.index_cast %scan3A_19 : i32 to index
        %get3A_772 = arith.constant 96 : index
        %get3A_773 = tpu.vector_load %arg7[%get3A_771, %get3A_772] {strides = array<i32>} : memref<16x1024xf32, #tpu.memory_space<vmem>>, vector<16xf32>,
        %sub3A_774 = vector.broadcast %mul3A_727 : f32 to vector<16xf32>
        %sub3A_775 = arith.subf %get3A_773, %sub3A_774 : vector<16xf32>
        %mul3A_776 = arith.mulf %sub3A_775, %sub3A_775 : vector<16xf32>
        %add3A_777 = arith.addf %add3A_770, %mul3A_776 : vector<16xf32>
        %get3A_778 = arith.index_cast %scan3A_19 : i32 to index
        %get3A_779 = arith.constant 112 : index
        %get3A_780 = tpu.vector_load %arg7[%get3A_778, %get3A_779] {strides = array<i32>} : memref<16x1024xf32, #tpu.memory_space<vmem>>, vector<16xf32>,
        %sub3A_781 = vector.broadcast %mul3A_727 : f32 to vector<16xf32>
        %sub3A_782 = arith.subf %get3A_780, %sub3A_781 : vector<16xf32>
        %mul3A_783 = arith.mulf %sub3A_782, %sub3A_782 : vector<16xf32>
        %add3A_784 = arith.addf %add3A_777, %mul3A_783 : vector<16xf32>
        %get3A_785 = arith.index_cast %scan3A_19 : i32 to index
        %get3A_786 = arith.constant 128 : index
        %get3A_787 = tpu.vector_load %arg7[%get3A_785, %get3A_786] {strides = array<i32>} : memref<16x1024xf32, #tpu.memory_space<vmem>>, vector<16xf32>,
        %sub3A_788 = vector.broadcast %mul3A_727 : f32 to vector<16xf32>
        %sub3A_789 = arith.subf %get3A_787, %sub3A_788 : vector<16xf32>
        %mul3A_790 = arith.mulf %sub3A_789, %sub3A_789 : vector<16xf32>
        %add3A_791 = arith.addf %add3A_784, %mul3A_790 : vector<16xf32>
        %get3A_792 = arith.index_cast %scan3A_19 : i32 to index
        %get3A_793 = arith.constant 144 : index
        %get3A_794 = tpu.vector_load %arg7[%get3A_792, %get3A_793] {strides = array<i32>} : memref<16x1024xf32, #tpu.memory_space<vmem>>, vector<16xf32>,
        %sub3A_795 = vector.broadcast %mul3A_727 : f32 to vector<16xf32>
        %sub3A_796 = arith.subf %get3A_794, %sub3A_795 : vector<16xf32>
        %mul3A_797 = arith.mulf %sub3A_796, %sub3A_796 : vector<16xf32>
        %add3A_798 = arith.addf %add3A_791, %mul3A_797 : vector<16xf32>
        %get3A_799 = arith.index_cast %scan3A_19 : i32 to index
        %get3A_800 = arith.constant 160 : index
        %get3A_801 = tpu.vector_load %arg7[%get3A_799, %get3A_800] {strides = array<i32>} : memref<16x1024xf32, #tpu.memory_space<vmem>>, vector<16xf32>,
        %sub3A_802 = vector.broadcast %mul3A_727 : f32 to vector<16xf32>
        %sub3A_803 = arith.subf %get3A_801, %sub3A_802 : vector<16xf32>
        %mul3A_804 = arith.mulf %sub3A_803, %sub3A_803 : vector<16xf32>
        %add3A_805 = arith.addf %add3A_798, %mul3A_804 : vector<16xf32>
        %get3A_806 = arith.index_cast %scan3A_19 : i32 to index
        %get3A_807 = arith.constant 176 : index
        %get3A_808 = tpu.vector_load %arg7[%get3A_806, %get3A_807] {strides = array<i32>} : memref<16x1024xf32, #tpu.memory_space<vmem>>, vector<16xf32>,
        %sub3A_809 = vector.broadcast %mul3A_727 : f32 to vector<16xf32>
        %sub3A_810 = arith.subf %get3A_808, %sub3A_809 : vector<16xf32>
        %mul3A_811 = arith.mulf %sub3A_810, %sub3A_810 : vector<16xf32>
        %add3A_812 = arith.addf %add3A_805, %mul3A_811 : vector<16xf32>
        %get3A_813 = arith.index_cast %scan3A_19 : i32 to index
        %get3A_814 = arith.constant 192 : index
        %get3A_815 = tpu.vector_load %arg7[%get3A_813, %get3A_814] {strides = array<i32>} : memref<16x1024xf32, #tpu.memory_space<vmem>>, vector<16xf32>,
        %sub3A_816 = vector.broadcast %mul3A_727 : f32 to vector<16xf32>
        %sub3A_817 = arith.subf %get3A_815, %sub3A_816 : vector<16xf32>
        %mul3A_818 = arith.mulf %sub3A_817, %sub3A_817 : vector<16xf32>
        %add3A_819 = arith.addf %add3A_812, %mul3A_818 : vector<16xf32>
        %get3A_820 = arith.index_cast %scan3A_19 : i32 to index
        %get3A_821 = arith.constant 208 : index
        %get3A_822 = tpu.vector_load %arg7[%get3A_820, %get3A_821] {strides = array<i32>} : memref<16x1024xf32, #tpu.memory_space<vmem>>, vector<16xf32>,
        %sub3A_823 = vector.broadcast %mul3A_727 : f32 to vector<16xf32>
        %sub3A_824 = arith.subf %get3A_822, %sub3A_823 : vector<16xf32>
        %mul3A_825 = arith.mulf %sub3A_824, %sub3A_824 : vector<16xf32>
        %add3A_826 = arith.addf %add3A_819, %mul3A_825 : vector<16xf32>
        %get3A_827 = arith.index_cast %scan3A_19 : i32 to index
        %get3A_828 = arith.constant 224 : index
        %get3A_829 = tpu.vector_load %arg7[%get3A_827, %get3A_828] {strides = array<i32>} : memref<16x1024xf32, #tpu.memory_space<vmem>>, vector<16xf32>,
        %sub3A_830 = vector.broadcast %mul3A_727 : f32 to vector<16xf32>
        %sub3A_831 = arith.subf %get3A_829, %sub3A_830 : vector<16xf32>
        %mul3A_832 = arith.mulf %sub3A_831, %sub3A_831 : vector<16xf32>
        %add3A_833 = arith.addf %add3A_826, %mul3A_832 : vector<16xf32>
        %get3A_834 = arith.index_cast %scan3A_19 : i32 to index
        %get3A_835 = arith.constant 240 : index
        %get3A_836 = tpu.vector_load %arg7[%get3A_834, %get3A_835] {strides = array<i32>} : memref<16x1024xf32, #tpu.memory_space<vmem>>, vector<16xf32>,
        %sub3A_837 = vector.broadcast %mul3A_727 : f32 to vector<16xf32>
        %sub3A_838 = arith.subf %get3A_836, %sub3A_837 : vector<16xf32>
        %mul3A_839 = arith.mulf %sub3A_838, %sub3A_838 : vector<16xf32>
        %add3A_840 = arith.addf %add3A_833, %mul3A_839 : vector<16xf32>
        %get3A_841 = arith.index_cast %scan3A_19 : i32 to index
        %get3A_842 = arith.constant 256 : index
        %get3A_843 = tpu.vector_load %arg7[%get3A_841, %get3A_842] {strides = array<i32>} : memref<16x1024xf32, #tpu.memory_space<vmem>>, vector<16xf32>,
        %sub3A_844 = vector.broadcast %mul3A_727 : f32 to vector<16xf32>
        %sub3A_845 = arith.subf %get3A_843, %sub3A_844 : vector<16xf32>
        %mul3A_846 = arith.mulf %sub3A_845, %sub3A_845 : vector<16xf32>
        %add3A_847 = arith.addf %add3A_840, %mul3A_846 : vector<16xf32>
        %get3A_848 = arith.index_cast %scan3A_19 : i32 to index
        %get3A_849 = arith.constant 272 : index
        %get3A_850 = tpu.vector_load %arg7[%get3A_848, %get3A_849] {strides = array<i32>} : memref<16x1024xf32, #tpu.memory_space<vmem>>, vector<16xf32>,
        %sub3A_851 = vector.broadcast %mul3A_727 : f32 to vector<16xf32>
        %sub3A_852 = arith.subf %get3A_850, %sub3A_851 : vector<16xf32>
        %mul3A_853 = arith.mulf %sub3A_852, %sub3A_852 : vector<16xf32>
        %add3A_854 = arith.addf %add3A_847, %mul3A_853 : vector<16xf32>
        %get3A_855 = arith.index_cast %scan3A_19 : i32 to index
        %get3A_856 = arith.constant 288 : index
        %get3A_857 = tpu.vector_load %arg7[%get3A_855, %get3A_856] {strides = array<i32>} : memref<16x1024xf32, #tpu.memory_space<vmem>>, vector<16xf32>,
        %sub3A_858 = vector.broadcast %mul3A_727 : f32 to vector<16xf32>
        %sub3A_859 = arith.subf %get3A_857, %sub3A_858 : vector<16xf32>
        %mul3A_860 = arith.mulf %sub3A_859, %sub3A_859 : vector<16xf32>
        %add3A_861 = arith.addf %add3A_854, %mul3A_860 : vector<16xf32>
        %get3A_862 = arith.index_cast %scan3A_19 : i32 to index
        %get3A_863 = arith.constant 304 : index
        %get3A_864 = tpu.vector_load %arg7[%get3A_862, %get3A_863] {strides = array<i32>} : memref<16x1024xf32, #tpu.memory_space<vmem>>, vector<16xf32>,
        %sub3A_865 = vector.broadcast %mul3A_727 : f32 to vector<16xf32>
        %sub3A_866 = arith.subf %get3A_864, %sub3A_865 : vector<16xf32>
        %mul3A_867 = arith.mulf %sub3A_866, %sub3A_866 : vector<16xf32>
        %add3A_868 = arith.addf %add3A_861, %mul3A_867 : vector<16xf32>
        %get3A_869 = arith.index_cast %scan3A_19 : i32 to index
        %get3A_870 = arith.constant 320 : index
        %get3A_871 = tpu.vector_load %arg7[%get3A_869, %get3A_870] {strides = array<i32>} : memref<16x1024xf32, #tpu.memory_space<vmem>>, vector<16xf32>,
        %sub3A_872 = vector.broadcast %mul3A_727 : f32 to vector<16xf32>
        %sub3A_873 = arith.subf %get3A_871, %sub3A_872 : vector<16xf32>
        %mul3A_874 = arith.mulf %sub3A_873, %sub3A_873 : vector<16xf32>
        %add3A_875 = arith.addf %add3A_868, %mul3A_874 : vector<16xf32>
        %get3A_876 = arith.index_cast %scan3A_19 : i32 to index
        %get3A_877 = arith.constant 336 : index
        %get3A_878 = tpu.vector_load %arg7[%get3A_876, %get3A_877] {strides = array<i32>} : memref<16x1024xf32, #tpu.memory_space<vmem>>, vector<16xf32>,
        %sub3A_879 = vector.broadcast %mul3A_727 : f32 to vector<16xf32>
        %sub3A_880 = arith.subf %get3A_878, %sub3A_879 : vector<16xf32>
        %mul3A_881 = arith.mulf %sub3A_880, %sub3A_880 : vector<16xf32>
        %add3A_882 = arith.addf %add3A_875, %mul3A_881 : vector<16xf32>
        %get3A_883 = arith.index_cast %scan3A_19 : i32 to index
        %get3A_884 = arith.constant 352 : index
        %get3A_885 = tpu.vector_load %arg7[%get3A_883, %get3A_884] {strides = array<i32>} : memref<16x1024xf32, #tpu.memory_space<vmem>>, vector<16xf32>,
        %sub3A_886 = vector.broadcast %mul3A_727 : f32 to vector<16xf32>
        %sub3A_887 = arith.subf %get3A_885, %sub3A_886 : vector<16xf32>
        %mul3A_888 = arith.mulf %sub3A_887, %sub3A_887 : vector<16xf32>
        %add3A_889 = arith.addf %add3A_882, %mul3A_888 : vector<16xf32>
        %get3A_890 = arith.index_cast %scan3A_19 : i32 to index
        %get3A_891 = arith.constant 368 : index
        %get3A_892 = tpu.vector_load %arg7[%get3A_890, %get3A_891] {strides = array<i32>} : memref<16x1024xf32, #tpu.memory_space<vmem>>, vector<16xf32>,
        %sub3A_893 = vector.broadcast %mul3A_727 : f32 to vector<16xf32>
        %sub3A_894 = arith.subf %get3A_892, %sub3A_893 : vector<16xf32>
        %mul3A_895 = arith.mulf %sub3A_894, %sub3A_894 : vector<16xf32>
        %add3A_896 = arith.addf %add3A_889, %mul3A_895 : vector<16xf32>
        %get3A_897 = arith.index_cast %scan3A_19 : i32 to index
        %get3A_898 = arith.constant 384 : index
        %get3A_899 = tpu.vector_load %arg7[%get3A_897, %get3A_898] {strides = array<i32>} : memref<16x1024xf32, #tpu.memory_space<vmem>>, vector<16xf32>,
        %sub3A_900 = vector.broadcast %mul3A_727 : f32 to vector<16xf32>
        %sub3A_901 = arith.subf %get3A_899, %sub3A_900 : vector<16xf32>
        %mul3A_902 = arith.mulf %sub3A_901, %sub3A_901 : vector<16xf32>
        %add3A_903 = arith.addf %add3A_896, %mul3A_902 : vector<16xf32>
        %get3A_904 = arith.index_cast %scan3A_19 : i32 to index
        %get3A_905 = arith.constant 400 : index
        %get3A_906 = tpu.vector_load %arg7[%get3A_904, %get3A_905] {strides = array<i32>} : memref<16x1024xf32, #tpu.memory_space<vmem>>, vector<16xf32>,
        %sub3A_907 = vector.broadcast %mul3A_727 : f32 to vector<16xf32>
        %sub3A_908 = arith.subf %get3A_906, %sub3A_907 : vector<16xf32>
        %mul3A_909 = arith.mulf %sub3A_908, %sub3A_908 : vector<16xf32>
        %add3A_910 = arith.addf %add3A_903, %mul3A_909 : vector<16xf32>
        %get3A_911 = arith.index_cast %scan3A_19 : i32 to index
        %get3A_912 = arith.constant 416 : index
        %get3A_913 = tpu.vector_load %arg7[%get3A_911, %get3A_912] {strides = array<i32>} : memref<16x1024xf32, #tpu.memory_space<vmem>>, vector<16xf32>,
        %sub3A_914 = vector.broadcast %mul3A_727 : f32 to vector<16xf32>
        %sub3A_915 = arith.subf %get3A_913, %sub3A_914 : vector<16xf32>
        %mul3A_916 = arith.mulf %sub3A_915, %sub3A_915 : vector<16xf32>
        %add3A_917 = arith.addf %add3A_910, %mul3A_916 : vector<16xf32>
        %get3A_918 = arith.index_cast %scan3A_19 : i32 to index
        %get3A_919 = arith.constant 432 : index
        %get3A_920 = tpu.vector_load %arg7[%get3A_918, %get3A_919] {strides = array<i32>} : memref<16x1024xf32, #tpu.memory_space<vmem>>, vector<16xf32>,
        %sub3A_921 = vector.broadcast %mul3A_727 : f32 to vector<16xf32>
        %sub3A_922 = arith.subf %get3A_920, %sub3A_921 : vector<16xf32>
        %mul3A_923 = arith.mulf %sub3A_922, %sub3A_922 : vector<16xf32>
        %add3A_924 = arith.addf %add3A_917, %mul3A_923 : vector<16xf32>
        %get3A_925 = arith.index_cast %scan3A_19 : i32 to index
        %get3A_926 = arith.constant 448 : index
        %get3A_927 = tpu.vector_load %arg7[%get3A_925, %get3A_926] {strides = array<i32>} : memref<16x1024xf32, #tpu.memory_space<vmem>>, vector<16xf32>,
        %sub3A_928 = vector.broadcast %mul3A_727 : f32 to vector<16xf32>
        %sub3A_929 = arith.subf %get3A_927, %sub3A_928 : vector<16xf32>
        %mul3A_930 = arith.mulf %sub3A_929, %sub3A_929 : vector<16xf32>
        %add3A_931 = arith.addf %add3A_924, %mul3A_930 : vector<16xf32>
        %get3A_932 = arith.index_cast %scan3A_19 : i32 to index
        %get3A_933 = arith.constant 464 : index
        %get3A_934 = tpu.vector_load %arg7[%get3A_932, %get3A_933] {strides = array<i32>} : memref<16x1024xf32, #tpu.memory_space<vmem>>, vector<16xf32>,
        %sub3A_935 = vector.broadcast %mul3A_727 : f32 to vector<16xf32>
        %sub3A_936 = arith.subf %get3A_934, %sub3A_935 : vector<16xf32>
        %mul3A_937 = arith.mulf %sub3A_936, %sub3A_936 : vector<16xf32>
        %add3A_938 = arith.addf %add3A_931, %mul3A_937 : vector<16xf32>
        %get3A_939 = arith.index_cast %scan3A_19 : i32 to index
        %get3A_940 = arith.constant 480 : index
        %get3A_941 = tpu.vector_load %arg7[%get3A_939, %get3A_940] {strides = array<i32>} : memref<16x1024xf32, #tpu.memory_space<vmem>>, vector<16xf32>,
        %sub3A_942 = vector.broadcast %mul3A_727 : f32 to vector<16xf32>
        %sub3A_943 = arith.subf %get3A_941, %sub3A_942 : vector<16xf32>
        %mul3A_944 = arith.mulf %sub3A_943, %sub3A_943 : vector<16xf32>
        %add3A_945 = arith.addf %add3A_938, %mul3A_944 : vector<16xf32>
        %get3A_946 = arith.index_cast %scan3A_19 : i32 to index
        %get3A_947 = arith.constant 496 : index
        %get3A_948 = tpu.vector_load %arg7[%get3A_946, %get3A_947] {strides = array<i32>} : memref<16x1024xf32, #tpu.memory_space<vmem>>, vector<16xf32>,
        %sub3A_949 = vector.broadcast %mul3A_727 : f32 to vector<16xf32>
        %sub3A_950 = arith.subf %get3A_948, %sub3A_949 : vector<16xf32>
        %mul3A_951 = arith.mulf %sub3A_950, %sub3A_950 : vector<16xf32>
        %add3A_952 = arith.addf %add3A_945, %mul3A_951 : vector<16xf32>
        %get3A_953 = arith.index_cast %scan3A_19 : i32 to index
        %get3A_954 = arith.constant 512 : index
        %get3A_955 = tpu.vector_load %arg7[%get3A_953, %get3A_954] {strides = array<i32>} : memref<16x1024xf32, #tpu.memory_space<vmem>>, vector<16xf32>,
        %sub3A_956 = vector.broadcast %mul3A_727 : f32 to vector<16xf32>
        %sub3A_957 = arith.subf %get3A_955, %sub3A_956 : vector<16xf32>
        %mul3A_958 = arith.mulf %sub3A_957, %sub3A_957 : vector<16xf32>
        %add3A_959 = arith.addf %add3A_952, %mul3A_958 : vector<16xf32>
        %get3A_960 = arith.index_cast %scan3A_19 : i32 to index
        %get3A_961 = arith.constant 528 : index
        %get3A_962 = tpu.vector_load %arg7[%get3A_960, %get3A_961] {strides = array<i32>} : memref<16x1024xf32, #tpu.memory_space<vmem>>, vector<16xf32>,
        %sub3A_963 = vector.broadcast %mul3A_727 : f32 to vector<16xf32>
        %sub3A_964 = arith.subf %get3A_962, %sub3A_963 : vector<16xf32>
        %mul3A_965 = arith.mulf %sub3A_964, %sub3A_964 : vector<16xf32>
        %add3A_966 = arith.addf %add3A_959, %mul3A_965 : vector<16xf32>
        %get3A_967 = arith.index_cast %scan3A_19 : i32 to index
        %get3A_968 = arith.constant 544 : index
        %get3A_969 = tpu.vector_load %arg7[%get3A_967, %get3A_968] {strides = array<i32>} : memref<16x1024xf32, #tpu.memory_space<vmem>>, vector<16xf32>,
        %sub3A_970 = vector.broadcast %mul3A_727 : f32 to vector<16xf32>
        %sub3A_971 = arith.subf %get3A_969, %sub3A_970 : vector<16xf32>
        %mul3A_972 = arith.mulf %sub3A_971, %sub3A_971 : vector<16xf32>
        %add3A_973 = arith.addf %add3A_966, %mul3A_972 : vector<16xf32>
        %get3A_974 = arith.index_cast %scan3A_19 : i32 to index
        %get3A_975 = arith.constant 560 : index
        %get3A_976 = tpu.vector_load %arg7[%get3A_974, %get3A_975] {strides = array<i32>} : memref<16x1024xf32, #tpu.memory_space<vmem>>, vector<16xf32>,
        %sub3A_977 = vector.broadcast %mul3A_727 : f32 to vector<16xf32>
        %sub3A_978 = arith.subf %get3A_976, %sub3A_977 : vector<16xf32>
        %mul3A_979 = arith.mulf %sub3A_978, %sub3A_978 : vector<16xf32>
        %add3A_980 = arith.addf %add3A_973, %mul3A_979 : vector<16xf32>
        %get3A_981 = arith.index_cast %scan3A_19 : i32 to index
        %get3A_982 = arith.constant 576 : index
        %get3A_983 = tpu.vector_load %arg7[%get3A_981, %get3A_982] {strides = array<i32>} : memref<16x1024xf32, #tpu.memory_space<vmem>>, vector<16xf32>,
        %sub3A_984 = vector.broadcast %mul3A_727 : f32 to vector<16xf32>
        %sub3A_985 = arith.subf %get3A_983, %sub3A_984 : vector<16xf32>
        %mul3A_986 = arith.mulf %sub3A_985, %sub3A_985 : vector<16xf32>
        %add3A_987 = arith.addf %add3A_980, %mul3A_986 : vector<16xf32>
        %get3A_988 = arith.index_cast %scan3A_19 : i32 to index
        %get3A_989 = arith.constant 592 : index
        %get3A_990 = tpu.vector_load %arg7[%get3A_988, %get3A_989] {strides = array<i32>} : memref<16x1024xf32, #tpu.memory_space<vmem>>, vector<16xf32>,
        %sub3A_991 = vector.broadcast %mul3A_727 : f32 to vector<16xf32>
        %sub3A_992 = arith.subf %get3A_990, %sub3A_991 : vector<16xf32>
        %mul3A_993 = arith.mulf %sub3A_992, %sub3A_992 : vector<16xf32>
        %add3A_994 = arith.addf %add3A_987, %mul3A_993 : vector<16xf32>
        %get3A_995 = arith.index_cast %scan3A_19 : i32 to index
        %get3A_996 = arith.constant 608 : index
        %get3A_997 = tpu.vector_load %arg7[%get3A_995, %get3A_996] {strides = array<i32>} : memref<16x1024xf32, #tpu.memory_space<vmem>>, vector<16xf32>,
        %sub3A_998 = vector.broadcast %mul3A_727 : f32 to vector<16xf32>
        %sub3A_999 = arith.subf %get3A_997, %sub3A_998 : vector<16xf32>
        %mul3A_1000 = arith.mulf %sub3A_999, %sub3A_999 : vector<16xf32>
        %add3A_1001 = arith.addf %add3A_994, %mul3A_1000 : vector<16xf32>
        %get3A_1002 = arith.index_cast %scan3A_19 : i32 to index
        %get3A_1003 = arith.constant 624 : index
        %get3A_1004 = tpu.vector_load %arg7[%get3A_1002, %get3A_1003] {strides = array<i32>} : memref<16x1024xf32, #tpu.memory_space<vmem>>, vector<16xf32>,
        %sub3A_1005 = vector.broadcast %mul3A_727 : f32 to vector<16xf32>
        %sub3A_1006 = arith.subf %get3A_1004, %sub3A_1005 : vector<16xf32>
        %mul3A_1007 = arith.mulf %sub3A_1006, %sub3A_1006 : vector<16xf32>
        %add3A_1008 = arith.addf %add3A_1001, %mul3A_1007 : vector<16xf32>
        %get3A_1009 = arith.index_cast %scan3A_19 : i32 to index
        %get3A_1010 = arith.constant 640 : index
        %get3A_1011 = tpu.vector_load %arg7[%get3A_1009, %get3A_1010] {strides = array<i32>} : memref<16x1024xf32, #tpu.memory_space<vmem>>, vector<16xf32>,
        %sub3A_1012 = vector.broadcast %mul3A_727 : f32 to vector<16xf32>
        %sub3A_1013 = arith.subf %get3A_1011, %sub3A_1012 : vector<16xf32>
        %mul3A_1014 = arith.mulf %sub3A_1013, %sub3A_1013 : vector<16xf32>
        %add3A_1015 = arith.addf %add3A_1008, %mul3A_1014 : vector<16xf32>
        %get3A_1016 = arith.index_cast %scan3A_19 : i32 to index
        %get3A_1017 = arith.constant 656 : index
        %get3A_1018 = tpu.vector_load %arg7[%get3A_1016, %get3A_1017] {strides = array<i32>} : memref<16x1024xf32, #tpu.memory_space<vmem>>, vector<16xf32>,
        %sub3A_1019 = vector.broadcast %mul3A_727 : f32 to vector<16xf32>
        %sub3A_1020 = arith.subf %get3A_1018, %sub3A_1019 : vector<16xf32>
        %mul3A_1021 = arith.mulf %sub3A_1020, %sub3A_1020 : vector<16xf32>
        %add3A_1022 = arith.addf %add3A_1015, %mul3A_1021 : vector<16xf32>
        %get3A_1023 = arith.index_cast %scan3A_19 : i32 to index
        %get3A_1024 = arith.constant 672 : index
        %get3A_1025 = tpu.vector_load %arg7[%get3A_1023, %get3A_1024] {strides = array<i32>} : memref<16x1024xf32, #tpu.memory_space<vmem>>, vector<16xf32>,
        %sub3A_1026 = vector.broadcast %mul3A_727 : f32 to vector<16xf32>
        %sub3A_1027 = arith.subf %get3A_1025, %sub3A_1026 : vector<16xf32>
        %mul3A_1028 = arith.mulf %sub3A_1027, %sub3A_1027 : vector<16xf32>
        %add3A_1029 = arith.addf %add3A_1022, %mul3A_1028 : vector<16xf32>
        %get3A_1030 = arith.index_cast %scan3A_19 : i32 to index
        %get3A_1031 = arith.constant 688 : index
        %get3A_1032 = tpu.vector_load %arg7[%get3A_1030, %get3A_1031] {strides = array<i32>} : memref<16x1024xf32, #tpu.memory_space<vmem>>, vector<16xf32>,
        %sub3A_1033 = vector.broadcast %mul3A_727 : f32 to vector<16xf32>
        %sub3A_1034 = arith.subf %get3A_1032, %sub3A_1033 : vector<16xf32>
        %mul3A_1035 = arith.mulf %sub3A_1034, %sub3A_1034 : vector<16xf32>
        %add3A_1036 = arith.addf %add3A_1029, %mul3A_1035 : vector<16xf32>
        %get3A_1037 = arith.index_cast %scan3A_19 : i32 to index
        %get3A_1038 = arith.constant 704 : index
        %get3A_1039 = tpu.vector_load %arg7[%get3A_1037, %get3A_1038] {strides = array<i32>} : memref<16x1024xf32, #tpu.memory_space<vmem>>, vector<16xf32>,
        %sub3A_1040 = vector.broadcast %mul3A_727 : f32 to vector<16xf32>
        %sub3A_1041 = arith.subf %get3A_1039, %sub3A_1040 : vector<16xf32>
        %mul3A_1042 = arith.mulf %sub3A_1041, %sub3A_1041 : vector<16xf32>
        %add3A_1043 = arith.addf %add3A_1036, %mul3A_1042 : vector<16xf32>
        %get3A_1044 = arith.index_cast %scan3A_19 : i32 to index
        %get3A_1045 = arith.constant 720 : index
        %get3A_1046 = tpu.vector_load %arg7[%get3A_1044, %get3A_1045] {strides = array<i32>} : memref<16x1024xf32, #tpu.memory_space<vmem>>, vector<16xf32>,
        %sub3A_1047 = vector.broadcast %mul3A_727 : f32 to vector<16xf32>
        %sub3A_1048 = arith.subf %get3A_1046, %sub3A_1047 : vector<16xf32>
        %mul3A_1049 = arith.mulf %sub3A_1048, %sub3A_1048 : vector<16xf32>
        %add3A_1050 = arith.addf %add3A_1043, %mul3A_1049 : vector<16xf32>
        %get3A_1051 = arith.index_cast %scan3A_19 : i32 to index
        %get3A_1052 = arith.constant 736 : index
        %get3A_1053 = tpu.vector_load %arg7[%get3A_1051, %get3A_1052] {strides = array<i32>} : memref<16x1024xf32, #tpu.memory_space<vmem>>, vector<16xf32>,
        %sub3A_1054 = vector.broadcast %mul3A_727 : f32 to vector<16xf32>
        %sub3A_1055 = arith.subf %get3A_1053, %sub3A_1054 : vector<16xf32>
        %mul3A_1056 = arith.mulf %sub3A_1055, %sub3A_1055 : vector<16xf32>
        %add3A_1057 = arith.addf %add3A_1050, %mul3A_1056 : vector<16xf32>
        %get3A_1058 = arith.index_cast %scan3A_19 : i32 to index
        %get3A_1059 = arith.constant 752 : index
        %get3A_1060 = tpu.vector_load %arg7[%get3A_1058, %get3A_1059] {strides = array<i32>} : memref<16x1024xf32, #tpu.memory_space<vmem>>, vector<16xf32>,
        %sub3A_1061 = vector.broadcast %mul3A_727 : f32 to vector<16xf32>
        %sub3A_1062 = arith.subf %get3A_1060, %sub3A_1061 : vector<16xf32>
        %mul3A_1063 = arith.mulf %sub3A_1062, %sub3A_1062 : vector<16xf32>
        %add3A_1064 = arith.addf %add3A_1057, %mul3A_1063 : vector<16xf32>
        %get3A_1065 = arith.index_cast %scan3A_19 : i32 to index
        %get3A_1066 = arith.constant 768 : index
        %get3A_1067 = tpu.vector_load %arg7[%get3A_1065, %get3A_1066] {strides = array<i32>} : memref<16x1024xf32, #tpu.memory_space<vmem>>, vector<16xf32>,
        %sub3A_1068 = vector.broadcast %mul3A_727 : f32 to vector<16xf32>
        %sub3A_1069 = arith.subf %get3A_1067, %sub3A_1068 : vector<16xf32>
        %mul3A_1070 = arith.mulf %sub3A_1069, %sub3A_1069 : vector<16xf32>
        %add3A_1071 = arith.addf %add3A_1064, %mul3A_1070 : vector<16xf32>
        %get3A_1072 = arith.index_cast %scan3A_19 : i32 to index
        %get3A_1073 = arith.constant 784 : index
        %get3A_1074 = tpu.vector_load %arg7[%get3A_1072, %get3A_1073] {strides = array<i32>} : memref<16x1024xf32, #tpu.memory_space<vmem>>, vector<16xf32>,
        %sub3A_1075 = vector.broadcast %mul3A_727 : f32 to vector<16xf32>
        %sub3A_1076 = arith.subf %get3A_1074, %sub3A_1075 : vector<16xf32>
        %mul3A_1077 = arith.mulf %sub3A_1076, %sub3A_1076 : vector<16xf32>
        %add3A_1078 = arith.addf %add3A_1071, %mul3A_1077 : vector<16xf32>
        %get3A_1079 = arith.index_cast %scan3A_19 : i32 to index
        %get3A_1080 = arith.constant 800 : index
        %get3A_1081 = tpu.vector_load %arg7[%get3A_1079, %get3A_1080] {strides = array<i32>} : memref<16x1024xf32, #tpu.memory_space<vmem>>, vector<16xf32>,
        %sub3A_1082 = vector.broadcast %mul3A_727 : f32 to vector<16xf32>
        %sub3A_1083 = arith.subf %get3A_1081, %sub3A_1082 : vector<16xf32>
        %mul3A_1084 = arith.mulf %sub3A_1083, %sub3A_1083 : vector<16xf32>
        %add3A_1085 = arith.addf %add3A_1078, %mul3A_1084 : vector<16xf32>
        %get3A_1086 = arith.index_cast %scan3A_19 : i32 to index
        %get3A_1087 = arith.constant 816 : index
        %get3A_1088 = tpu.vector_load %arg7[%get3A_1086, %get3A_1087] {strides = array<i32>} : memref<16x1024xf32, #tpu.memory_space<vmem>>, vector<16xf32>,
        %sub3A_1089 = vector.broadcast %mul3A_727 : f32 to vector<16xf32>
        %sub3A_1090 = arith.subf %get3A_1088, %sub3A_1089 : vector<16xf32>
        %mul3A_1091 = arith.mulf %sub3A_1090, %sub3A_1090 : vector<16xf32>
        %add3A_1092 = arith.addf %add3A_1085, %mul3A_1091 : vector<16xf32>
        %get3A_1093 = arith.index_cast %scan3A_19 : i32 to index
        %get3A_1094 = arith.constant 832 : index
        %get3A_1095 = tpu.vector_load %arg7[%get3A_1093, %get3A_1094] {strides = array<i32>} : memref<16x1024xf32, #tpu.memory_space<vmem>>, vector<16xf32>,
        %sub3A_1096 = vector.broadcast %mul3A_727 : f32 to vector<16xf32>
        %sub3A_1097 = arith.subf %get3A_1095, %sub3A_1096 : vector<16xf32>
        %mul3A_1098 = arith.mulf %sub3A_1097, %sub3A_1097 : vector<16xf32>
        %add3A_1099 = arith.addf %add3A_1092, %mul3A_1098 : vector<16xf32>
        %get3A_1100 = arith.index_cast %scan3A_19 : i32 to index
        %get3A_1101 = arith.constant 848 : index
        %get3A_1102 = tpu.vector_load %arg7[%get3A_1100, %get3A_1101] {strides = array<i32>} : memref<16x1024xf32, #tpu.memory_space<vmem>>, vector<16xf32>,
        %sub3A_1103 = vector.broadcast %mul3A_727 : f32 to vector<16xf32>
        %sub3A_1104 = arith.subf %get3A_1102, %sub3A_1103 : vector<16xf32>
        %mul3A_1105 = arith.mulf %sub3A_1104, %sub3A_1104 : vector<16xf32>
        %add3A_1106 = arith.addf %add3A_1099, %mul3A_1105 : vector<16xf32>
        %get3A_1107 = arith.index_cast %scan3A_19 : i32 to index
        %get3A_1108 = arith.constant 864 : index
        %get3A_1109 = tpu.vector_load %arg7[%get3A_1107, %get3A_1108] {strides = array<i32>} : memref<16x1024xf32, #tpu.memory_space<vmem>>, vector<16xf32>,
        %sub3A_1110 = vector.broadcast %mul3A_727 : f32 to vector<16xf32>
        %sub3A_1111 = arith.subf %get3A_1109, %sub3A_1110 : vector<16xf32>
        %mul3A_1112 = arith.mulf %sub3A_1111, %sub3A_1111 : vector<16xf32>
        %add3A_1113 = arith.addf %add3A_1106, %mul3A_1112 : vector<16xf32>
        %get3A_1114 = arith.index_cast %scan3A_19 : i32 to index
        %get3A_1115 = arith.constant 880 : index
        %get3A_1116 = tpu.vector_load %arg7[%get3A_1114, %get3A_1115] {strides = array<i32>} : memref<16x1024xf32, #tpu.memory_space<vmem>>, vector<16xf32>,
        %sub3A_1117 = vector.broadcast %mul3A_727 : f32 to vector<16xf32>
        %sub3A_1118 = arith.subf %get3A_1116, %sub3A_1117 : vector<16xf32>
        %mul3A_1119 = arith.mulf %sub3A_1118, %sub3A_1118 : vector<16xf32>
        %add3A_1120 = arith.addf %add3A_1113, %mul3A_1119 : vector<16xf32>
        %get3A_1121 = arith.index_cast %scan3A_19 : i32 to index
        %get3A_1122 = arith.constant 896 : index
        %get3A_1123 = tpu.vector_load %arg7[%get3A_1121, %get3A_1122] {strides = array<i32>} : memref<16x1024xf32, #tpu.memory_space<vmem>>, vector<16xf32>,
        %sub3A_1124 = vector.broadcast %mul3A_727 : f32 to vector<16xf32>
        %sub3A_1125 = arith.subf %get3A_1123, %sub3A_1124 : vector<16xf32>
        %mul3A_1126 = arith.mulf %sub3A_1125, %sub3A_1125 : vector<16xf32>
        %add3A_1127 = arith.addf %add3A_1120, %mul3A_1126 : vector<16xf32>
        %get3A_1128 = arith.index_cast %scan3A_19 : i32 to index
        %get3A_1129 = arith.constant 912 : index
        %get3A_1130 = tpu.vector_load %arg7[%get3A_1128, %get3A_1129] {strides = array<i32>} : memref<16x1024xf32, #tpu.memory_space<vmem>>, vector<16xf32>,
        %sub3A_1131 = vector.broadcast %mul3A_727 : f32 to vector<16xf32>
        %sub3A_1132 = arith.subf %get3A_1130, %sub3A_1131 : vector<16xf32>
        %mul3A_1133 = arith.mulf %sub3A_1132, %sub3A_1132 : vector<16xf32>
        %add3A_1134 = arith.addf %add3A_1127, %mul3A_1133 : vector<16xf32>
        %get3A_1135 = arith.index_cast %scan3A_19 : i32 to index
        %get3A_1136 = arith.constant 928 : index
        %get3A_1137 = tpu.vector_load %arg7[%get3A_1135, %get3A_1136] {strides = array<i32>} : memref<16x1024xf32, #tpu.memory_space<vmem>>, vector<16xf32>,
        %sub3A_1138 = vector.broadcast %mul3A_727 : f32 to vector<16xf32>
        %sub3A_1139 = arith.subf %get3A_1137, %sub3A_1138 : vector<16xf32>
        %mul3A_1140 = arith.mulf %sub3A_1139, %sub3A_1139 : vector<16xf32>
        %add3A_1141 = arith.addf %add3A_1134, %mul3A_1140 : vector<16xf32>
        %get3A_1142 = arith.index_cast %scan3A_19 : i32 to index
        %get3A_1143 = arith.constant 944 : index
        %get3A_1144 = tpu.vector_load %arg7[%get3A_1142, %get3A_1143] {strides = array<i32>} : memref<16x1024xf32, #tpu.memory_space<vmem>>, vector<16xf32>,
        %sub3A_1145 = vector.broadcast %mul3A_727 : f32 to vector<16xf32>
        %sub3A_1146 = arith.subf %get3A_1144, %sub3A_1145 : vector<16xf32>
        %mul3A_1147 = arith.mulf %sub3A_1146, %sub3A_1146 : vector<16xf32>
        %add3A_1148 = arith.addf %add3A_1141, %mul3A_1147 : vector<16xf32>
        %get3A_1149 = arith.index_cast %scan3A_19 : i32 to index
        %get3A_1150 = arith.constant 960 : index
        %get3A_1151 = tpu.vector_load %arg7[%get3A_1149, %get3A_1150] {strides = array<i32>} : memref<16x1024xf32, #tpu.memory_space<vmem>>, vector<16xf32>,
        %sub3A_1152 = vector.broadcast %mul3A_727 : f32 to vector<16xf32>
        %sub3A_1153 = arith.subf %get3A_1151, %sub3A_1152 : vector<16xf32>
        %mul3A_1154 = arith.mulf %sub3A_1153, %sub3A_1153 : vector<16xf32>
        %add3A_1155 = arith.addf %add3A_1148, %mul3A_1154 : vector<16xf32>
        %get3A_1156 = arith.index_cast %scan3A_19 : i32 to index
        %get3A_1157 = arith.constant 976 : index
        %get3A_1158 = tpu.vector_load %arg7[%get3A_1156, %get3A_1157] {strides = array<i32>} : memref<16x1024xf32, #tpu.memory_space<vmem>>, vector<16xf32>,
        %sub3A_1159 = vector.broadcast %mul3A_727 : f32 to vector<16xf32>
        %sub3A_1160 = arith.subf %get3A_1158, %sub3A_1159 : vector<16xf32>
        %mul3A_1161 = arith.mulf %sub3A_1160, %sub3A_1160 : vector<16xf32>
        %add3A_1162 = arith.addf %add3A_1155, %mul3A_1161 : vector<16xf32>
        %get3A_1163 = arith.index_cast %scan3A_19 : i32 to index
        %get3A_1164 = arith.constant 992 : index
        %get3A_1165 = tpu.vector_load %arg7[%get3A_1163, %get3A_1164] {strides = array<i32>} : memref<16x1024xf32, #tpu.memory_space<vmem>>, vector<16xf32>,
        %sub3A_1166 = vector.broadcast %mul3A_727 : f32 to vector<16xf32>
        %sub3A_1167 = arith.subf %get3A_1165, %sub3A_1166 : vector<16xf32>
        %mul3A_1168 = arith.mulf %sub3A_1167, %sub3A_1167 : vector<16xf32>
        %add3A_1169 = arith.addf %add3A_1162, %mul3A_1168 : vector<16xf32>
        %get3A_1170 = arith.index_cast %scan3A_19 : i32 to index
        %get3A_1171 = arith.constant 1008 : index
        %get3A_1172 = tpu.vector_load %arg7[%get3A_1170, %get3A_1171] {strides = array<i32>} : memref<16x1024xf32, #tpu.memory_space<vmem>>, vector<16xf32>,
        %sub3A_1173 = vector.broadcast %mul3A_727 : f32 to vector<16xf32>
        %sub3A_1174 = arith.subf %get3A_1172, %sub3A_1173 : vector<16xf32>
        %mul3A_1175 = arith.mulf %sub3A_1174, %sub3A_1174 : vector<16xf32>
        %add3A_1176 = arith.addf %add3A_1169, %mul3A_1175 : vector<16xf32>
        %reduce_sum3A_1177 = arith.constant true
        %reduce_sum3A_1178 = vector.broadcast %reduce_sum3A_1177 : i1 to vector<16xi1>
        %reduce_sum3A_1179 = tpu.scan <sum>, %add3A_1176 masked %reduce_sum3A_1178 : vector<16xf32>, vector<16xi1> -> vector<16xf32>
        %reduce_sum3A_1180 = vector.extract %reduce_sum3A_1179[15] : f32 from vector<16xf32>
        %mul3A_1181 = arith.constant 9.765625E-4 : f32
        %mul3A_1182 = arith.mulf %reduce_sum3A_1180, %mul3A_1181 : f32
        %add3A_1183 = arith.constant 9.99999974E-6 : f32
        %add3A_1184 = arith.addf %mul3A_1182, %add3A_1183 : f32
        %broadcast_in_dim3A_1185 = vector.broadcast %add3A_1184 : f32 to vector<16xf32>
        %bitcast_convert_type3A = tpu.bitcast %broadcast_in_dim3A_1185 : vector<16xf32> -> vector<16xi32>
        %shift_right_logical3A = arith.constant 1 : i32
        %shift_right_logical3A_1186 = vector.broadcast %shift_right_logical3A : i32 to vector<16xi32>
        %shift_right_logical3A_1187 = arith.shrui %bitcast_convert_type3A, %shift_right_logical3A_1186 : vector<16xi32>
        %sub3A_1188 = arith.constant 1597463007 : i32
        %sub3A_1189 = vector.broadcast %sub3A_1188 : i32 to vector<16xi32>
        %sub3A_1190 = arith.subi %sub3A_1189, %shift_right_logical3A_1187 : vector<16xi32>
        %bitcast_convert_type3A_1191 = tpu.bitcast %sub3A_1190 : vector<16xi32> -> vector<16xf32>
        %mul3A_1192 = arith.constant 5.000000e-01 : f32
        %mul3A_1193 = vector.broadcast %mul3A_1192 : f32 to vector<16xf32>
        %mul3A_1194 = arith.mulf %mul3A_1193, %broadcast_in_dim3A_1185 : vector<16xf32>
        %mul3A_1195 = arith.mulf %mul3A_1194, %bitcast_convert_type3A_1191 : vector<16xf32>
        %mul3A_1196 = arith.mulf %mul3A_1195, %bitcast_convert_type3A_1191 : vector<16xf32>
        %sub3A_1197 = arith.constant 1.500000e+00 : f32
        %sub3A_1198 = vector.broadcast %sub3A_1197 : f32 to vector<16xf32>
        %sub3A_1199 = arith.subf %sub3A_1198, %mul3A_1196 : vector<16xf32>
        %mul3A_1200 = arith.mulf %bitcast_convert_type3A_1191, %sub3A_1199 : vector<16xf32>
        %mul3A_1201 = arith.constant 5.000000e-01 : f32
        %mul3A_1202 = vector.broadcast %mul3A_1201 : f32 to vector<16xf32>
        %mul3A_1203 = arith.mulf %mul3A_1202, %broadcast_in_dim3A_1185 : vector<16xf32>
        %mul3A_1204 = arith.mulf %mul3A_1203, %mul3A_1200 : vector<16xf32>
        %mul3A_1205 = arith.mulf %mul3A_1204, %mul3A_1200 : vector<16xf32>
        %sub3A_1206 = arith.constant 1.500000e+00 : f32
        %sub3A_1207 = vector.broadcast %sub3A_1206 : f32 to vector<16xf32>
        %sub3A_1208 = arith.subf %sub3A_1207, %mul3A_1205 : vector<16xf32>
        %mul3A_1209 = arith.mulf %mul3A_1200, %sub3A_1208 : vector<16xf32>
        %mul3A_1210 = arith.constant 5.000000e-01 : f32
        %mul3A_1211 = vector.broadcast %mul3A_1210 : f32 to vector<16xf32>
        %mul3A_1212 = arith.mulf %mul3A_1211, %broadcast_in_dim3A_1185 : vector<16xf32>
        %mul3A_1213 = arith.mulf %mul3A_1212, %mul3A_1209 : vector<16xf32>
        %mul3A_1214 = arith.mulf %mul3A_1213, %mul3A_1209 : vector<16xf32>
        %sub3A_1215 = arith.constant 1.500000e+00 : f32
        %sub3A_1216 = vector.broadcast %sub3A_1215 : f32 to vector<16xf32>
        %sub3A_1217 = arith.subf %sub3A_1216, %mul3A_1214 : vector<16xf32>
        %mul3A_1218 = arith.mulf %mul3A_1209, %sub3A_1217 : vector<16xf32>
        %get3A_1219 = arith.index_cast %scan3A_19 : i32 to index
        %get3A_1220 = arith.constant 0 : index
        %get3A_1221 = tpu.vector_load %arg7[%get3A_1219, %get3A_1220] {strides = array<i32>} : memref<16x1024xf32, #tpu.memory_space<vmem>>, vector<16xf32>,
        %sub3A_1222 = vector.broadcast %mul3A_727 : f32 to vector<16xf32>
        %sub3A_1223 = arith.subf %get3A_1221, %sub3A_1222 : vector<16xf32>
        %mul3A_1224 = arith.mulf %sub3A_1223, %mul3A_1218 : vector<16xf32>
        %get3A_1225 = arith.constant 0 : index
        %get3A_1226 = tpu.vector_load %arg10[%get3A_1225] {strides = array<i32>} : memref<1024xf32, #tpu.memory_space<vmem>>, vector<16xf32>,
        %mul3A_1227 = arith.mulf %mul3A_1224, %get3A_1226 : vector<16xf32>
        %get3A_1228 = arith.constant 0 : index
        %get3A_1229 = tpu.vector_load %arg11[%get3A_1228] {strides = array<i32>} : memref<1024xf32, #tpu.memory_space<vmem>>, vector<16xf32>,
        %add3A_1230 = arith.addf %mul3A_1227, %get3A_1229 : vector<16xf32>
        %swap3A_1231 = arith.index_cast %scan3A_19 : i32 to index
        %swap3A_1232 = arith.constant 0 : index
        %swap3A_1233 = tpu.vector_load %arg9[%swap3A_1231, %swap3A_1232] {strides = array<i32>} : memref<16x1024xf32, #tpu.memory_space<vmem>>, vector<16xf32>,
        tpu.vector_store %arg9[%swap3A_1231, %swap3A_1232], %add3A_1230 {strides = array<i32>} : memref<16x1024xf32, #tpu.memory_space<vmem>>, vector<16xf32>,
        %get3A_1234 = arith.index_cast %scan3A_19 : i32 to index
        %get3A_1235 = arith.constant 16 : index
        %get3A_1236 = tpu.vector_load %arg7[%get3A_1234, %get3A_1235] {strides = array<i32>} : memref<16x1024xf32, #tpu.memory_space<vmem>>, vector<16xf32>,
        %sub3A_1237 = vector.broadcast %mul3A_727 : f32 to vector<16xf32>
        %sub3A_1238 = arith.subf %get3A_1236, %sub3A_1237 : vector<16xf32>
        %mul3A_1239 = arith.mulf %sub3A_1238, %mul3A_1218 : vector<16xf32>
        %get3A_1240 = arith.constant 16 : index
        %get3A_1241 = tpu.vector_load %arg10[%get3A_1240] {strides = array<i32>} : memref<1024xf32, #tpu.memory_space<vmem>>, vector<16xf32>,
        %mul3A_1242 = arith.mulf %mul3A_1239, %get3A_1241 : vector<16xf32>
        %get3A_1243 = arith.constant 16 : index
        %get3A_1244 = tpu.vector_load %arg11[%get3A_1243] {strides = array<i32>} : memref<1024xf32, #tpu.memory_space<vmem>>, vector<16xf32>,
        %add3A_1245 = arith.addf %mul3A_1242, %get3A_1244 : vector<16xf32>
        %swap3A_1246 = arith.index_cast %scan3A_19 : i32 to index
        %swap3A_1247 = arith.constant 16 : index
        %swap3A_1248 = tpu.vector_load %arg9[%swap3A_1246, %swap3A_1247] {strides = array<i32>} : memref<16x1024xf32, #tpu.memory_space<vmem>>, vector<16xf32>,
        tpu.vector_store %arg9[%swap3A_1246, %swap3A_1247], %add3A_1245 {strides = array<i32>} : memref<16x1024xf32, #tpu.memory_space<vmem>>, vector<16xf32>,
        %get3A_1249 = arith.index_cast %scan3A_19 : i32 to index
        %get3A_1250 = arith.constant 32 : index
        %get3A_1251 = tpu.vector_load %arg7[%get3A_1249, %get3A_1250] {strides = array<i32>} : memref<16x1024xf32, #tpu.memory_space<vmem>>, vector<16xf32>,
        %sub3A_1252 = vector.broadcast %mul3A_727 : f32 to vector<16xf32>
        %sub3A_1253 = arith.subf %get3A_1251, %sub3A_1252 : vector<16xf32>
        %mul3A_1254 = arith.mulf %sub3A_1253, %mul3A_1218 : vector<16xf32>
        %get3A_1255 = arith.constant 32 : index
        %get3A_1256 = tpu.vector_load %arg10[%get3A_1255] {strides = array<i32>} : memref<1024xf32, #tpu.memory_space<vmem>>, vector<16xf32>,
        %mul3A_1257 = arith.mulf %mul3A_1254, %get3A_1256 : vector<16xf32>
        %get3A_1258 = arith.constant 32 : index
        %get3A_1259 = tpu.vector_load %arg11[%get3A_1258] {strides = array<i32>} : memref<1024xf32, #tpu.memory_space<vmem>>, vector<16xf32>,
        %add3A_1260 = arith.addf %mul3A_1257, %get3A_1259 : vector<16xf32>
        %swap3A_1261 = arith.index_cast %scan3A_19 : i32 to index
        %swap3A_1262 = arith.constant 32 : index
        %swap3A_1263 = tpu.vector_load %arg9[%swap3A_1261, %swap3A_1262] {strides = array<i32>} : memref<16x1024xf32, #tpu.memory_space<vmem>>, vector<16xf32>,
        tpu.vector_store %arg9[%swap3A_1261, %swap3A_1262], %add3A_1260 {strides = array<i32>} : memref<16x1024xf32, #tpu.memory_space<vmem>>, vector<16xf32>,
        %get3A_1264 = arith.index_cast %scan3A_19 : i32 to index
        %get3A_1265 = arith.constant 48 : index
        %get3A_1266 = tpu.vector_load %arg7[%get3A_1264, %get3A_1265] {strides = array<i32>} : memref<16x1024xf32, #tpu.memory_space<vmem>>, vector<16xf32>,
        %sub3A_1267 = vector.broadcast %mul3A_727 : f32 to vector<16xf32>
        %sub3A_1268 = arith.subf %get3A_1266, %sub3A_1267 : vector<16xf32>
        %mul3A_1269 = arith.mulf %sub3A_1268, %mul3A_1218 : vector<16xf32>
        %get3A_1270 = arith.constant 48 : index
        %get3A_1271 = tpu.vector_load %arg10[%get3A_1270] {strides = array<i32>} : memref<1024xf32, #tpu.memory_space<vmem>>, vector<16xf32>,
        %mul3A_1272 = arith.mulf %mul3A_1269, %get3A_1271 : vector<16xf32>
        %get3A_1273 = arith.constant 48 : index
        %get3A_1274 = tpu.vector_load %arg11[%get3A_1273] {strides = array<i32>} : memref<1024xf32, #tpu.memory_space<vmem>>, vector<16xf32>,
        %add3A_1275 = arith.addf %mul3A_1272, %get3A_1274 : vector<16xf32>
        %swap3A_1276 = arith.index_cast %scan3A_19 : i32 to index
        %swap3A_1277 = arith.constant 48 : index
        %swap3A_1278 = tpu.vector_load %arg9[%swap3A_1276, %swap3A_1277] {strides = array<i32>} : memref<16x1024xf32, #tpu.memory_space<vmem>>, vector<16xf32>,
        tpu.vector_store %arg9[%swap3A_1276, %swap3A_1277], %add3A_1275 {strides = array<i32>} : memref<16x1024xf32, #tpu.memory_space<vmem>>, vector<16xf32>,
        %get3A_1279 = arith.index_cast %scan3A_19 : i32 to index
        %get3A_1280 = arith.constant 64 : index
        %get3A_1281 = tpu.vector_load %arg7[%get3A_1279, %get3A_1280] {strides = array<i32>} : memref<16x1024xf32, #tpu.memory_space<vmem>>, vector<16xf32>,
        %sub3A_1282 = vector.broadcast %mul3A_727 : f32 to vector<16xf32>
        %sub3A_1283 = arith.subf %get3A_1281, %sub3A_1282 : vector<16xf32>
        %mul3A_1284 = arith.mulf %sub3A_1283, %mul3A_1218 : vector<16xf32>
        %get3A_1285 = arith.constant 64 : index
        %get3A_1286 = tpu.vector_load %arg10[%get3A_1285] {strides = array<i32>} : memref<1024xf32, #tpu.memory_space<vmem>>, vector<16xf32>,
        %mul3A_1287 = arith.mulf %mul3A_1284, %get3A_1286 : vector<16xf32>
        %get3A_1288 = arith.constant 64 : index
        %get3A_1289 = tpu.vector_load %arg11[%get3A_1288] {strides = array<i32>} : memref<1024xf32, #tpu.memory_space<vmem>>, vector<16xf32>,
        %add3A_1290 = arith.addf %mul3A_1287, %get3A_1289 : vector<16xf32>
        %swap3A_1291 = arith.index_cast %scan3A_19 : i32 to index
        %swap3A_1292 = arith.constant 64 : index
        %swap3A_1293 = tpu.vector_load %arg9[%swap3A_1291, %swap3A_1292] {strides = array<i32>} : memref<16x1024xf32, #tpu.memory_space<vmem>>, vector<16xf32>,
        tpu.vector_store %arg9[%swap3A_1291, %swap3A_1292], %add3A_1290 {strides = array<i32>} : memref<16x1024xf32, #tpu.memory_space<vmem>>, vector<16xf32>,
        %get3A_1294 = arith.index_cast %scan3A_19 : i32 to index
        %get3A_1295 = arith.constant 80 : index
        %get3A_1296 = tpu.vector_load %arg7[%get3A_1294, %get3A_1295] {strides = array<i32>} : memref<16x1024xf32, #tpu.memory_space<vmem>>, vector<16xf32>,
        %sub3A_1297 = vector.broadcast %mul3A_727 : f32 to vector<16xf32>
        %sub3A_1298 = arith.subf %get3A_1296, %sub3A_1297 : vector<16xf32>
        %mul3A_1299 = arith.mulf %sub3A_1298, %mul3A_1218 : vector<16xf32>
        %get3A_1300 = arith.constant 80 : index
        %get3A_1301 = tpu.vector_load %arg10[%get3A_1300] {strides = array<i32>} : memref<1024xf32, #tpu.memory_space<vmem>>, vector<16xf32>,
        %mul3A_1302 = arith.mulf %mul3A_1299, %get3A_1301 : vector<16xf32>
        %get3A_1303 = arith.constant 80 : index
        %get3A_1304 = tpu.vector_load %arg11[%get3A_1303] {strides = array<i32>} : memref<1024xf32, #tpu.memory_space<vmem>>, vector<16xf32>,
        %add3A_1305 = arith.addf %mul3A_1302, %get3A_1304 : vector<16xf32>
        %swap3A_1306 = arith.index_cast %scan3A_19 : i32 to index
        %swap3A_1307 = arith.constant 80 : index
        %swap3A_1308 = tpu.vector_load %arg9[%swap3A_1306, %swap3A_1307] {strides = array<i32>} : memref<16x1024xf32, #tpu.memory_space<vmem>>, vector<16xf32>,
        tpu.vector_store %arg9[%swap3A_1306, %swap3A_1307], %add3A_1305 {strides = array<i32>} : memref<16x1024xf32, #tpu.memory_space<vmem>>, vector<16xf32>,
        %get3A_1309 = arith.index_cast %scan3A_19 : i32 to index
        %get3A_1310 = arith.constant 96 : index
        %get3A_1311 = tpu.vector_load %arg7[%get3A_1309, %get3A_1310] {strides = array<i32>} : memref<16x1024xf32, #tpu.memory_space<vmem>>, vector<16xf32>,
        %sub3A_1312 = vector.broadcast %mul3A_727 : f32 to vector<16xf32>
        %sub3A_1313 = arith.subf %get3A_1311, %sub3A_1312 : vector<16xf32>
        %mul3A_1314 = arith.mulf %sub3A_1313, %mul3A_1218 : vector<16xf32>
        %get3A_1315 = arith.constant 96 : index
        %get3A_1316 = tpu.vector_load %arg10[%get3A_1315] {strides = array<i32>} : memref<1024xf32, #tpu.memory_space<vmem>>, vector<16xf32>,
        %mul3A_1317 = arith.mulf %mul3A_1314, %get3A_1316 : vector<16xf32>
        %get3A_1318 = arith.constant 96 : index
        %get3A_1319 = tpu.vector_load %arg11[%get3A_1318] {strides = array<i32>} : memref<1024xf32, #tpu.memory_space<vmem>>, vector<16xf32>,
        %add3A_1320 = arith.addf %mul3A_1317, %get3A_1319 : vector<16xf32>
        %swap3A_1321 = arith.index_cast %scan3A_19 : i32 to index
        %swap3A_1322 = arith.constant 96 : index
        %swap3A_1323 = tpu.vector_load %arg9[%swap3A_1321, %swap3A_1322] {strides = array<i32>} : memref<16x1024xf32, #tpu.memory_space<vmem>>, vector<16xf32>,
        tpu.vector_store %arg9[%swap3A_1321, %swap3A_1322], %add3A_1320 {strides = array<i32>} : memref<16x1024xf32, #tpu.memory_space<vmem>>, vector<16xf32>,
        %get3A_1324 = arith.index_cast %scan3A_19 : i32 to index
        %get3A_1325 = arith.constant 112 : index
        %get3A_1326 = tpu.vector_load %arg7[%get3A_1324, %get3A_1325] {strides = array<i32>} : memref<16x1024xf32, #tpu.memory_space<vmem>>, vector<16xf32>,
        %sub3A_1327 = vector.broadcast %mul3A_727 : f32 to vector<16xf32>
        %sub3A_1328 = arith.subf %get3A_1326, %sub3A_1327 : vector<16xf32>
        %mul3A_1329 = arith.mulf %sub3A_1328, %mul3A_1218 : vector<16xf32>
        %get3A_1330 = arith.constant 112 : index
        %get3A_1331 = tpu.vector_load %arg10[%get3A_1330] {strides = array<i32>} : memref<1024xf32, #tpu.memory_space<vmem>>, vector<16xf32>,
        %mul3A_1332 = arith.mulf %mul3A_1329, %get3A_1331 : vector<16xf32>
        %get3A_1333 = arith.constant 112 : index
        %get3A_1334 = tpu.vector_load %arg11[%get3A_1333] {strides = array<i32>} : memref<1024xf32, #tpu.memory_space<vmem>>, vector<16xf32>,
        %add3A_1335 = arith.addf %mul3A_1332, %get3A_1334 : vector<16xf32>
        %swap3A_1336 = arith.index_cast %scan3A_19 : i32 to index
        %swap3A_1337 = arith.constant 112 : index
        %swap3A_1338 = tpu.vector_load %arg9[%swap3A_1336, %swap3A_1337] {strides = array<i32>} : memref<16x1024xf32, #tpu.memory_space<vmem>>, vector<16xf32>,
        tpu.vector_store %arg9[%swap3A_1336, %swap3A_1337], %add3A_1335 {strides = array<i32>} : memref<16x1024xf32, #tpu.memory_space<vmem>>, vector<16xf32>,
        %get3A_1339 = arith.index_cast %scan3A_19 : i32 to index
        %get3A_1340 = arith.constant 128 : index
        %get3A_1341 = tpu.vector_load %arg7[%get3A_1339, %get3A_1340] {strides = array<i32>} : memref<16x1024xf32, #tpu.memory_space<vmem>>, vector<16xf32>,
        %sub3A_1342 = vector.broadcast %mul3A_727 : f32 to vector<16xf32>
        %sub3A_1343 = arith.subf %get3A_1341, %sub3A_1342 : vector<16xf32>
        %mul3A_1344 = arith.mulf %sub3A_1343, %mul3A_1218 : vector<16xf32>
        %get3A_1345 = arith.constant 128 : index
        %get3A_1346 = tpu.vector_load %arg10[%get3A_1345] {strides = array<i32>} : memref<1024xf32, #tpu.memory_space<vmem>>, vector<16xf32>,
        %mul3A_1347 = arith.mulf %mul3A_1344, %get3A_1346 : vector<16xf32>
        %get3A_1348 = arith.constant 128 : index
        %get3A_1349 = tpu.vector_load %arg11[%get3A_1348] {strides = array<i32>} : memref<1024xf32, #tpu.memory_space<vmem>>, vector<16xf32>,
        %add3A_1350 = arith.addf %mul3A_1347, %get3A_1349 : vector<16xf32>
        %swap3A_1351 = arith.index_cast %scan3A_19 : i32 to index
        %swap3A_1352 = arith.constant 128 : index
        %swap3A_1353 = tpu.vector_load %arg9[%swap3A_1351, %swap3A_1352] {strides = array<i32>} : memref<16x1024xf32, #tpu.memory_space<vmem>>, vector<16xf32>,
        tpu.vector_store %arg9[%swap3A_1351, %swap3A_1352], %add3A_1350 {strides = array<i32>} : memref<16x1024xf32, #tpu.memory_space<vmem>>, vector<16xf32>,
        %get3A_1354 = arith.index_cast %scan3A_19 : i32 to index
        %get3A_1355 = arith.constant 144 : index
        %get3A_1356 = tpu.vector_load %arg7[%get3A_1354, %get3A_1355] {strides = array<i32>} : memref<16x1024xf32, #tpu.memory_space<vmem>>, vector<16xf32>,
        %sub3A_1357 = vector.broadcast %mul3A_727 : f32 to vector<16xf32>
        %sub3A_1358 = arith.subf %get3A_1356, %sub3A_1357 : vector<16xf32>
        %mul3A_1359 = arith.mulf %sub3A_1358, %mul3A_1218 : vector<16xf32>
        %get3A_1360 = arith.constant 144 : index
        %get3A_1361 = tpu.vector_load %arg10[%get3A_1360] {strides = array<i32>} : memref<1024xf32, #tpu.memory_space<vmem>>, vector<16xf32>,
        %mul3A_1362 = arith.mulf %mul3A_1359, %get3A_1361 : vector<16xf32>
        %get3A_1363 = arith.constant 144 : index
        %get3A_1364 = tpu.vector_load %arg11[%get3A_1363] {strides = array<i32>} : memref<1024xf32, #tpu.memory_space<vmem>>, vector<16xf32>,
        %add3A_1365 = arith.addf %mul3A_1362, %get3A_1364 : vector<16xf32>
        %swap3A_1366 = arith.index_cast %scan3A_19 : i32 to index
        %swap3A_1367 = arith.constant 144 : index
        %swap3A_1368 = tpu.vector_load %arg9[%swap3A_1366, %swap3A_1367] {strides = array<i32>} : memref<16x1024xf32, #tpu.memory_space<vmem>>, vector<16xf32>,
        tpu.vector_store %arg9[%swap3A_1366, %swap3A_1367], %add3A_1365 {strides = array<i32>} : memref<16x1024xf32, #tpu.memory_space<vmem>>, vector<16xf32>,
        %get3A_1369 = arith.index_cast %scan3A_19 : i32 to index
        %get3A_1370 = arith.constant 160 : index
        %get3A_1371 = tpu.vector_load %arg7[%get3A_1369, %get3A_1370] {strides = array<i32>} : memref<16x1024xf32, #tpu.memory_space<vmem>>, vector<16xf32>,
        %sub3A_1372 = vector.broadcast %mul3A_727 : f32 to vector<16xf32>
        %sub3A_1373 = arith.subf %get3A_1371, %sub3A_1372 : vector<16xf32>
        %mul3A_1374 = arith.mulf %sub3A_1373, %mul3A_1218 : vector<16xf32>
        %get3A_1375 = arith.constant 160 : index
        %get3A_1376 = tpu.vector_load %arg10[%get3A_1375] {strides = array<i32>} : memref<1024xf32, #tpu.memory_space<vmem>>, vector<16xf32>,
        %mul3A_1377 = arith.mulf %mul3A_1374, %get3A_1376 : vector<16xf32>
        %get3A_1378 = arith.constant 160 : index
        %get3A_1379 = tpu.vector_load %arg11[%get3A_1378] {strides = array<i32>} : memref<1024xf32, #tpu.memory_space<vmem>>, vector<16xf32>,
        %add3A_1380 = arith.addf %mul3A_1377, %get3A_1379 : vector<16xf32>
        %swap3A_1381 = arith.index_cast %scan3A_19 : i32 to index
        %swap3A_1382 = arith.constant 160 : index
        %swap3A_1383 = tpu.vector_load %arg9[%swap3A_1381, %swap3A_1382] {strides = array<i32>} : memref<16x1024xf32, #tpu.memory_space<vmem>>, vector<16xf32>,
        tpu.vector_store %arg9[%swap3A_1381, %swap3A_1382], %add3A_1380 {strides = array<i32>} : memref<16x1024xf32, #tpu.memory_space<vmem>>, vector<16xf32>,
        %get3A_1384 = arith.index_cast %scan3A_19 : i32 to index
        %get3A_1385 = arith.constant 176 : index
        %get3A_1386 = tpu.vector_load %arg7[%get3A_1384, %get3A_1385] {strides = array<i32>} : memref<16x1024xf32, #tpu.memory_space<vmem>>, vector<16xf32>,
        %sub3A_1387 = vector.broadcast %mul3A_727 : f32 to vector<16xf32>
        %sub3A_1388 = arith.subf %get3A_1386, %sub3A_1387 : vector<16xf32>
        %mul3A_1389 = arith.mulf %sub3A_1388, %mul3A_1218 : vector<16xf32>
        %get3A_1390 = arith.constant 176 : index
        %get3A_1391 = tpu.vector_load %arg10[%get3A_1390] {strides = array<i32>} : memref<1024xf32, #tpu.memory_space<vmem>>, vector<16xf32>,
        %mul3A_1392 = arith.mulf %mul3A_1389, %get3A_1391 : vector<16xf32>
        %get3A_1393 = arith.constant 176 : index
        %get3A_1394 = tpu.vector_load %arg11[%get3A_1393] {strides = array<i32>} : memref<1024xf32, #tpu.memory_space<vmem>>, vector<16xf32>,
        %add3A_1395 = arith.addf %mul3A_1392, %get3A_1394 : vector<16xf32>
        %swap3A_1396 = arith.index_cast %scan3A_19 : i32 to index
        %swap3A_1397 = arith.constant 176 : index
        %swap3A_1398 = tpu.vector_load %arg9[%swap3A_1396, %swap3A_1397] {strides = array<i32>} : memref<16x1024xf32, #tpu.memory_space<vmem>>, vector<16xf32>,
        tpu.vector_store %arg9[%swap3A_1396, %swap3A_1397], %add3A_1395 {strides = array<i32>} : memref<16x1024xf32, #tpu.memory_space<vmem>>, vector<16xf32>,
        %get3A_1399 = arith.index_cast %scan3A_19 : i32 to index
        %get3A_1400 = arith.constant 192 : index
        %get3A_1401 = tpu.vector_load %arg7[%get3A_1399, %get3A_1400] {strides = array<i32>} : memref<16x1024xf32, #tpu.memory_space<vmem>>, vector<16xf32>,
        %sub3A_1402 = vector.broadcast %mul3A_727 : f32 to vector<16xf32>
        %sub3A_1403 = arith.subf %get3A_1401, %sub3A_1402 : vector<16xf32>
        %mul3A_1404 = arith.mulf %sub3A_1403, %mul3A_1218 : vector<16xf32>
        %get3A_1405 = arith.constant 192 : index
        %get3A_1406 = tpu.vector_load %arg10[%get3A_1405] {strides = array<i32>} : memref<1024xf32, #tpu.memory_space<vmem>>, vector<16xf32>,
        %mul3A_1407 = arith.mulf %mul3A_1404, %get3A_1406 : vector<16xf32>
        %get3A_1408 = arith.constant 192 : index
        %get3A_1409 = tpu.vector_load %arg11[%get3A_1408] {strides = array<i32>} : memref<1024xf32, #tpu.memory_space<vmem>>, vector<16xf32>,
        %add3A_1410 = arith.addf %mul3A_1407, %get3A_1409 : vector<16xf32>
        %swap3A_1411 = arith.index_cast %scan3A_19 : i32 to index
        %swap3A_1412 = arith.constant 192 : index
        %swap3A_1413 = tpu.vector_load %arg9[%swap3A_1411, %swap3A_1412] {strides = array<i32>} : memref<16x1024xf32, #tpu.memory_space<vmem>>, vector<16xf32>,
        tpu.vector_store %arg9[%swap3A_1411, %swap3A_1412], %add3A_1410 {strides = array<i32>} : memref<16x1024xf32, #tpu.memory_space<vmem>>, vector<16xf32>,
        %get3A_1414 = arith.index_cast %scan3A_19 : i32 to index
        %get3A_1415 = arith.constant 208 : index
        %get3A_1416 = tpu.vector_load %arg7[%get3A_1414, %get3A_1415] {strides = array<i32>} : memref<16x1024xf32, #tpu.memory_space<vmem>>, vector<16xf32>,
        %sub3A_1417 = vector.broadcast %mul3A_727 : f32 to vector<16xf32>
        %sub3A_1418 = arith.subf %get3A_1416, %sub3A_1417 : vector<16xf32>
        %mul3A_1419 = arith.mulf %sub3A_1418, %mul3A_1218 : vector<16xf32>
        %get3A_1420 = arith.constant 208 : index
        %get3A_1421 = tpu.vector_load %arg10[%get3A_1420] {strides = array<i32>} : memref<1024xf32, #tpu.memory_space<vmem>>, vector<16xf32>,
        %mul3A_1422 = arith.mulf %mul3A_1419, %get3A_1421 : vector<16xf32>
        %get3A_1423 = arith.constant 208 : index
        %get3A_1424 = tpu.vector_load %arg11[%get3A_1423] {strides = array<i32>} : memref<1024xf32, #tpu.memory_space<vmem>>, vector<16xf32>,
        %add3A_1425 = arith.addf %mul3A_1422, %get3A_1424 : vector<16xf32>
        %swap3A_1426 = arith.index_cast %scan3A_19 : i32 to index
        %swap3A_1427 = arith.constant 208 : index
        %swap3A_1428 = tpu.vector_load %arg9[%swap3A_1426, %swap3A_1427] {strides = array<i32>} : memref<16x1024xf32, #tpu.memory_space<vmem>>, vector<16xf32>,
        tpu.vector_store %arg9[%swap3A_1426, %swap3A_1427], %add3A_1425 {strides = array<i32>} : memref<16x1024xf32, #tpu.memory_space<vmem>>, vector<16xf32>,
        %get3A_1429 = arith.index_cast %scan3A_19 : i32 to index
        %get3A_1430 = arith.constant 224 : index
        %get3A_1431 = tpu.vector_load %arg7[%get3A_1429, %get3A_1430] {strides = array<i32>} : memref<16x1024xf32, #tpu.memory_space<vmem>>, vector<16xf32>,
        %sub3A_1432 = vector.broadcast %mul3A_727 : f32 to vector<16xf32>
        %sub3A_1433 = arith.subf %get3A_1431, %sub3A_1432 : vector<16xf32>
        %mul3A_1434 = arith.mulf %sub3A_1433, %mul3A_1218 : vector<16xf32>
        %get3A_1435 = arith.constant 224 : index
        %get3A_1436 = tpu.vector_load %arg10[%get3A_1435] {strides = array<i32>} : memref<1024xf32, #tpu.memory_space<vmem>>, vector<16xf32>,
        %mul3A_1437 = arith.mulf %mul3A_1434, %get3A_1436 : vector<16xf32>
        %get3A_1438 = arith.constant 224 : index
        %get3A_1439 = tpu.vector_load %arg11[%get3A_1438] {strides = array<i32>} : memref<1024xf32, #tpu.memory_space<vmem>>, vector<16xf32>,
        %add3A_1440 = arith.addf %mul3A_1437, %get3A_1439 : vector<16xf32>
        %swap3A_1441 = arith.index_cast %scan3A_19 : i32 to index
        %swap3A_1442 = arith.constant 224 : index
        %swap3A_1443 = tpu.vector_load %arg9[%swap3A_1441, %swap3A_1442] {strides = array<i32>} : memref<16x1024xf32, #tpu.memory_space<vmem>>, vector<16xf32>,
        tpu.vector_store %arg9[%swap3A_1441, %swap3A_1442], %add3A_1440 {strides = array<i32>} : memref<16x1024xf32, #tpu.memory_space<vmem>>, vector<16xf32>,
        %get3A_1444 = arith.index_cast %scan3A_19 : i32 to index
        %get3A_1445 = arith.constant 240 : index
        %get3A_1446 = tpu.vector_load %arg7[%get3A_1444, %get3A_1445] {strides = array<i32>} : memref<16x1024xf32, #tpu.memory_space<vmem>>, vector<16xf32>,
        %sub3A_1447 = vector.broadcast %mul3A_727 : f32 to vector<16xf32>
        %sub3A_1448 = arith.subf %get3A_1446, %sub3A_1447 : vector<16xf32>
        %mul3A_1449 = arith.mulf %sub3A_1448, %mul3A_1218 : vector<16xf32>
        %get3A_1450 = arith.constant 240 : index
        %get3A_1451 = tpu.vector_load %arg10[%get3A_1450] {strides = array<i32>} : memref<1024xf32, #tpu.memory_space<vmem>>, vector<16xf32>,
        %mul3A_1452 = arith.mulf %mul3A_1449, %get3A_1451 : vector<16xf32>
        %get3A_1453 = arith.constant 240 : index
        %get3A_1454 = tpu.vector_load %arg11[%get3A_1453] {strides = array<i32>} : memref<1024xf32, #tpu.memory_space<vmem>>, vector<16xf32>,
        %add3A_1455 = arith.addf %mul3A_1452, %get3A_1454 : vector<16xf32>
        %swap3A_1456 = arith.index_cast %scan3A_19 : i32 to index
        %swap3A_1457 = arith.constant 240 : index
        %swap3A_1458 = tpu.vector_load %arg9[%swap3A_1456, %swap3A_1457] {strides = array<i32>} : memref<16x1024xf32, #tpu.memory_space<vmem>>, vector<16xf32>,
        tpu.vector_store %arg9[%swap3A_1456, %swap3A_1457], %add3A_1455 {strides = array<i32>} : memref<16x1024xf32, #tpu.memory_space<vmem>>, vector<16xf32>,
        %get3A_1459 = arith.index_cast %scan3A_19 : i32 to index
        %get3A_1460 = arith.constant 256 : index
        %get3A_1461 = tpu.vector_load %arg7[%get3A_1459, %get3A_1460] {strides = array<i32>} : memref<16x1024xf32, #tpu.memory_space<vmem>>, vector<16xf32>,
        %sub3A_1462 = vector.broadcast %mul3A_727 : f32 to vector<16xf32>
        %sub3A_1463 = arith.subf %get3A_1461, %sub3A_1462 : vector<16xf32>
        %mul3A_1464 = arith.mulf %sub3A_1463, %mul3A_1218 : vector<16xf32>
        %get3A_1465 = arith.constant 256 : index
        %get3A_1466 = tpu.vector_load %arg10[%get3A_1465] {strides = array<i32>} : memref<1024xf32, #tpu.memory_space<vmem>>, vector<16xf32>,
        %mul3A_1467 = arith.mulf %mul3A_1464, %get3A_1466 : vector<16xf32>
        %get3A_1468 = arith.constant 256 : index
        %get3A_1469 = tpu.vector_load %arg11[%get3A_1468] {strides = array<i32>} : memref<1024xf32, #tpu.memory_space<vmem>>, vector<16xf32>,
        %add3A_1470 = arith.addf %mul3A_1467, %get3A_1469 : vector<16xf32>
        %swap3A_1471 = arith.index_cast %scan3A_19 : i32 to index
        %swap3A_1472 = arith.constant 256 : index
        %swap3A_1473 = tpu.vector_load %arg9[%swap3A_1471, %swap3A_1472] {strides = array<i32>} : memref<16x1024xf32, #tpu.memory_space<vmem>>, vector<16xf32>,
        tpu.vector_store %arg9[%swap3A_1471, %swap3A_1472], %add3A_1470 {strides = array<i32>} : memref<16x1024xf32, #tpu.memory_space<vmem>>, vector<16xf32>,
        %get3A_1474 = arith.index_cast %scan3A_19 : i32 to index
        %get3A_1475 = arith.constant 272 : index
        %get3A_1476 = tpu.vector_load %arg7[%get3A_1474, %get3A_1475] {strides = array<i32>} : memref<16x1024xf32, #tpu.memory_space<vmem>>, vector<16xf32>,
        %sub3A_1477 = vector.broadcast %mul3A_727 : f32 to vector<16xf32>
        %sub3A_1478 = arith.subf %get3A_1476, %sub3A_1477 : vector<16xf32>
        %mul3A_1479 = arith.mulf %sub3A_1478, %mul3A_1218 : vector<16xf32>
        %get3A_1480 = arith.constant 272 : index
        %get3A_1481 = tpu.vector_load %arg10[%get3A_1480] {strides = array<i32>} : memref<1024xf32, #tpu.memory_space<vmem>>, vector<16xf32>,
        %mul3A_1482 = arith.mulf %mul3A_1479, %get3A_1481 : vector<16xf32>
        %get3A_1483 = arith.constant 272 : index
        %get3A_1484 = tpu.vector_load %arg11[%get3A_1483] {strides = array<i32>} : memref<1024xf32, #tpu.memory_space<vmem>>, vector<16xf32>,
        %add3A_1485 = arith.addf %mul3A_1482, %get3A_1484 : vector<16xf32>
        %swap3A_1486 = arith.index_cast %scan3A_19 : i32 to index
        %swap3A_1487 = arith.constant 272 : index
        %swap3A_1488 = tpu.vector_load %arg9[%swap3A_1486, %swap3A_1487] {strides = array<i32>} : memref<16x1024xf32, #tpu.memory_space<vmem>>, vector<16xf32>,
        tpu.vector_store %arg9[%swap3A_1486, %swap3A_1487], %add3A_1485 {strides = array<i32>} : memref<16x1024xf32, #tpu.memory_space<vmem>>, vector<16xf32>,
        %get3A_1489 = arith.index_cast %scan3A_19 : i32 to index
        %get3A_1490 = arith.constant 288 : index
        %get3A_1491 = tpu.vector_load %arg7[%get3A_1489, %get3A_1490] {strides = array<i32>} : memref<16x1024xf32, #tpu.memory_space<vmem>>, vector<16xf32>,
        %sub3A_1492 = vector.broadcast %mul3A_727 : f32 to vector<16xf32>
        %sub3A_1493 = arith.subf %get3A_1491, %sub3A_1492 : vector<16xf32>
        %mul3A_1494 = arith.mulf %sub3A_1493, %mul3A_1218 : vector<16xf32>
        %get3A_1495 = arith.constant 288 : index
        %get3A_1496 = tpu.vector_load %arg10[%get3A_1495] {strides = array<i32>} : memref<1024xf32, #tpu.memory_space<vmem>>, vector<16xf32>,
        %mul3A_1497 = arith.mulf %mul3A_1494, %get3A_1496 : vector<16xf32>
        %get3A_1498 = arith.constant 288 : index
        %get3A_1499 = tpu.vector_load %arg11[%get3A_1498] {strides = array<i32>} : memref<1024xf32, #tpu.memory_space<vmem>>, vector<16xf32>,
        %add3A_1500 = arith.addf %mul3A_1497, %get3A_1499 : vector<16xf32>
        %swap3A_1501 = arith.index_cast %scan3A_19 : i32 to index
        %swap3A_1502 = arith.constant 288 : index
        %swap3A_1503 = tpu.vector_load %arg9[%swap3A_1501, %swap3A_1502] {strides = array<i32>} : memref<16x1024xf32, #tpu.memory_space<vmem>>, vector<16xf32>,
        tpu.vector_store %arg9[%swap3A_1501, %swap3A_1502], %add3A_1500 {strides = array<i32>} : memref<16x1024xf32, #tpu.memory_space<vmem>>, vector<16xf32>,
        %get3A_1504 = arith.index_cast %scan3A_19 : i32 to index
        %get3A_1505 = arith.constant 304 : index
        %get3A_1506 = tpu.vector_load %arg7[%get3A_1504, %get3A_1505] {strides = array<i32>} : memref<16x1024xf32, #tpu.memory_space<vmem>>, vector<16xf32>,
        %sub3A_1507 = vector.broadcast %mul3A_727 : f32 to vector<16xf32>
        %sub3A_1508 = arith.subf %get3A_1506, %sub3A_1507 : vector<16xf32>
        %mul3A_1509 = arith.mulf %sub3A_1508, %mul3A_1218 : vector<16xf32>
        %get3A_1510 = arith.constant 304 : index
        %get3A_1511 = tpu.vector_load %arg10[%get3A_1510] {strides = array<i32>} : memref<1024xf32, #tpu.memory_space<vmem>>, vector<16xf32>,
        %mul3A_1512 = arith.mulf %mul3A_1509, %get3A_1511 : vector<16xf32>
        %get3A_1513 = arith.constant 304 : index
        %get3A_1514 = tpu.vector_load %arg11[%get3A_1513] {strides = array<i32>} : memref<1024xf32, #tpu.memory_space<vmem>>, vector<16xf32>,
        %add3A_1515 = arith.addf %mul3A_1512, %get3A_1514 : vector<16xf32>
        %swap3A_1516 = arith.index_cast %scan3A_19 : i32 to index
        %swap3A_1517 = arith.constant 304 : index
        %swap3A_1518 = tpu.vector_load %arg9[%swap3A_1516, %swap3A_1517] {strides = array<i32>} : memref<16x1024xf32, #tpu.memory_space<vmem>>, vector<16xf32>,
        tpu.vector_store %arg9[%swap3A_1516, %swap3A_1517], %add3A_1515 {strides = array<i32>} : memref<16x1024xf32, #tpu.memory_space<vmem>>, vector<16xf32>,
        %get3A_1519 = arith.index_cast %scan3A_19 : i32 to index
        %get3A_1520 = arith.constant 320 : index
        %get3A_1521 = tpu.vector_load %arg7[%get3A_1519, %get3A_1520] {strides = array<i32>} : memref<16x1024xf32, #tpu.memory_space<vmem>>, vector<16xf32>,
        %sub3A_1522 = vector.broadcast %mul3A_727 : f32 to vector<16xf32>
        %sub3A_1523 = arith.subf %get3A_1521, %sub3A_1522 : vector<16xf32>
        %mul3A_1524 = arith.mulf %sub3A_1523, %mul3A_1218 : vector<16xf32>
        %get3A_1525 = arith.constant 320 : index
        %get3A_1526 = tpu.vector_load %arg10[%get3A_1525] {strides = array<i32>} : memref<1024xf32, #tpu.memory_space<vmem>>, vector<16xf32>,
        %mul3A_1527 = arith.mulf %mul3A_1524, %get3A_1526 : vector<16xf32>
        %get3A_1528 = arith.constant 320 : index
        %get3A_1529 = tpu.vector_load %arg11[%get3A_1528] {strides = array<i32>} : memref<1024xf32, #tpu.memory_space<vmem>>, vector<16xf32>,
        %add3A_1530 = arith.addf %mul3A_1527, %get3A_1529 : vector<16xf32>
        %swap3A_1531 = arith.index_cast %scan3A_19 : i32 to index
        %swap3A_1532 = arith.constant 320 : index
        %swap3A_1533 = tpu.vector_load %arg9[%swap3A_1531, %swap3A_1532] {strides = array<i32>} : memref<16x1024xf32, #tpu.memory_space<vmem>>, vector<16xf32>,
        tpu.vector_store %arg9[%swap3A_1531, %swap3A_1532], %add3A_1530 {strides = array<i32>} : memref<16x1024xf32, #tpu.memory_space<vmem>>, vector<16xf32>,
        %get3A_1534 = arith.index_cast %scan3A_19 : i32 to index
        %get3A_1535 = arith.constant 336 : index
        %get3A_1536 = tpu.vector_load %arg7[%get3A_1534, %get3A_1535] {strides = array<i32>} : memref<16x1024xf32, #tpu.memory_space<vmem>>, vector<16xf32>,
        %sub3A_1537 = vector.broadcast %mul3A_727 : f32 to vector<16xf32>
        %sub3A_1538 = arith.subf %get3A_1536, %sub3A_1537 : vector<16xf32>
        %mul3A_1539 = arith.mulf %sub3A_1538, %mul3A_1218 : vector<16xf32>
        %get3A_1540 = arith.constant 336 : index
        %get3A_1541 = tpu.vector_load %arg10[%get3A_1540] {strides = array<i32>} : memref<1024xf32, #tpu.memory_space<vmem>>, vector<16xf32>,
        %mul3A_1542 = arith.mulf %mul3A_1539, %get3A_1541 : vector<16xf32>
        %get3A_1543 = arith.constant 336 : index
        %get3A_1544 = tpu.vector_load %arg11[%get3A_1543] {strides = array<i32>} : memref<1024xf32, #tpu.memory_space<vmem>>, vector<16xf32>,
        %add3A_1545 = arith.addf %mul3A_1542, %get3A_1544 : vector<16xf32>
        %swap3A_1546 = arith.index_cast %scan3A_19 : i32 to index
        %swap3A_1547 = arith.constant 336 : index
        %swap3A_1548 = tpu.vector_load %arg9[%swap3A_1546, %swap3A_1547] {strides = array<i32>} : memref<16x1024xf32, #tpu.memory_space<vmem>>, vector<16xf32>,
        tpu.vector_store %arg9[%swap3A_1546, %swap3A_1547], %add3A_1545 {strides = array<i32>} : memref<16x1024xf32, #tpu.memory_space<vmem>>, vector<16xf32>,
        %get3A_1549 = arith.index_cast %scan3A_19 : i32 to index
        %get3A_1550 = arith.constant 352 : index
        %get3A_1551 = tpu.vector_load %arg7[%get3A_1549, %get3A_1550] {strides = array<i32>} : memref<16x1024xf32, #tpu.memory_space<vmem>>, vector<16xf32>,
        %sub3A_1552 = vector.broadcast %mul3A_727 : f32 to vector<16xf32>
        %sub3A_1553 = arith.subf %get3A_1551, %sub3A_1552 : vector<16xf32>
        %mul3A_1554 = arith.mulf %sub3A_1553, %mul3A_1218 : vector<16xf32>
        %get3A_1555 = arith.constant 352 : index
        %get3A_1556 = tpu.vector_load %arg10[%get3A_1555] {strides = array<i32>} : memref<1024xf32, #tpu.memory_space<vmem>>, vector<16xf32>,
        %mul3A_1557 = arith.mulf %mul3A_1554, %get3A_1556 : vector<16xf32>
        %get3A_1558 = arith.constant 352 : index
        %get3A_1559 = tpu.vector_load %arg11[%get3A_1558] {strides = array<i32>} : memref<1024xf32, #tpu.memory_space<vmem>>, vector<16xf32>,
        %add3A_1560 = arith.addf %mul3A_1557, %get3A_1559 : vector<16xf32>
        %swap3A_1561 = arith.index_cast %scan3A_19 : i32 to index
        %swap3A_1562 = arith.constant 352 : index
        %swap3A_1563 = tpu.vector_load %arg9[%swap3A_1561, %swap3A_1562] {strides = array<i32>} : memref<16x1024xf32, #tpu.memory_space<vmem>>, vector<16xf32>,
        tpu.vector_store %arg9[%swap3A_1561, %swap3A_1562], %add3A_1560 {strides = array<i32>} : memref<16x1024xf32, #tpu.memory_space<vmem>>, vector<16xf32>,
        %get3A_1564 = arith.index_cast %scan3A_19 : i32 to index
        %get3A_1565 = arith.constant 368 : index
        %get3A_1566 = tpu.vector_load %arg7[%get3A_1564, %get3A_1565] {strides = array<i32>} : memref<16x1024xf32, #tpu.memory_space<vmem>>, vector<16xf32>,
        %sub3A_1567 = vector.broadcast %mul3A_727 : f32 to vector<16xf32>
        %sub3A_1568 = arith.subf %get3A_1566, %sub3A_1567 : vector<16xf32>
        %mul3A_1569 = arith.mulf %sub3A_1568, %mul3A_1218 : vector<16xf32>
        %get3A_1570 = arith.constant 368 : index
        %get3A_1571 = tpu.vector_load %arg10[%get3A_1570] {strides = array<i32>} : memref<1024xf32, #tpu.memory_space<vmem>>, vector<16xf32>,
        %mul3A_1572 = arith.mulf %mul3A_1569, %get3A_1571 : vector<16xf32>
        %get3A_1573 = arith.constant 368 : index
        %get3A_1574 = tpu.vector_load %arg11[%get3A_1573] {strides = array<i32>} : memref<1024xf32, #tpu.memory_space<vmem>>, vector<16xf32>,
        %add3A_1575 = arith.addf %mul3A_1572, %get3A_1574 : vector<16xf32>
        %swap3A_1576 = arith.index_cast %scan3A_19 : i32 to index
        %swap3A_1577 = arith.constant 368 : index
        %swap3A_1578 = tpu.vector_load %arg9[%swap3A_1576, %swap3A_1577] {strides = array<i32>} : memref<16x1024xf32, #tpu.memory_space<vmem>>, vector<16xf32>,
        tpu.vector_store %arg9[%swap3A_1576, %swap3A_1577], %add3A_1575 {strides = array<i32>} : memref<16x1024xf32, #tpu.memory_space<vmem>>, vector<16xf32>,
        %get3A_1579 = arith.index_cast %scan3A_19 : i32 to index
        %get3A_1580 = arith.constant 384 : index
        %get3A_1581 = tpu.vector_load %arg7[%get3A_1579, %get3A_1580] {strides = array<i32>} : memref<16x1024xf32, #tpu.memory_space<vmem>>, vector<16xf32>,
        %sub3A_1582 = vector.broadcast %mul3A_727 : f32 to vector<16xf32>
        %sub3A_1583 = arith.subf %get3A_1581, %sub3A_1582 : vector<16xf32>
        %mul3A_1584 = arith.mulf %sub3A_1583, %mul3A_1218 : vector<16xf32>
        %get3A_1585 = arith.constant 384 : index
        %get3A_1586 = tpu.vector_load %arg10[%get3A_1585] {strides = array<i32>} : memref<1024xf32, #tpu.memory_space<vmem>>, vector<16xf32>,
        %mul3A_1587 = arith.mulf %mul3A_1584, %get3A_1586 : vector<16xf32>
        %get3A_1588 = arith.constant 384 : index
        %get3A_1589 = tpu.vector_load %arg11[%get3A_1588] {strides = array<i32>} : memref<1024xf32, #tpu.memory_space<vmem>>, vector<16xf32>,
        %add3A_1590 = arith.addf %mul3A_1587, %get3A_1589 : vector<16xf32>
        %swap3A_1591 = arith.index_cast %scan3A_19 : i32 to index
        %swap3A_1592 = arith.constant 384 : index
        %swap3A_1593 = tpu.vector_load %arg9[%swap3A_1591, %swap3A_1592] {strides = array<i32>} : memref<16x1024xf32, #tpu.memory_space<vmem>>, vector<16xf32>,
        tpu.vector_store %arg9[%swap3A_1591, %swap3A_1592], %add3A_1590 {strides = array<i32>} : memref<16x1024xf32, #tpu.memory_space<vmem>>, vector<16xf32>,
        %get3A_1594 = arith.index_cast %scan3A_19 : i32 to index
        %get3A_1595 = arith.constant 400 : index
        %get3A_1596 = tpu.vector_load %arg7[%get3A_1594, %get3A_1595] {strides = array<i32>} : memref<16x1024xf32, #tpu.memory_space<vmem>>, vector<16xf32>,
        %sub3A_1597 = vector.broadcast %mul3A_727 : f32 to vector<16xf32>
        %sub3A_1598 = arith.subf %get3A_1596, %sub3A_1597 : vector<16xf32>
        %mul3A_1599 = arith.mulf %sub3A_1598, %mul3A_1218 : vector<16xf32>
        %get3A_1600 = arith.constant 400 : index
        %get3A_1601 = tpu.vector_load %arg10[%get3A_1600] {strides = array<i32>} : memref<1024xf32, #tpu.memory_space<vmem>>, vector<16xf32>,
        %mul3A_1602 = arith.mulf %mul3A_1599, %get3A_1601 : vector<16xf32>
        %get3A_1603 = arith.constant 400 : index
        %get3A_1604 = tpu.vector_load %arg11[%get3A_1603] {strides = array<i32>} : memref<1024xf32, #tpu.memory_space<vmem>>, vector<16xf32>,
        %add3A_1605 = arith.addf %mul3A_1602, %get3A_1604 : vector<16xf32>
        %swap3A_1606 = arith.index_cast %scan3A_19 : i32 to index
        %swap3A_1607 = arith.constant 400 : index
        %swap3A_1608 = tpu.vector_load %arg9[%swap3A_1606, %swap3A_1607] {strides = array<i32>} : memref<16x1024xf32, #tpu.memory_space<vmem>>, vector<16xf32>,
        tpu.vector_store %arg9[%swap3A_1606, %swap3A_1607], %add3A_1605 {strides = array<i32>} : memref<16x1024xf32, #tpu.memory_space<vmem>>, vector<16xf32>,
        %get3A_1609 = arith.index_cast %scan3A_19 : i32 to index
        %get3A_1610 = arith.constant 416 : index
        %get3A_1611 = tpu.vector_load %arg7[%get3A_1609, %get3A_1610] {strides = array<i32>} : memref<16x1024xf32, #tpu.memory_space<vmem>>, vector<16xf32>,
        %sub3A_1612 = vector.broadcast %mul3A_727 : f32 to vector<16xf32>
        %sub3A_1613 = arith.subf %get3A_1611, %sub3A_1612 : vector<16xf32>
        %mul3A_1614 = arith.mulf %sub3A_1613, %mul3A_1218 : vector<16xf32>
        %get3A_1615 = arith.constant 416 : index
        %get3A_1616 = tpu.vector_load %arg10[%get3A_1615] {strides = array<i32>} : memref<1024xf32, #tpu.memory_space<vmem>>, vector<16xf32>,
        %mul3A_1617 = arith.mulf %mul3A_1614, %get3A_1616 : vector<16xf32>
        %get3A_1618 = arith.constant 416 : index
        %get3A_1619 = tpu.vector_load %arg11[%get3A_1618] {strides = array<i32>} : memref<1024xf32, #tpu.memory_space<vmem>>, vector<16xf32>,
        %add3A_1620 = arith.addf %mul3A_1617, %get3A_1619 : vector<16xf32>
        %swap3A_1621 = arith.index_cast %scan3A_19 : i32 to index
        %swap3A_1622 = arith.constant 416 : index
        %swap3A_1623 = tpu.vector_load %arg9[%swap3A_1621, %swap3A_1622] {strides = array<i32>} : memref<16x1024xf32, #tpu.memory_space<vmem>>, vector<16xf32>,
        tpu.vector_store %arg9[%swap3A_1621, %swap3A_1622], %add3A_1620 {strides = array<i32>} : memref<16x1024xf32, #tpu.memory_space<vmem>>, vector<16xf32>,
        %get3A_1624 = arith.index_cast %scan3A_19 : i32 to index
        %get3A_1625 = arith.constant 432 : index
        %get3A_1626 = tpu.vector_load %arg7[%get3A_1624, %get3A_1625] {strides = array<i32>} : memref<16x1024xf32, #tpu.memory_space<vmem>>, vector<16xf32>,
        %sub3A_1627 = vector.broadcast %mul3A_727 : f32 to vector<16xf32>
        %sub3A_1628 = arith.subf %get3A_1626, %sub3A_1627 : vector<16xf32>
        %mul3A_1629 = arith.mulf %sub3A_1628, %mul3A_1218 : vector<16xf32>
        %get3A_1630 = arith.constant 432 : index
        %get3A_1631 = tpu.vector_load %arg10[%get3A_1630] {strides = array<i32>} : memref<1024xf32, #tpu.memory_space<vmem>>, vector<16xf32>,
        %mul3A_1632 = arith.mulf %mul3A_1629, %get3A_1631 : vector<16xf32>
        %get3A_1633 = arith.constant 432 : index
        %get3A_1634 = tpu.vector_load %arg11[%get3A_1633] {strides = array<i32>} : memref<1024xf32, #tpu.memory_space<vmem>>, vector<16xf32>,
        %add3A_1635 = arith.addf %mul3A_1632, %get3A_1634 : vector<16xf32>
        %swap3A_1636 = arith.index_cast %scan3A_19 : i32 to index
        %swap3A_1637 = arith.constant 432 : index
        %swap3A_1638 = tpu.vector_load %arg9[%swap3A_1636, %swap3A_1637] {strides = array<i32>} : memref<16x1024xf32, #tpu.memory_space<vmem>>, vector<16xf32>,
        tpu.vector_store %arg9[%swap3A_1636, %swap3A_1637], %add3A_1635 {strides = array<i32>} : memref<16x1024xf32, #tpu.memory_space<vmem>>, vector<16xf32>,
        %get3A_1639 = arith.index_cast %scan3A_19 : i32 to index
        %get3A_1640 = arith.constant 448 : index
        %get3A_1641 = tpu.vector_load %arg7[%get3A_1639, %get3A_1640] {strides = array<i32>} : memref<16x1024xf32, #tpu.memory_space<vmem>>, vector<16xf32>,
        %sub3A_1642 = vector.broadcast %mul3A_727 : f32 to vector<16xf32>
        %sub3A_1643 = arith.subf %get3A_1641, %sub3A_1642 : vector<16xf32>
        %mul3A_1644 = arith.mulf %sub3A_1643, %mul3A_1218 : vector<16xf32>
        %get3A_1645 = arith.constant 448 : index
        %get3A_1646 = tpu.vector_load %arg10[%get3A_1645] {strides = array<i32>} : memref<1024xf32, #tpu.memory_space<vmem>>, vector<16xf32>,
        %mul3A_1647 = arith.mulf %mul3A_1644, %get3A_1646 : vector<16xf32>
        %get3A_1648 = arith.constant 448 : index
        %get3A_1649 = tpu.vector_load %arg11[%get3A_1648] {strides = array<i32>} : memref<1024xf32, #tpu.memory_space<vmem>>, vector<16xf32>,
        %add3A_1650 = arith.addf %mul3A_1647, %get3A_1649 : vector<16xf32>
        %swap3A_1651 = arith.index_cast %scan3A_19 : i32 to index
        %swap3A_1652 = arith.constant 448 : index
        %swap3A_1653 = tpu.vector_load %arg9[%swap3A_1651, %swap3A_1652] {strides = array<i32>} : memref<16x1024xf32, #tpu.memory_space<vmem>>, vector<16xf32>,
        tpu.vector_store %arg9[%swap3A_1651, %swap3A_1652], %add3A_1650 {strides = array<i32>} : memref<16x1024xf32, #tpu.memory_space<vmem>>, vector<16xf32>,
        %get3A_1654 = arith.index_cast %scan3A_19 : i32 to index
        %get3A_1655 = arith.constant 464 : index
        %get3A_1656 = tpu.vector_load %arg7[%get3A_1654, %get3A_1655] {strides = array<i32>} : memref<16x1024xf32, #tpu.memory_space<vmem>>, vector<16xf32>,
        %sub3A_1657 = vector.broadcast %mul3A_727 : f32 to vector<16xf32>
        %sub3A_1658 = arith.subf %get3A_1656, %sub3A_1657 : vector<16xf32>
        %mul3A_1659 = arith.mulf %sub3A_1658, %mul3A_1218 : vector<16xf32>
        %get3A_1660 = arith.constant 464 : index
        %get3A_1661 = tpu.vector_load %arg10[%get3A_1660] {strides = array<i32>} : memref<1024xf32, #tpu.memory_space<vmem>>, vector<16xf32>,
        %mul3A_1662 = arith.mulf %mul3A_1659, %get3A_1661 : vector<16xf32>
        %get3A_1663 = arith.constant 464 : index
        %get3A_1664 = tpu.vector_load %arg11[%get3A_1663] {strides = array<i32>} : memref<1024xf32, #tpu.memory_space<vmem>>, vector<16xf32>,
        %add3A_1665 = arith.addf %mul3A_1662, %get3A_1664 : vector<16xf32>
        %swap3A_1666 = arith.index_cast %scan3A_19 : i32 to index
        %swap3A_1667 = arith.constant 464 : index
        %swap3A_1668 = tpu.vector_load %arg9[%swap3A_1666, %swap3A_1667] {strides = array<i32>} : memref<16x1024xf32, #tpu.memory_space<vmem>>, vector<16xf32>,
        tpu.vector_store %arg9[%swap3A_1666, %swap3A_1667], %add3A_1665 {strides = array<i32>} : memref<16x1024xf32, #tpu.memory_space<vmem>>, vector<16xf32>,
        %get3A_1669 = arith.index_cast %scan3A_19 : i32 to index
        %get3A_1670 = arith.constant 480 : index
        %get3A_1671 = tpu.vector_load %arg7[%get3A_1669, %get3A_1670] {strides = array<i32>} : memref<16x1024xf32, #tpu.memory_space<vmem>>, vector<16xf32>,
        %sub3A_1672 = vector.broadcast %mul3A_727 : f32 to vector<16xf32>
        %sub3A_1673 = arith.subf %get3A_1671, %sub3A_1672 : vector<16xf32>
        %mul3A_1674 = arith.mulf %sub3A_1673, %mul3A_1218 : vector<16xf32>
        %get3A_1675 = arith.constant 480 : index
        %get3A_1676 = tpu.vector_load %arg10[%get3A_1675] {strides = array<i32>} : memref<1024xf32, #tpu.memory_space<vmem>>, vector<16xf32>,
        %mul3A_1677 = arith.mulf %mul3A_1674, %get3A_1676 : vector<16xf32>
        %get3A_1678 = arith.constant 480 : index
        %get3A_1679 = tpu.vector_load %arg11[%get3A_1678] {strides = array<i32>} : memref<1024xf32, #tpu.memory_space<vmem>>, vector<16xf32>,
        %add3A_1680 = arith.addf %mul3A_1677, %get3A_1679 : vector<16xf32>
        %swap3A_1681 = arith.index_cast %scan3A_19 : i32 to index
        %swap3A_1682 = arith.constant 480 : index
        %swap3A_1683 = tpu.vector_load %arg9[%swap3A_1681, %swap3A_1682] {strides = array<i32>} : memref<16x1024xf32, #tpu.memory_space<vmem>>, vector<16xf32>,
        tpu.vector_store %arg9[%swap3A_1681, %swap3A_1682], %add3A_1680 {strides = array<i32>} : memref<16x1024xf32, #tpu.memory_space<vmem>>, vector<16xf32>,
        %get3A_1684 = arith.index_cast %scan3A_19 : i32 to index
        %get3A_1685 = arith.constant 496 : index
        %get3A_1686 = tpu.vector_load %arg7[%get3A_1684, %get3A_1685] {strides = array<i32>} : memref<16x1024xf32, #tpu.memory_space<vmem>>, vector<16xf32>,
        %sub3A_1687 = vector.broadcast %mul3A_727 : f32 to vector<16xf32>
        %sub3A_1688 = arith.subf %get3A_1686, %sub3A_1687 : vector<16xf32>
        %mul3A_1689 = arith.mulf %sub3A_1688, %mul3A_1218 : vector<16xf32>
        %get3A_1690 = arith.constant 496 : index
        %get3A_1691 = tpu.vector_load %arg10[%get3A_1690] {strides = array<i32>} : memref<1024xf32, #tpu.memory_space<vmem>>, vector<16xf32>,
        %mul3A_1692 = arith.mulf %mul3A_1689, %get3A_1691 : vector<16xf32>
        %get3A_1693 = arith.constant 496 : index
        %get3A_1694 = tpu.vector_load %arg11[%get3A_1693] {strides = array<i32>} : memref<1024xf32, #tpu.memory_space<vmem>>, vector<16xf32>,
        %add3A_1695 = arith.addf %mul3A_1692, %get3A_1694 : vector<16xf32>
        %swap3A_1696 = arith.index_cast %scan3A_19 : i32 to index
        %swap3A_1697 = arith.constant 496 : index
        %swap3A_1698 = tpu.vector_load %arg9[%swap3A_1696, %swap3A_1697] {strides = array<i32>} : memref<16x1024xf32, #tpu.memory_space<vmem>>, vector<16xf32>,
        tpu.vector_store %arg9[%swap3A_1696, %swap3A_1697], %add3A_1695 {strides = array<i32>} : memref<16x1024xf32, #tpu.memory_space<vmem>>, vector<16xf32>,
        %get3A_1699 = arith.index_cast %scan3A_19 : i32 to index
        %get3A_1700 = arith.constant 512 : index
        %get3A_1701 = tpu.vector_load %arg7[%get3A_1699, %get3A_1700] {strides = array<i32>} : memref<16x1024xf32, #tpu.memory_space<vmem>>, vector<16xf32>,
        %sub3A_1702 = vector.broadcast %mul3A_727 : f32 to vector<16xf32>
        %sub3A_1703 = arith.subf %get3A_1701, %sub3A_1702 : vector<16xf32>
        %mul3A_1704 = arith.mulf %sub3A_1703, %mul3A_1218 : vector<16xf32>
        %get3A_1705 = arith.constant 512 : index
        %get3A_1706 = tpu.vector_load %arg10[%get3A_1705] {strides = array<i32>} : memref<1024xf32, #tpu.memory_space<vmem>>, vector<16xf32>,
        %mul3A_1707 = arith.mulf %mul3A_1704, %get3A_1706 : vector<16xf32>
        %get3A_1708 = arith.constant 512 : index
        %get3A_1709 = tpu.vector_load %arg11[%get3A_1708] {strides = array<i32>} : memref<1024xf32, #tpu.memory_space<vmem>>, vector<16xf32>,
        %add3A_1710 = arith.addf %mul3A_1707, %get3A_1709 : vector<16xf32>
        %swap3A_1711 = arith.index_cast %scan3A_19 : i32 to index
        %swap3A_1712 = arith.constant 512 : index
        %swap3A_1713 = tpu.vector_load %arg9[%swap3A_1711, %swap3A_1712] {strides = array<i32>} : memref<16x1024xf32, #tpu.memory_space<vmem>>, vector<16xf32>,
        tpu.vector_store %arg9[%swap3A_1711, %swap3A_1712], %add3A_1710 {strides = array<i32>} : memref<16x1024xf32, #tpu.memory_space<vmem>>, vector<16xf32>,
        %get3A_1714 = arith.index_cast %scan3A_19 : i32 to index
        %get3A_1715 = arith.constant 528 : index
        %get3A_1716 = tpu.vector_load %arg7[%get3A_1714, %get3A_1715] {strides = array<i32>} : memref<16x1024xf32, #tpu.memory_space<vmem>>, vector<16xf32>,
        %sub3A_1717 = vector.broadcast %mul3A_727 : f32 to vector<16xf32>
        %sub3A_1718 = arith.subf %get3A_1716, %sub3A_1717 : vector<16xf32>
        %mul3A_1719 = arith.mulf %sub3A_1718, %mul3A_1218 : vector<16xf32>
        %get3A_1720 = arith.constant 528 : index
        %get3A_1721 = tpu.vector_load %arg10[%get3A_1720] {strides = array<i32>} : memref<1024xf32, #tpu.memory_space<vmem>>, vector<16xf32>,
        %mul3A_1722 = arith.mulf %mul3A_1719, %get3A_1721 : vector<16xf32>
        %get3A_1723 = arith.constant 528 : index
        %get3A_1724 = tpu.vector_load %arg11[%get3A_1723] {strides = array<i32>} : memref<1024xf32, #tpu.memory_space<vmem>>, vector<16xf32>,
        %add3A_1725 = arith.addf %mul3A_1722, %get3A_1724 : vector<16xf32>
        %swap3A_1726 = arith.index_cast %scan3A_19 : i32 to index
        %swap3A_1727 = arith.constant 528 : index
        %swap3A_1728 = tpu.vector_load %arg9[%swap3A_1726, %swap3A_1727] {strides = array<i32>} : memref<16x1024xf32, #tpu.memory_space<vmem>>, vector<16xf32>,
        tpu.vector_store %arg9[%swap3A_1726, %swap3A_1727], %add3A_1725 {strides = array<i32>} : memref<16x1024xf32, #tpu.memory_space<vmem>>, vector<16xf32>,
        %get3A_1729 = arith.index_cast %scan3A_19 : i32 to index
        %get3A_1730 = arith.constant 544 : index
        %get3A_1731 = tpu.vector_load %arg7[%get3A_1729, %get3A_1730] {strides = array<i32>} : memref<16x1024xf32, #tpu.memory_space<vmem>>, vector<16xf32>,
        %sub3A_1732 = vector.broadcast %mul3A_727 : f32 to vector<16xf32>
        %sub3A_1733 = arith.subf %get3A_1731, %sub3A_1732 : vector<16xf32>
        %mul3A_1734 = arith.mulf %sub3A_1733, %mul3A_1218 : vector<16xf32>
        %get3A_1735 = arith.constant 544 : index
        %get3A_1736 = tpu.vector_load %arg10[%get3A_1735] {strides = array<i32>} : memref<1024xf32, #tpu.memory_space<vmem>>, vector<16xf32>,
        %mul3A_1737 = arith.mulf %mul3A_1734, %get3A_1736 : vector<16xf32>
        %get3A_1738 = arith.constant 544 : index
        %get3A_1739 = tpu.vector_load %arg11[%get3A_1738] {strides = array<i32>} : memref<1024xf32, #tpu.memory_space<vmem>>, vector<16xf32>,
        %add3A_1740 = arith.addf %mul3A_1737, %get3A_1739 : vector<16xf32>
        %swap3A_1741 = arith.index_cast %scan3A_19 : i32 to index
        %swap3A_1742 = arith.constant 544 : index
        %swap3A_1743 = tpu.vector_load %arg9[%swap3A_1741, %swap3A_1742] {strides = array<i32>} : memref<16x1024xf32, #tpu.memory_space<vmem>>, vector<16xf32>,
        tpu.vector_store %arg9[%swap3A_1741, %swap3A_1742], %add3A_1740 {strides = array<i32>} : memref<16x1024xf32, #tpu.memory_space<vmem>>, vector<16xf32>,
        %get3A_1744 = arith.index_cast %scan3A_19 : i32 to index
        %get3A_1745 = arith.constant 560 : index
        %get3A_1746 = tpu.vector_load %arg7[%get3A_1744, %get3A_1745] {strides = array<i32>} : memref<16x1024xf32, #tpu.memory_space<vmem>>, vector<16xf32>,
        %sub3A_1747 = vector.broadcast %mul3A_727 : f32 to vector<16xf32>
        %sub3A_1748 = arith.subf %get3A_1746, %sub3A_1747 : vector<16xf32>
        %mul3A_1749 = arith.mulf %sub3A_1748, %mul3A_1218 : vector<16xf32>
        %get3A_1750 = arith.constant 560 : index
        %get3A_1751 = tpu.vector_load %arg10[%get3A_1750] {strides = array<i32>} : memref<1024xf32, #tpu.memory_space<vmem>>, vector<16xf32>,
        %mul3A_1752 = arith.mulf %mul3A_1749, %get3A_1751 : vector<16xf32>
        %get3A_1753 = arith.constant 560 : index
        %get3A_1754 = tpu.vector_load %arg11[%get3A_1753] {strides = array<i32>} : memref<1024xf32, #tpu.memory_space<vmem>>, vector<16xf32>,
        %add3A_1755 = arith.addf %mul3A_1752, %get3A_1754 : vector<16xf32>
        %swap3A_1756 = arith.index_cast %scan3A_19 : i32 to index
        %swap3A_1757 = arith.constant 560 : index
        %swap3A_1758 = tpu.vector_load %arg9[%swap3A_1756, %swap3A_1757] {strides = array<i32>} : memref<16x1024xf32, #tpu.memory_space<vmem>>, vector<16xf32>,
        tpu.vector_store %arg9[%swap3A_1756, %swap3A_1757], %add3A_1755 {strides = array<i32>} : memref<16x1024xf32, #tpu.memory_space<vmem>>, vector<16xf32>,
        %get3A_1759 = arith.index_cast %scan3A_19 : i32 to index
        %get3A_1760 = arith.constant 576 : index
        %get3A_1761 = tpu.vector_load %arg7[%get3A_1759, %get3A_1760] {strides = array<i32>} : memref<16x1024xf32, #tpu.memory_space<vmem>>, vector<16xf32>,
        %sub3A_1762 = vector.broadcast %mul3A_727 : f32 to vector<16xf32>
        %sub3A_1763 = arith.subf %get3A_1761, %sub3A_1762 : vector<16xf32>
        %mul3A_1764 = arith.mulf %sub3A_1763, %mul3A_1218 : vector<16xf32>
        %get3A_1765 = arith.constant 576 : index
        %get3A_1766 = tpu.vector_load %arg10[%get3A_1765] {strides = array<i32>} : memref<1024xf32, #tpu.memory_space<vmem>>, vector<16xf32>,
        %mul3A_1767 = arith.mulf %mul3A_1764, %get3A_1766 : vector<16xf32>
        %get3A_1768 = arith.constant 576 : index
        %get3A_1769 = tpu.vector_load %arg11[%get3A_1768] {strides = array<i32>} : memref<1024xf32, #tpu.memory_space<vmem>>, vector<16xf32>,
        %add3A_1770 = arith.addf %mul3A_1767, %get3A_1769 : vector<16xf32>
        %swap3A_1771 = arith.index_cast %scan3A_19 : i32 to index
        %swap3A_1772 = arith.constant 576 : index
        %swap3A_1773 = tpu.vector_load %arg9[%swap3A_1771, %swap3A_1772] {strides = array<i32>} : memref<16x1024xf32, #tpu.memory_space<vmem>>, vector<16xf32>,
        tpu.vector_store %arg9[%swap3A_1771, %swap3A_1772], %add3A_1770 {strides = array<i32>} : memref<16x1024xf32, #tpu.memory_space<vmem>>, vector<16xf32>,
        %get3A_1774 = arith.index_cast %scan3A_19 : i32 to index
        %get3A_1775 = arith.constant 592 : index
        %get3A_1776 = tpu.vector_load %arg7[%get3A_1774, %get3A_1775] {strides = array<i32>} : memref<16x1024xf32, #tpu.memory_space<vmem>>, vector<16xf32>,
        %sub3A_1777 = vector.broadcast %mul3A_727 : f32 to vector<16xf32>
        %sub3A_1778 = arith.subf %get3A_1776, %sub3A_1777 : vector<16xf32>
        %mul3A_1779 = arith.mulf %sub3A_1778, %mul3A_1218 : vector<16xf32>
        %get3A_1780 = arith.constant 592 : index
        %get3A_1781 = tpu.vector_load %arg10[%get3A_1780] {strides = array<i32>} : memref<1024xf32, #tpu.memory_space<vmem>>, vector<16xf32>,
        %mul3A_1782 = arith.mulf %mul3A_1779, %get3A_1781 : vector<16xf32>
        %get3A_1783 = arith.constant 592 : index
        %get3A_1784 = tpu.vector_load %arg11[%get3A_1783] {strides = array<i32>} : memref<1024xf32, #tpu.memory_space<vmem>>, vector<16xf32>,
        %add3A_1785 = arith.addf %mul3A_1782, %get3A_1784 : vector<16xf32>
        %swap3A_1786 = arith.index_cast %scan3A_19 : i32 to index
        %swap3A_1787 = arith.constant 592 : index
        %swap3A_1788 = tpu.vector_load %arg9[%swap3A_1786, %swap3A_1787] {strides = array<i32>} : memref<16x1024xf32, #tpu.memory_space<vmem>>, vector<16xf32>,
        tpu.vector_store %arg9[%swap3A_1786, %swap3A_1787], %add3A_1785 {strides = array<i32>} : memref<16x1024xf32, #tpu.memory_space<vmem>>, vector<16xf32>,
        %get3A_1789 = arith.index_cast %scan3A_19 : i32 to index
        %get3A_1790 = arith.constant 608 : index
        %get3A_1791 = tpu.vector_load %arg7[%get3A_1789, %get3A_1790] {strides = array<i32>} : memref<16x1024xf32, #tpu.memory_space<vmem>>, vector<16xf32>,
        %sub3A_1792 = vector.broadcast %mul3A_727 : f32 to vector<16xf32>
        %sub3A_1793 = arith.subf %get3A_1791, %sub3A_1792 : vector<16xf32>
        %mul3A_1794 = arith.mulf %sub3A_1793, %mul3A_1218 : vector<16xf32>
        %get3A_1795 = arith.constant 608 : index
        %get3A_1796 = tpu.vector_load %arg10[%get3A_1795] {strides = array<i32>} : memref<1024xf32, #tpu.memory_space<vmem>>, vector<16xf32>,
        %mul3A_1797 = arith.mulf %mul3A_1794, %get3A_1796 : vector<16xf32>
        %get3A_1798 = arith.constant 608 : index
        %get3A_1799 = tpu.vector_load %arg11[%get3A_1798] {strides = array<i32>} : memref<1024xf32, #tpu.memory_space<vmem>>, vector<16xf32>,
        %add3A_1800 = arith.addf %mul3A_1797, %get3A_1799 : vector<16xf32>
        %swap3A_1801 = arith.index_cast %scan3A_19 : i32 to index
        %swap3A_1802 = arith.constant 608 : index
        %swap3A_1803 = tpu.vector_load %arg9[%swap3A_1801, %swap3A_1802] {strides = array<i32>} : memref<16x1024xf32, #tpu.memory_space<vmem>>, vector<16xf32>,
        tpu.vector_store %arg9[%swap3A_1801, %swap3A_1802], %add3A_1800 {strides = array<i32>} : memref<16x1024xf32, #tpu.memory_space<vmem>>, vector<16xf32>,
        %get3A_1804 = arith.index_cast %scan3A_19 : i32 to index
        %get3A_1805 = arith.constant 624 : index
        %get3A_1806 = tpu.vector_load %arg7[%get3A_1804, %get3A_1805] {strides = array<i32>} : memref<16x1024xf32, #tpu.memory_space<vmem>>, vector<16xf32>,
        %sub3A_1807 = vector.broadcast %mul3A_727 : f32 to vector<16xf32>
        %sub3A_1808 = arith.subf %get3A_1806, %sub3A_1807 : vector<16xf32>
        %mul3A_1809 = arith.mulf %sub3A_1808, %mul3A_1218 : vector<16xf32>
        %get3A_1810 = arith.constant 624 : index
        %get3A_1811 = tpu.vector_load %arg10[%get3A_1810] {strides = array<i32>} : memref<1024xf32, #tpu.memory_space<vmem>>, vector<16xf32>,
        %mul3A_1812 = arith.mulf %mul3A_1809, %get3A_1811 : vector<16xf32>
        %get3A_1813 = arith.constant 624 : index
        %get3A_1814 = tpu.vector_load %arg11[%get3A_1813] {strides = array<i32>} : memref<1024xf32, #tpu.memory_space<vmem>>, vector<16xf32>,
        %add3A_1815 = arith.addf %mul3A_1812, %get3A_1814 : vector<16xf32>
        %swap3A_1816 = arith.index_cast %scan3A_19 : i32 to index
        %swap3A_1817 = arith.constant 624 : index
        %swap3A_1818 = tpu.vector_load %arg9[%swap3A_1816, %swap3A_1817] {strides = array<i32>} : memref<16x1024xf32, #tpu.memory_space<vmem>>, vector<16xf32>,
        tpu.vector_store %arg9[%swap3A_1816, %swap3A_1817], %add3A_1815 {strides = array<i32>} : memref<16x1024xf32, #tpu.memory_space<vmem>>, vector<16xf32>,
        %get3A_1819 = arith.index_cast %scan3A_19 : i32 to index
        %get3A_1820 = arith.constant 640 : index
        %get3A_1821 = tpu.vector_load %arg7[%get3A_1819, %get3A_1820] {strides = array<i32>} : memref<16x1024xf32, #tpu.memory_space<vmem>>, vector<16xf32>,
        %sub3A_1822 = vector.broadcast %mul3A_727 : f32 to vector<16xf32>
        %sub3A_1823 = arith.subf %get3A_1821, %sub3A_1822 : vector<16xf32>
        %mul3A_1824 = arith.mulf %sub3A_1823, %mul3A_1218 : vector<16xf32>
        %get3A_1825 = arith.constant 640 : index
        %get3A_1826 = tpu.vector_load %arg10[%get3A_1825] {strides = array<i32>} : memref<1024xf32, #tpu.memory_space<vmem>>, vector<16xf32>,
        %mul3A_1827 = arith.mulf %mul3A_1824, %get3A_1826 : vector<16xf32>
        %get3A_1828 = arith.constant 640 : index
        %get3A_1829 = tpu.vector_load %arg11[%get3A_1828] {strides = array<i32>} : memref<1024xf32, #tpu.memory_space<vmem>>, vector<16xf32>,
        %add3A_1830 = arith.addf %mul3A_1827, %get3A_1829 : vector<16xf32>
        %swap3A_1831 = arith.index_cast %scan3A_19 : i32 to index
        %swap3A_1832 = arith.constant 640 : index
        %swap3A_1833 = tpu.vector_load %arg9[%swap3A_1831, %swap3A_1832] {strides = array<i32>} : memref<16x1024xf32, #tpu.memory_space<vmem>>, vector<16xf32>,
        tpu.vector_store %arg9[%swap3A_1831, %swap3A_1832], %add3A_1830 {strides = array<i32>} : memref<16x1024xf32, #tpu.memory_space<vmem>>, vector<16xf32>,
        %get3A_1834 = arith.index_cast %scan3A_19 : i32 to index
        %get3A_1835 = arith.constant 656 : index
        %get3A_1836 = tpu.vector_load %arg7[%get3A_1834, %get3A_1835] {strides = array<i32>} : memref<16x1024xf32, #tpu.memory_space<vmem>>, vector<16xf32>,
        %sub3A_1837 = vector.broadcast %mul3A_727 : f32 to vector<16xf32>
        %sub3A_1838 = arith.subf %get3A_1836, %sub3A_1837 : vector<16xf32>
        %mul3A_1839 = arith.mulf %sub3A_1838, %mul3A_1218 : vector<16xf32>
        %get3A_1840 = arith.constant 656 : index
        %get3A_1841 = tpu.vector_load %arg10[%get3A_1840] {strides = array<i32>} : memref<1024xf32, #tpu.memory_space<vmem>>, vector<16xf32>,
        %mul3A_1842 = arith.mulf %mul3A_1839, %get3A_1841 : vector<16xf32>
        %get3A_1843 = arith.constant 656 : index
        %get3A_1844 = tpu.vector_load %arg11[%get3A_1843] {strides = array<i32>} : memref<1024xf32, #tpu.memory_space<vmem>>, vector<16xf32>,
        %add3A_1845 = arith.addf %mul3A_1842, %get3A_1844 : vector<16xf32>
        %swap3A_1846 = arith.index_cast %scan3A_19 : i32 to index
        %swap3A_1847 = arith.constant 656 : index
        %swap3A_1848 = tpu.vector_load %arg9[%swap3A_1846, %swap3A_1847] {strides = array<i32>} : memref<16x1024xf32, #tpu.memory_space<vmem>>, vector<16xf32>,
        tpu.vector_store %arg9[%swap3A_1846, %swap3A_1847], %add3A_1845 {strides = array<i32>} : memref<16x1024xf32, #tpu.memory_space<vmem>>, vector<16xf32>,
        %get3A_1849 = arith.index_cast %scan3A_19 : i32 to index
        %get3A_1850 = arith.constant 672 : index
        %get3A_1851 = tpu.vector_load %arg7[%get3A_1849, %get3A_1850] {strides = array<i32>} : memref<16x1024xf32, #tpu.memory_space<vmem>>, vector<16xf32>,
        %sub3A_1852 = vector.broadcast %mul3A_727 : f32 to vector<16xf32>
        %sub3A_1853 = arith.subf %get3A_1851, %sub3A_1852 : vector<16xf32>
        %mul3A_1854 = arith.mulf %sub3A_1853, %mul3A_1218 : vector<16xf32>
        %get3A_1855 = arith.constant 672 : index
        %get3A_1856 = tpu.vector_load %arg10[%get3A_1855] {strides = array<i32>} : memref<1024xf32, #tpu.memory_space<vmem>>, vector<16xf32>,
        %mul3A_1857 = arith.mulf %mul3A_1854, %get3A_1856 : vector<16xf32>
        %get3A_1858 = arith.constant 672 : index
        %get3A_1859 = tpu.vector_load %arg11[%get3A_1858] {strides = array<i32>} : memref<1024xf32, #tpu.memory_space<vmem>>, vector<16xf32>,
        %add3A_1860 = arith.addf %mul3A_1857, %get3A_1859 : vector<16xf32>
        %swap3A_1861 = arith.index_cast %scan3A_19 : i32 to index
        %swap3A_1862 = arith.constant 672 : index
        %swap3A_1863 = tpu.vector_load %arg9[%swap3A_1861, %swap3A_1862] {strides = array<i32>} : memref<16x1024xf32, #tpu.memory_space<vmem>>, vector<16xf32>,
        tpu.vector_store %arg9[%swap3A_1861, %swap3A_1862], %add3A_1860 {strides = array<i32>} : memref<16x1024xf32, #tpu.memory_space<vmem>>, vector<16xf32>,
        %get3A_1864 = arith.index_cast %scan3A_19 : i32 to index
        %get3A_1865 = arith.constant 688 : index
        %get3A_1866 = tpu.vector_load %arg7[%get3A_1864, %get3A_1865] {strides = array<i32>} : memref<16x1024xf32, #tpu.memory_space<vmem>>, vector<16xf32>,
        %sub3A_1867 = vector.broadcast %mul3A_727 : f32 to vector<16xf32>
        %sub3A_1868 = arith.subf %get3A_1866, %sub3A_1867 : vector<16xf32>
        %mul3A_1869 = arith.mulf %sub3A_1868, %mul3A_1218 : vector<16xf32>
        %get3A_1870 = arith.constant 688 : index
        %get3A_1871 = tpu.vector_load %arg10[%get3A_1870] {strides = array<i32>} : memref<1024xf32, #tpu.memory_space<vmem>>, vector<16xf32>,
        %mul3A_1872 = arith.mulf %mul3A_1869, %get3A_1871 : vector<16xf32>
        %get3A_1873 = arith.constant 688 : index
        %get3A_1874 = tpu.vector_load %arg11[%get3A_1873] {strides = array<i32>} : memref<1024xf32, #tpu.memory_space<vmem>>, vector<16xf32>,
        %add3A_1875 = arith.addf %mul3A_1872, %get3A_1874 : vector<16xf32>
        %swap3A_1876 = arith.index_cast %scan3A_19 : i32 to index
        %swap3A_1877 = arith.constant 688 : index
        %swap3A_1878 = tpu.vector_load %arg9[%swap3A_1876, %swap3A_1877] {strides = array<i32>} : memref<16x1024xf32, #tpu.memory_space<vmem>>, vector<16xf32>,
        tpu.vector_store %arg9[%swap3A_1876, %swap3A_1877], %add3A_1875 {strides = array<i32>} : memref<16x1024xf32, #tpu.memory_space<vmem>>, vector<16xf32>,
        %get3A_1879 = arith.index_cast %scan3A_19 : i32 to index
        %get3A_1880 = arith.constant 704 : index
        %get3A_1881 = tpu.vector_load %arg7[%get3A_1879, %get3A_1880] {strides = array<i32>} : memref<16x1024xf32, #tpu.memory_space<vmem>>, vector<16xf32>,
        %sub3A_1882 = vector.broadcast %mul3A_727 : f32 to vector<16xf32>
        %sub3A_1883 = arith.subf %get3A_1881, %sub3A_1882 : vector<16xf32>
        %mul3A_1884 = arith.mulf %sub3A_1883, %mul3A_1218 : vector<16xf32>
        %get3A_1885 = arith.constant 704 : index
        %get3A_1886 = tpu.vector_load %arg10[%get3A_1885] {strides = array<i32>} : memref<1024xf32, #tpu.memory_space<vmem>>, vector<16xf32>,
        %mul3A_1887 = arith.mulf %mul3A_1884, %get3A_1886 : vector<16xf32>
        %get3A_1888 = arith.constant 704 : index
        %get3A_1889 = tpu.vector_load %arg11[%get3A_1888] {strides = array<i32>} : memref<1024xf32, #tpu.memory_space<vmem>>, vector<16xf32>,
        %add3A_1890 = arith.addf %mul3A_1887, %get3A_1889 : vector<16xf32>
        %swap3A_1891 = arith.index_cast %scan3A_19 : i32 to index
        %swap3A_1892 = arith.constant 704 : index
        %swap3A_1893 = tpu.vector_load %arg9[%swap3A_1891, %swap3A_1892] {strides = array<i32>} : memref<16x1024xf32, #tpu.memory_space<vmem>>, vector<16xf32>,
        tpu.vector_store %arg9[%swap3A_1891, %swap3A_1892], %add3A_1890 {strides = array<i32>} : memref<16x1024xf32, #tpu.memory_space<vmem>>, vector<16xf32>,
        %get3A_1894 = arith.index_cast %scan3A_19 : i32 to index
        %get3A_1895 = arith.constant 720 : index
        %get3A_1896 = tpu.vector_load %arg7[%get3A_1894, %get3A_1895] {strides = array<i32>} : memref<16x1024xf32, #tpu.memory_space<vmem>>, vector<16xf32>,
        %sub3A_1897 = vector.broadcast %mul3A_727 : f32 to vector<16xf32>
        %sub3A_1898 = arith.subf %get3A_1896, %sub3A_1897 : vector<16xf32>
        %mul3A_1899 = arith.mulf %sub3A_1898, %mul3A_1218 : vector<16xf32>
        %get3A_1900 = arith.constant 720 : index
        %get3A_1901 = tpu.vector_load %arg10[%get3A_1900] {strides = array<i32>} : memref<1024xf32, #tpu.memory_space<vmem>>, vector<16xf32>,
        %mul3A_1902 = arith.mulf %mul3A_1899, %get3A_1901 : vector<16xf32>
        %get3A_1903 = arith.constant 720 : index
        %get3A_1904 = tpu.vector_load %arg11[%get3A_1903] {strides = array<i32>} : memref<1024xf32, #tpu.memory_space<vmem>>, vector<16xf32>,
        %add3A_1905 = arith.addf %mul3A_1902, %get3A_1904 : vector<16xf32>
        %swap3A_1906 = arith.index_cast %scan3A_19 : i32 to index
        %swap3A_1907 = arith.constant 720 : index
        %swap3A_1908 = tpu.vector_load %arg9[%swap3A_1906, %swap3A_1907] {strides = array<i32>} : memref<16x1024xf32, #tpu.memory_space<vmem>>, vector<16xf32>,
        tpu.vector_store %arg9[%swap3A_1906, %swap3A_1907], %add3A_1905 {strides = array<i32>} : memref<16x1024xf32, #tpu.memory_space<vmem>>, vector<16xf32>,
        %get3A_1909 = arith.index_cast %scan3A_19 : i32 to index
        %get3A_1910 = arith.constant 736 : index
        %get3A_1911 = tpu.vector_load %arg7[%get3A_1909, %get3A_1910] {strides = array<i32>} : memref<16x1024xf32, #tpu.memory_space<vmem>>, vector<16xf32>,
        %sub3A_1912 = vector.broadcast %mul3A_727 : f32 to vector<16xf32>
        %sub3A_1913 = arith.subf %get3A_1911, %sub3A_1912 : vector<16xf32>
        %mul3A_1914 = arith.mulf %sub3A_1913, %mul3A_1218 : vector<16xf32>
        %get3A_1915 = arith.constant 736 : index
        %get3A_1916 = tpu.vector_load %arg10[%get3A_1915] {strides = array<i32>} : memref<1024xf32, #tpu.memory_space<vmem>>, vector<16xf32>,
        %mul3A_1917 = arith.mulf %mul3A_1914, %get3A_1916 : vector<16xf32>
        %get3A_1918 = arith.constant 736 : index
        %get3A_1919 = tpu.vector_load %arg11[%get3A_1918] {strides = array<i32>} : memref<1024xf32, #tpu.memory_space<vmem>>, vector<16xf32>,
        %add3A_1920 = arith.addf %mul3A_1917, %get3A_1919 : vector<16xf32>
        %swap3A_1921 = arith.index_cast %scan3A_19 : i32 to index
        %swap3A_1922 = arith.constant 736 : index
        %swap3A_1923 = tpu.vector_load %arg9[%swap3A_1921, %swap3A_1922] {strides = array<i32>} : memref<16x1024xf32, #tpu.memory_space<vmem>>, vector<16xf32>,
        tpu.vector_store %arg9[%swap3A_1921, %swap3A_1922], %add3A_1920 {strides = array<i32>} : memref<16x1024xf32, #tpu.memory_space<vmem>>, vector<16xf32>,
        %get3A_1924 = arith.index_cast %scan3A_19 : i32 to index
        %get3A_1925 = arith.constant 752 : index
        %get3A_1926 = tpu.vector_load %arg7[%get3A_1924, %get3A_1925] {strides = array<i32>} : memref<16x1024xf32, #tpu.memory_space<vmem>>, vector<16xf32>,
        %sub3A_1927 = vector.broadcast %mul3A_727 : f32 to vector<16xf32>
        %sub3A_1928 = arith.subf %get3A_1926, %sub3A_1927 : vector<16xf32>
        %mul3A_1929 = arith.mulf %sub3A_1928, %mul3A_1218 : vector<16xf32>
        %get3A_1930 = arith.constant 752 : index
        %get3A_1931 = tpu.vector_load %arg10[%get3A_1930] {strides = array<i32>} : memref<1024xf32, #tpu.memory_space<vmem>>, vector<16xf32>,
        %mul3A_1932 = arith.mulf %mul3A_1929, %get3A_1931 : vector<16xf32>
        %get3A_1933 = arith.constant 752 : index
        %get3A_1934 = tpu.vector_load %arg11[%get3A_1933] {strides = array<i32>} : memref<1024xf32, #tpu.memory_space<vmem>>, vector<16xf32>,
        %add3A_1935 = arith.addf %mul3A_1932, %get3A_1934 : vector<16xf32>
        %swap3A_1936 = arith.index_cast %scan3A_19 : i32 to index
        %swap3A_1937 = arith.constant 752 : index
        %swap3A_1938 = tpu.vector_load %arg9[%swap3A_1936, %swap3A_1937] {strides = array<i32>} : memref<16x1024xf32, #tpu.memory_space<vmem>>, vector<16xf32>,
        tpu.vector_store %arg9[%swap3A_1936, %swap3A_1937], %add3A_1935 {strides = array<i32>} : memref<16x1024xf32, #tpu.memory_space<vmem>>, vector<16xf32>,
        %get3A_1939 = arith.index_cast %scan3A_19 : i32 to index
        %get3A_1940 = arith.constant 768 : index
        %get3A_1941 = tpu.vector_load %arg7[%get3A_1939, %get3A_1940] {strides = array<i32>} : memref<16x1024xf32, #tpu.memory_space<vmem>>, vector<16xf32>,
        %sub3A_1942 = vector.broadcast %mul3A_727 : f32 to vector<16xf32>
        %sub3A_1943 = arith.subf %get3A_1941, %sub3A_1942 : vector<16xf32>
        %mul3A_1944 = arith.mulf %sub3A_1943, %mul3A_1218 : vector<16xf32>
        %get3A_1945 = arith.constant 768 : index
        %get3A_1946 = tpu.vector_load %arg10[%get3A_1945] {strides = array<i32>} : memref<1024xf32, #tpu.memory_space<vmem>>, vector<16xf32>,
        %mul3A_1947 = arith.mulf %mul3A_1944, %get3A_1946 : vector<16xf32>
        %get3A_1948 = arith.constant 768 : index
        %get3A_1949 = tpu.vector_load %arg11[%get3A_1948] {strides = array<i32>} : memref<1024xf32, #tpu.memory_space<vmem>>, vector<16xf32>,
        %add3A_1950 = arith.addf %mul3A_1947, %get3A_1949 : vector<16xf32>
        %swap3A_1951 = arith.index_cast %scan3A_19 : i32 to index
        %swap3A_1952 = arith.constant 768 : index
        %swap3A_1953 = tpu.vector_load %arg9[%swap3A_1951, %swap3A_1952] {strides = array<i32>} : memref<16x1024xf32, #tpu.memory_space<vmem>>, vector<16xf32>,
        tpu.vector_store %arg9[%swap3A_1951, %swap3A_1952], %add3A_1950 {strides = array<i32>} : memref<16x1024xf32, #tpu.memory_space<vmem>>, vector<16xf32>,
        %get3A_1954 = arith.index_cast %scan3A_19 : i32 to index
        %get3A_1955 = arith.constant 784 : index
        %get3A_1956 = tpu.vector_load %arg7[%get3A_1954, %get3A_1955] {strides = array<i32>} : memref<16x1024xf32, #tpu.memory_space<vmem>>, vector<16xf32>,
        %sub3A_1957 = vector.broadcast %mul3A_727 : f32 to vector<16xf32>
        %sub3A_1958 = arith.subf %get3A_1956, %sub3A_1957 : vector<16xf32>
        %mul3A_1959 = arith.mulf %sub3A_1958, %mul3A_1218 : vector<16xf32>
        %get3A_1960 = arith.constant 784 : index
        %get3A_1961 = tpu.vector_load %arg10[%get3A_1960] {strides = array<i32>} : memref<1024xf32, #tpu.memory_space<vmem>>, vector<16xf32>,
        %mul3A_1962 = arith.mulf %mul3A_1959, %get3A_1961 : vector<16xf32>
        %get3A_1963 = arith.constant 784 : index
        %get3A_1964 = tpu.vector_load %arg11[%get3A_1963] {strides = array<i32>} : memref<1024xf32, #tpu.memory_space<vmem>>, vector<16xf32>,
        %add3A_1965 = arith.addf %mul3A_1962, %get3A_1964 : vector<16xf32>
        %swap3A_1966 = arith.index_cast %scan3A_19 : i32 to index
        %swap3A_1967 = arith.constant 784 : index
        %swap3A_1968 = tpu.vector_load %arg9[%swap3A_1966, %swap3A_1967] {strides = array<i32>} : memref<16x1024xf32, #tpu.memory_space<vmem>>, vector<16xf32>,
        tpu.vector_store %arg9[%swap3A_1966, %swap3A_1967], %add3A_1965 {strides = array<i32>} : memref<16x1024xf32, #tpu.memory_space<vmem>>, vector<16xf32>,
        %get3A_1969 = arith.index_cast %scan3A_19 : i32 to index
        %get3A_1970 = arith.constant 800 : index
        %get3A_1971 = tpu.vector_load %arg7[%get3A_1969, %get3A_1970] {strides = array<i32>} : memref<16x1024xf32, #tpu.memory_space<vmem>>, vector<16xf32>,
        %sub3A_1972 = vector.broadcast %mul3A_727 : f32 to vector<16xf32>
        %sub3A_1973 = arith.subf %get3A_1971, %sub3A_1972 : vector<16xf32>
        %mul3A_1974 = arith.mulf %sub3A_1973, %mul3A_1218 : vector<16xf32>
        %get3A_1975 = arith.constant 800 : index
        %get3A_1976 = tpu.vector_load %arg10[%get3A_1975] {strides = array<i32>} : memref<1024xf32, #tpu.memory_space<vmem>>, vector<16xf32>,
        %mul3A_1977 = arith.mulf %mul3A_1974, %get3A_1976 : vector<16xf32>
        %get3A_1978 = arith.constant 800 : index
        %get3A_1979 = tpu.vector_load %arg11[%get3A_1978] {strides = array<i32>} : memref<1024xf32, #tpu.memory_space<vmem>>, vector<16xf32>,
        %add3A_1980 = arith.addf %mul3A_1977, %get3A_1979 : vector<16xf32>
        %swap3A_1981 = arith.index_cast %scan3A_19 : i32 to index
        %swap3A_1982 = arith.constant 800 : index
        %swap3A_1983 = tpu.vector_load %arg9[%swap3A_1981, %swap3A_1982] {strides = array<i32>} : memref<16x1024xf32, #tpu.memory_space<vmem>>, vector<16xf32>,
        tpu.vector_store %arg9[%swap3A_1981, %swap3A_1982], %add3A_1980 {strides = array<i32>} : memref<16x1024xf32, #tpu.memory_space<vmem>>, vector<16xf32>,
        %get3A_1984 = arith.index_cast %scan3A_19 : i32 to index
        %get3A_1985 = arith.constant 816 : index
        %get3A_1986 = tpu.vector_load %arg7[%get3A_1984, %get3A_1985] {strides = array<i32>} : memref<16x1024xf32, #tpu.memory_space<vmem>>, vector<16xf32>,
        %sub3A_1987 = vector.broadcast %mul3A_727 : f32 to vector<16xf32>
        %sub3A_1988 = arith.subf %get3A_1986, %sub3A_1987 : vector<16xf32>
        %mul3A_1989 = arith.mulf %sub3A_1988, %mul3A_1218 : vector<16xf32>
        %get3A_1990 = arith.constant 816 : index
        %get3A_1991 = tpu.vector_load %arg10[%get3A_1990] {strides = array<i32>} : memref<1024xf32, #tpu.memory_space<vmem>>, vector<16xf32>,
        %mul3A_1992 = arith.mulf %mul3A_1989, %get3A_1991 : vector<16xf32>
        %get3A_1993 = arith.constant 816 : index
        %get3A_1994 = tpu.vector_load %arg11[%get3A_1993] {strides = array<i32>} : memref<1024xf32, #tpu.memory_space<vmem>>, vector<16xf32>,
        %add3A_1995 = arith.addf %mul3A_1992, %get3A_1994 : vector<16xf32>
        %swap3A_1996 = arith.index_cast %scan3A_19 : i32 to index
        %swap3A_1997 = arith.constant 816 : index
        %swap3A_1998 = tpu.vector_load %arg9[%swap3A_1996, %swap3A_1997] {strides = array<i32>} : memref<16x1024xf32, #tpu.memory_space<vmem>>, vector<16xf32>,
        tpu.vector_store %arg9[%swap3A_1996, %swap3A_1997], %add3A_1995 {strides = array<i32>} : memref<16x1024xf32, #tpu.memory_space<vmem>>, vector<16xf32>,
        %get3A_1999 = arith.index_cast %scan3A_19 : i32 to index
        %get3A_2000 = arith.constant 832 : index
        %get3A_2001 = tpu.vector_load %arg7[%get3A_1999, %get3A_2000] {strides = array<i32>} : memref<16x1024xf32, #tpu.memory_space<vmem>>, vector<16xf32>,
        %sub3A_2002 = vector.broadcast %mul3A_727 : f32 to vector<16xf32>
        %sub3A_2003 = arith.subf %get3A_2001, %sub3A_2002 : vector<16xf32>
        %mul3A_2004 = arith.mulf %sub3A_2003, %mul3A_1218 : vector<16xf32>
        %get3A_2005 = arith.constant 832 : index
        %get3A_2006 = tpu.vector_load %arg10[%get3A_2005] {strides = array<i32>} : memref<1024xf32, #tpu.memory_space<vmem>>, vector<16xf32>,
        %mul3A_2007 = arith.mulf %mul3A_2004, %get3A_2006 : vector<16xf32>
        %get3A_2008 = arith.constant 832 : index
        %get3A_2009 = tpu.vector_load %arg11[%get3A_2008] {strides = array<i32>} : memref<1024xf32, #tpu.memory_space<vmem>>, vector<16xf32>,
        %add3A_2010 = arith.addf %mul3A_2007, %get3A_2009 : vector<16xf32>
        %swap3A_2011 = arith.index_cast %scan3A_19 : i32 to index
        %swap3A_2012 = arith.constant 832 : index
        %swap3A_2013 = tpu.vector_load %arg9[%swap3A_2011, %swap3A_2012] {strides = array<i32>} : memref<16x1024xf32, #tpu.memory_space<vmem>>, vector<16xf32>,
        tpu.vector_store %arg9[%swap3A_2011, %swap3A_2012], %add3A_2010 {strides = array<i32>} : memref<16x1024xf32, #tpu.memory_space<vmem>>, vector<16xf32>,
        %get3A_2014 = arith.index_cast %scan3A_19 : i32 to index
        %get3A_2015 = arith.constant 848 : index
        %get3A_2016 = tpu.vector_load %arg7[%get3A_2014, %get3A_2015] {strides = array<i32>} : memref<16x1024xf32, #tpu.memory_space<vmem>>, vector<16xf32>,
        %sub3A_2017 = vector.broadcast %mul3A_727 : f32 to vector<16xf32>
        %sub3A_2018 = arith.subf %get3A_2016, %sub3A_2017 : vector<16xf32>
        %mul3A_2019 = arith.mulf %sub3A_2018, %mul3A_1218 : vector<16xf32>
        %get3A_2020 = arith.constant 848 : index
        %get3A_2021 = tpu.vector_load %arg10[%get3A_2020] {strides = array<i32>} : memref<1024xf32, #tpu.memory_space<vmem>>, vector<16xf32>,
        %mul3A_2022 = arith.mulf %mul3A_2019, %get3A_2021 : vector<16xf32>
        %get3A_2023 = arith.constant 848 : index
        %get3A_2024 = tpu.vector_load %arg11[%get3A_2023] {strides = array<i32>} : memref<1024xf32, #tpu.memory_space<vmem>>, vector<16xf32>,
        %add3A_2025 = arith.addf %mul3A_2022, %get3A_2024 : vector<16xf32>
        %swap3A_2026 = arith.index_cast %scan3A_19 : i32 to index
        %swap3A_2027 = arith.constant 848 : index
        %swap3A_2028 = tpu.vector_load %arg9[%swap3A_2026, %swap3A_2027] {strides = array<i32>} : memref<16x1024xf32, #tpu.memory_space<vmem>>, vector<16xf32>,
        tpu.vector_store %arg9[%swap3A_2026, %swap3A_2027], %add3A_2025 {strides = array<i32>} : memref<16x1024xf32, #tpu.memory_space<vmem>>, vector<16xf32>,
        %get3A_2029 = arith.index_cast %scan3A_19 : i32 to index
        %get3A_2030 = arith.constant 864 : index
        %get3A_2031 = tpu.vector_load %arg7[%get3A_2029, %get3A_2030] {strides = array<i32>} : memref<16x1024xf32, #tpu.memory_space<vmem>>, vector<16xf32>,
        %sub3A_2032 = vector.broadcast %mul3A_727 : f32 to vector<16xf32>
        %sub3A_2033 = arith.subf %get3A_2031, %sub3A_2032 : vector<16xf32>
        %mul3A_2034 = arith.mulf %sub3A_2033, %mul3A_1218 : vector<16xf32>
        %get3A_2035 = arith.constant 864 : index
        %get3A_2036 = tpu.vector_load %arg10[%get3A_2035] {strides = array<i32>} : memref<1024xf32, #tpu.memory_space<vmem>>, vector<16xf32>,
        %mul3A_2037 = arith.mulf %mul3A_2034, %get3A_2036 : vector<16xf32>
        %get3A_2038 = arith.constant 864 : index
        %get3A_2039 = tpu.vector_load %arg11[%get3A_2038] {strides = array<i32>} : memref<1024xf32, #tpu.memory_space<vmem>>, vector<16xf32>,
        %add3A_2040 = arith.addf %mul3A_2037, %get3A_2039 : vector<16xf32>
        %swap3A_2041 = arith.index_cast %scan3A_19 : i32 to index
        %swap3A_2042 = arith.constant 864 : index
        %swap3A_2043 = tpu.vector_load %arg9[%swap3A_2041, %swap3A_2042] {strides = array<i32>} : memref<16x1024xf32, #tpu.memory_space<vmem>>, vector<16xf32>,
        tpu.vector_store %arg9[%swap3A_2041, %swap3A_2042], %add3A_2040 {strides = array<i32>} : memref<16x1024xf32, #tpu.memory_space<vmem>>, vector<16xf32>,
        %get3A_2044 = arith.index_cast %scan3A_19 : i32 to index
        %get3A_2045 = arith.constant 880 : index
        %get3A_2046 = tpu.vector_load %arg7[%get3A_2044, %get3A_2045] {strides = array<i32>} : memref<16x1024xf32, #tpu.memory_space<vmem>>, vector<16xf32>,
        %sub3A_2047 = vector.broadcast %mul3A_727 : f32 to vector<16xf32>
        %sub3A_2048 = arith.subf %get3A_2046, %sub3A_2047 : vector<16xf32>
        %mul3A_2049 = arith.mulf %sub3A_2048, %mul3A_1218 : vector<16xf32>
        %get3A_2050 = arith.constant 880 : index
        %get3A_2051 = tpu.vector_load %arg10[%get3A_2050] {strides = array<i32>} : memref<1024xf32, #tpu.memory_space<vmem>>, vector<16xf32>,
        %mul3A_2052 = arith.mulf %mul3A_2049, %get3A_2051 : vector<16xf32>
        %get3A_2053 = arith.constant 880 : index
        %get3A_2054 = tpu.vector_load %arg11[%get3A_2053] {strides = array<i32>} : memref<1024xf32, #tpu.memory_space<vmem>>, vector<16xf32>,
        %add3A_2055 = arith.addf %mul3A_2052, %get3A_2054 : vector<16xf32>
        %swap3A_2056 = arith.index_cast %scan3A_19 : i32 to index
        %swap3A_2057 = arith.constant 880 : index
        %swap3A_2058 = tpu.vector_load %arg9[%swap3A_2056, %swap3A_2057] {strides = array<i32>} : memref<16x1024xf32, #tpu.memory_space<vmem>>, vector<16xf32>,
        tpu.vector_store %arg9[%swap3A_2056, %swap3A_2057], %add3A_2055 {strides = array<i32>} : memref<16x1024xf32, #tpu.memory_space<vmem>>, vector<16xf32>,
        %get3A_2059 = arith.index_cast %scan3A_19 : i32 to index
        %get3A_2060 = arith.constant 896 : index
        %get3A_2061 = tpu.vector_load %arg7[%get3A_2059, %get3A_2060] {strides = array<i32>} : memref<16x1024xf32, #tpu.memory_space<vmem>>, vector<16xf32>,
        %sub3A_2062 = vector.broadcast %mul3A_727 : f32 to vector<16xf32>
        %sub3A_2063 = arith.subf %get3A_2061, %sub3A_2062 : vector<16xf32>
        %mul3A_2064 = arith.mulf %sub3A_2063, %mul3A_1218 : vector<16xf32>
        %get3A_2065 = arith.constant 896 : index
        %get3A_2066 = tpu.vector_load %arg10[%get3A_2065] {strides = array<i32>} : memref<1024xf32, #tpu.memory_space<vmem>>, vector<16xf32>,
        %mul3A_2067 = arith.mulf %mul3A_2064, %get3A_2066 : vector<16xf32>
        %get3A_2068 = arith.constant 896 : index
        %get3A_2069 = tpu.vector_load %arg11[%get3A_2068] {strides = array<i32>} : memref<1024xf32, #tpu.memory_space<vmem>>, vector<16xf32>,
        %add3A_2070 = arith.addf %mul3A_2067, %get3A_2069 : vector<16xf32>
        %swap3A_2071 = arith.index_cast %scan3A_19 : i32 to index
        %swap3A_2072 = arith.constant 896 : index
        %swap3A_2073 = tpu.vector_load %arg9[%swap3A_2071, %swap3A_2072] {strides = array<i32>} : memref<16x1024xf32, #tpu.memory_space<vmem>>, vector<16xf32>,
        tpu.vector_store %arg9[%swap3A_2071, %swap3A_2072], %add3A_2070 {strides = array<i32>} : memref<16x1024xf32, #tpu.memory_space<vmem>>, vector<16xf32>,
        %get3A_2074 = arith.index_cast %scan3A_19 : i32 to index
        %get3A_2075 = arith.constant 912 : index
        %get3A_2076 = tpu.vector_load %arg7[%get3A_2074, %get3A_2075] {strides = array<i32>} : memref<16x1024xf32, #tpu.memory_space<vmem>>, vector<16xf32>,
        %sub3A_2077 = vector.broadcast %mul3A_727 : f32 to vector<16xf32>
        %sub3A_2078 = arith.subf %get3A_2076, %sub3A_2077 : vector<16xf32>
        %mul3A_2079 = arith.mulf %sub3A_2078, %mul3A_1218 : vector<16xf32>
        %get3A_2080 = arith.constant 912 : index
        %get3A_2081 = tpu.vector_load %arg10[%get3A_2080] {strides = array<i32>} : memref<1024xf32, #tpu.memory_space<vmem>>, vector<16xf32>,
        %mul3A_2082 = arith.mulf %mul3A_2079, %get3A_2081 : vector<16xf32>
        %get3A_2083 = arith.constant 912 : index
        %get3A_2084 = tpu.vector_load %arg11[%get3A_2083] {strides = array<i32>} : memref<1024xf32, #tpu.memory_space<vmem>>, vector<16xf32>,
        %add3A_2085 = arith.addf %mul3A_2082, %get3A_2084 : vector<16xf32>
        %swap3A_2086 = arith.index_cast %scan3A_19 : i32 to index
        %swap3A_2087 = arith.constant 912 : index
        %swap3A_2088 = tpu.vector_load %arg9[%swap3A_2086, %swap3A_2087] {strides = array<i32>} : memref<16x1024xf32, #tpu.memory_space<vmem>>, vector<16xf32>,
        tpu.vector_store %arg9[%swap3A_2086, %swap3A_2087], %add3A_2085 {strides = array<i32>} : memref<16x1024xf32, #tpu.memory_space<vmem>>, vector<16xf32>,
        %get3A_2089 = arith.index_cast %scan3A_19 : i32 to index
        %get3A_2090 = arith.constant 928 : index
        %get3A_2091 = tpu.vector_load %arg7[%get3A_2089, %get3A_2090] {strides = array<i32>} : memref<16x1024xf32, #tpu.memory_space<vmem>>, vector<16xf32>,
        %sub3A_2092 = vector.broadcast %mul3A_727 : f32 to vector<16xf32>
        %sub3A_2093 = arith.subf %get3A_2091, %sub3A_2092 : vector<16xf32>
        %mul3A_2094 = arith.mulf %sub3A_2093, %mul3A_1218 : vector<16xf32>
        %get3A_2095 = arith.constant 928 : index
        %get3A_2096 = tpu.vector_load %arg10[%get3A_2095] {strides = array<i32>} : memref<1024xf32, #tpu.memory_space<vmem>>, vector<16xf32>,
        %mul3A_2097 = arith.mulf %mul3A_2094, %get3A_2096 : vector<16xf32>
        %get3A_2098 = arith.constant 928 : index
        %get3A_2099 = tpu.vector_load %arg11[%get3A_2098] {strides = array<i32>} : memref<1024xf32, #tpu.memory_space<vmem>>, vector<16xf32>,
        %add3A_2100 = arith.addf %mul3A_2097, %get3A_2099 : vector<16xf32>
        %swap3A_2101 = arith.index_cast %scan3A_19 : i32 to index
        %swap3A_2102 = arith.constant 928 : index
        %swap3A_2103 = tpu.vector_load %arg9[%swap3A_2101, %swap3A_2102] {strides = array<i32>} : memref<16x1024xf32, #tpu.memory_space<vmem>>, vector<16xf32>,
        tpu.vector_store %arg9[%swap3A_2101, %swap3A_2102], %add3A_2100 {strides = array<i32>} : memref<16x1024xf32, #tpu.memory_space<vmem>>, vector<16xf32>,
        %get3A_2104 = arith.index_cast %scan3A_19 : i32 to index
        %get3A_2105 = arith.constant 944 : index
        %get3A_2106 = tpu.vector_load %arg7[%get3A_2104, %get3A_2105] {strides = array<i32>} : memref<16x1024xf32, #tpu.memory_space<vmem>>, vector<16xf32>,
        %sub3A_2107 = vector.broadcast %mul3A_727 : f32 to vector<16xf32>
        %sub3A_2108 = arith.subf %get3A_2106, %sub3A_2107 : vector<16xf32>
        %mul3A_2109 = arith.mulf %sub3A_2108, %mul3A_1218 : vector<16xf32>
        %get3A_2110 = arith.constant 944 : index
        %get3A_2111 = tpu.vector_load %arg10[%get3A_2110] {strides = array<i32>} : memref<1024xf32, #tpu.memory_space<vmem>>, vector<16xf32>,
        %mul3A_2112 = arith.mulf %mul3A_2109, %get3A_2111 : vector<16xf32>
        %get3A_2113 = arith.constant 944 : index
        %get3A_2114 = tpu.vector_load %arg11[%get3A_2113] {strides = array<i32>} : memref<1024xf32, #tpu.memory_space<vmem>>, vector<16xf32>,
        %add3A_2115 = arith.addf %mul3A_2112, %get3A_2114 : vector<16xf32>
        %swap3A_2116 = arith.index_cast %scan3A_19 : i32 to index
        %swap3A_2117 = arith.constant 944 : index
        %swap3A_2118 = tpu.vector_load %arg9[%swap3A_2116, %swap3A_2117] {strides = array<i32>} : memref<16x1024xf32, #tpu.memory_space<vmem>>, vector<16xf32>,
        tpu.vector_store %arg9[%swap3A_2116, %swap3A_2117], %add3A_2115 {strides = array<i32>} : memref<16x1024xf32, #tpu.memory_space<vmem>>, vector<16xf32>,
        %get3A_2119 = arith.index_cast %scan3A_19 : i32 to index
        %get3A_2120 = arith.constant 960 : index
        %get3A_2121 = tpu.vector_load %arg7[%get3A_2119, %get3A_2120] {strides = array<i32>} : memref<16x1024xf32, #tpu.memory_space<vmem>>, vector<16xf32>,
        %sub3A_2122 = vector.broadcast %mul3A_727 : f32 to vector<16xf32>
        %sub3A_2123 = arith.subf %get3A_2121, %sub3A_2122 : vector<16xf32>
        %mul3A_2124 = arith.mulf %sub3A_2123, %mul3A_1218 : vector<16xf32>
        %get3A_2125 = arith.constant 960 : index
        %get3A_2126 = tpu.vector_load %arg10[%get3A_2125] {strides = array<i32>} : memref<1024xf32, #tpu.memory_space<vmem>>, vector<16xf32>,
        %mul3A_2127 = arith.mulf %mul3A_2124, %get3A_2126 : vector<16xf32>
        %get3A_2128 = arith.constant 960 : index
        %get3A_2129 = tpu.vector_load %arg11[%get3A_2128] {strides = array<i32>} : memref<1024xf32, #tpu.memory_space<vmem>>, vector<16xf32>,
        %add3A_2130 = arith.addf %mul3A_2127, %get3A_2129 : vector<16xf32>
        %swap3A_2131 = arith.index_cast %scan3A_19 : i32 to index
        %swap3A_2132 = arith.constant 960 : index
        %swap3A_2133 = tpu.vector_load %arg9[%swap3A_2131, %swap3A_2132] {strides = array<i32>} : memref<16x1024xf32, #tpu.memory_space<vmem>>, vector<16xf32>,
        tpu.vector_store %arg9[%swap3A_2131, %swap3A_2132], %add3A_2130 {strides = array<i32>} : memref<16x1024xf32, #tpu.memory_space<vmem>>, vector<16xf32>,
        %get3A_2134 = arith.index_cast %scan3A_19 : i32 to index
        %get3A_2135 = arith.constant 976 : index
        %get3A_2136 = tpu.vector_load %arg7[%get3A_2134, %get3A_2135] {strides = array<i32>} : memref<16x1024xf32, #tpu.memory_space<vmem>>, vector<16xf32>,
        %sub3A_2137 = vector.broadcast %mul3A_727 : f32 to vector<16xf32>
        %sub3A_2138 = arith.subf %get3A_2136, %sub3A_2137 : vector<16xf32>
        %mul3A_2139 = arith.mulf %sub3A_2138, %mul3A_1218 : vector<16xf32>
        %get3A_2140 = arith.constant 976 : index
        %get3A_2141 = tpu.vector_load %arg10[%get3A_2140] {strides = array<i32>} : memref<1024xf32, #tpu.memory_space<vmem>>, vector<16xf32>,
        %mul3A_2142 = arith.mulf %mul3A_2139, %get3A_2141 : vector<16xf32>
        %get3A_2143 = arith.constant 976 : index
        %get3A_2144 = tpu.vector_load %arg11[%get3A_2143] {strides = array<i32>} : memref<1024xf32, #tpu.memory_space<vmem>>, vector<16xf32>,
        %add3A_2145 = arith.addf %mul3A_2142, %get3A_2144 : vector<16xf32>
        %swap3A_2146 = arith.index_cast %scan3A_19 : i32 to index
        %swap3A_2147 = arith.constant 976 : index
        %swap3A_2148 = tpu.vector_load %arg9[%swap3A_2146, %swap3A_2147] {strides = array<i32>} : memref<16x1024xf32, #tpu.memory_space<vmem>>, vector<16xf32>,
        tpu.vector_store %arg9[%swap3A_2146, %swap3A_2147], %add3A_2145 {strides = array<i32>} : memref<16x1024xf32, #tpu.memory_space<vmem>>, vector<16xf32>,
        %get3A_2149 = arith.index_cast %scan3A_19 : i32 to index
        %get3A_2150 = arith.constant 992 : index
        %get3A_2151 = tpu.vector_load %arg7[%get3A_2149, %get3A_2150] {strides = array<i32>} : memref<16x1024xf32, #tpu.memory_space<vmem>>, vector<16xf32>,
        %sub3A_2152 = vector.broadcast %mul3A_727 : f32 to vector<16xf32>
        %sub3A_2153 = arith.subf %get3A_2151, %sub3A_2152 : vector<16xf32>
        %mul3A_2154 = arith.mulf %sub3A_2153, %mul3A_1218 : vector<16xf32>
        %get3A_2155 = arith.constant 992 : index
        %get3A_2156 = tpu.vector_load %arg10[%get3A_2155] {strides = array<i32>} : memref<1024xf32, #tpu.memory_space<vmem>>, vector<16xf32>,
        %mul3A_2157 = arith.mulf %mul3A_2154, %get3A_2156 : vector<16xf32>
        %get3A_2158 = arith.constant 992 : index
        %get3A_2159 = tpu.vector_load %arg11[%get3A_2158] {strides = array<i32>} : memref<1024xf32, #tpu.memory_space<vmem>>, vector<16xf32>,
        %add3A_2160 = arith.addf %mul3A_2157, %get3A_2159 : vector<16xf32>
        %swap3A_2161 = arith.index_cast %scan3A_19 : i32 to index
        %swap3A_2162 = arith.constant 992 : index
        %swap3A_2163 = tpu.vector_load %arg9[%swap3A_2161, %swap3A_2162] {strides = array<i32>} : memref<16x1024xf32, #tpu.memory_space<vmem>>, vector<16xf32>,
        tpu.vector_store %arg9[%swap3A_2161, %swap3A_2162], %add3A_2160 {strides = array<i32>} : memref<16x1024xf32, #tpu.memory_space<vmem>>, vector<16xf32>,
        %get3A_2164 = arith.index_cast %scan3A_19 : i32 to index
        %get3A_2165 = arith.constant 1008 : index
        %get3A_2166 = tpu.vector_load %arg7[%get3A_2164, %get3A_2165] {strides = array<i32>} : memref<16x1024xf32, #tpu.memory_space<vmem>>, vector<16xf32>,
        %sub3A_2167 = vector.broadcast %mul3A_727 : f32 to vector<16xf32>
        %sub3A_2168 = arith.subf %get3A_2166, %sub3A_2167 : vector<16xf32>
        %mul3A_2169 = arith.mulf %sub3A_2168, %mul3A_1218 : vector<16xf32>
        %get3A_2170 = arith.constant 1008 : index
        %get3A_2171 = tpu.vector_load %arg10[%get3A_2170] {strides = array<i32>} : memref<1024xf32, #tpu.memory_space<vmem>>, vector<16xf32>,
        %mul3A_2172 = arith.mulf %mul3A_2169, %get3A_2171 : vector<16xf32>
        %get3A_2173 = arith.constant 1008 : index
        %get3A_2174 = tpu.vector_load %arg11[%get3A_2173] {strides = array<i32>} : memref<1024xf32, #tpu.memory_space<vmem>>, vector<16xf32>,
        %add3A_2175 = arith.addf %mul3A_2172, %get3A_2174 : vector<16xf32>
        %swap3A_2176 = arith.index_cast %scan3A_19 : i32 to index
        %swap3A_2177 = arith.constant 1008 : index
        %swap3A_2178 = tpu.vector_load %arg9[%swap3A_2176, %swap3A_2177] {strides = array<i32>} : memref<16x1024xf32, #tpu.memory_space<vmem>>, vector<16xf32>,
        tpu.vector_store %arg9[%swap3A_2176, %swap3A_2177], %add3A_2175 {strides = array<i32>} : memref<16x1024xf32, #tpu.memory_space<vmem>>, vector<16xf32>,
      }
      %scan3A_18 = arith.constant 16 : i32
      "tpu.region"() ({
        %run_scoped3A = tpu.sem_alloc : memref<!tpu.dma_semaphore, #tpu.memory_space<semaphore_mem>>
        %dma_start3A = arith.constant 0 : i32
        %dma_start3A_19 = tpu.memref_slice %arg6[%add3A_11, %dma_start3A] : memref<32768x1024xf32, #tpu.memory_space<hbm>> -> memref<16x1024xf32, #tpu.memory_space<hbm>>
        %dma_start3A_20 = arith.constant 0 : i32
        %dma_start3A_21 = tpu.memref_slice %arg6[%add3A_11, %dma_start3A_20] : memref<32768x1024xf32, #tpu.memory_space<hbm>> -> memref<16x1024xf32, #tpu.memory_space<hbm>>
        tpu.enqueue_dma source(%arg9 : memref<16x1024xf32, #tpu.memory_space<vmem>>) target(%dma_start3A_21 : memref<16x1024xf32, #tpu.memory_space<hbm>>) target_semaphore(%run_scoped3A : memref<!tpu.dma_semaphore, #tpu.memory_space<semaphore_mem>>)
        %dma_wait3A = arith.constant 0 : i32
        %dma_wait3A_22 = tpu.memref_slice %arg6[%add3A_11, %dma_wait3A] : memref<32768x1024xf32, #tpu.memory_space<hbm>> -> memref<16x1024xf32, #tpu.memory_space<hbm>>
        %dma_wait3A_23 = arith.constant 0 : i32
        %dma_wait3A_24 = tpu.memref_slice %arg6[%add3A_11, %dma_wait3A_23] : memref<32768x1024xf32, #tpu.memory_space<hbm>> -> memref<16x1024xf32, #tpu.memory_space<hbm>>
        tpu.wait_dma2 semaphore(%run_scoped3A : memref<!tpu.dma_semaphore, #tpu.memory_space<semaphore_mem>>) src(%arg9 : memref<16x1024xf32, #tpu.memory_space<vmem>>) dst(%dma_wait3A_24 : memref<16x1024xf32, #tpu.memory_space<hbm>>)
        tpu.yield
      }) : () -> ()
    }
    %scan3A_7 = arith.constant 64 : i32
    return
  }
}

</mosaic_0001>

<sc_bundles>
// kernel: kernel.3.cloned.1.call-start
scs
__scs_entry_jumppad:
0x0: {  	(pc) =	sbr.rel $0x88, $3  }
0x1: {  	(tag) =	ssettag $0x0;
	lr =	simm.s32 $0x1  }
0x2: {  	[smem:$0x3F9D] =	sst lr;
	_ =	strace $0xD0000000  }
0x3: {  	_ = 	snop  }
0x4: {  	_ = 	snop  }
0x5: {  	_ = 	snop  }
0x6: {  	_ = 	snop  }
0x7: {  	_ = 	snop  }
__scs_overlays_trampoline_lowered:
0x8: {  	[smem:$0x3FAC] =	sst s0  }
0x9: {  	[smem:$0x3FAD] =	sst s1  }
0xa: {  	[smem:$0x3FAE] =	sst s2  }
0xb: {  	[smem:$0x3FAF] =	sst s3  }
0xc: {  	[smem:$0x3FB0] =	sst s4  }
0xd: {  	[smem:$0x3FB1] =	sst s5  }
0xe: {  	[smem:$0x3FB2] =	sst s6  }
0xf: {  	[smem:$0x3FB3] =	sst s7  }
0x10: {  	[smem:$0x3FB4] =	sst s8  }
0x11: {  	[smem:$0x3FB5] =	sst s9;
	s0 =	simm.s32 @!p0 $0x0  }
0x12: {  	s1 =	sld [smem:$0x3F9B];
	s0 =	simm.s32 @p0 $0x1  }
0x13: {  	[smem:$0x3FB6] =	sst s0;
	s0 =	simm.s32 @!p1 $0x0  }
0x14: {  	s2 =	sld [smem:$0x3F9A];
	s0 =	simm.s32 @p1 $0x1  }
0x15: {  	[smem:$0x3FB7] =	sst s0;
	s0 =	simm.s32 @!p2 $0x0  }
0x16: {  	s3 =	sld [smem:$0x3FDB];
	s0 =	simm.s32 @p2 $0x1  }
0x17: {  	s4 =	simm.s32 $0x1BF5;
	[smem:$0x3FB9] =	sst s0  }
0x18: {  	s0 =	sld [smem:$0x3F9C];
	_ =	swait.ge [sflag:s4], $0x0  }
0x19: {  	s7 =	sld [smem:$0x3F9D]  }
0x1a: {  	s8 =	sadd.s32 $0xFFFFE003, lr  }
0x1b: {  	s9 =	sadd.s32 $0xFFFFFEF7, lr;
	s5 =	simm.s32 $0xFFFFFFFF;
	p2 =	slt.u32 s8, $0xFFFFF086  }
0x1c: {  	p1 =	slt.u32 s9, $0xF7A;
	s5 =	simm.s32 @!p2 $0x0  }
0x1d: {  	s5 =	simm.s32 @p1 $0x1;
	p0 =	seq.s32 s7, s2  }
0x1e: {  	s7 =	smul.u32 @!p0 $0xF7A, s2;
	p2 =	seq.s32 @!p0 s5, $0x0  }
0x1f: {  	s9 =	smul.u32 $0xF7A, s1;
	s8 =	simm.s32 @!p0 $0x1BF5;
	p2 =	por !p2, p0  }
0x20: {  	[sflag:s8] =	ssyncset.s32 @!p0 $0xFFFFF086;
	s6 =	sadd.s32 @!p0 s3, s7;
	s7 =	simm.s32 @!p0 $0x108  }
0x21: {  	s3 =	sadd.s32 s3, s9;
	s6 =	sadd.s32 @!p0 $0x88, s6;
	s7 =	simm.s32 @p2 $0x1082  }
0x22: {  	[simem:s7], [sflag:s8] =	dma.local @!p0 [hbm:s6], $0xF7A  }
0x23: {  	s9 =	sor.u32 $0xD0000000, s2;
	s6 =	simm.s32 $0x108;
	_ =	swait.ge @!p0 [sflag:s8], $0x0  }
0x24: {  	s3 =	sadd.s32 $0x88, s3;
	s6 =	simm.s32 @!p1 $0x1082;
	[sflag:s4] =	ssyncset.s32 $0xFFFFF086  }
0x25: {  	[simem:s6], [sflag:s4] =	dma.local [hbm:s3], $0xF7A  }
0x26: {  	[smem:$0x3F9D] =	sst s1;
	(tag) =	ssettag s2;
	_ =	strace s9  }
0x27: {  	s1 =	sld [smem:$0x3FAD]  }
0x28: {  	s2 =	sld [smem:$0x3FAE]  }
0x29: {  	s4 =	sld [smem:$0x3FB0]  }
0x2a: {  	p0 =	seq.s32 s5, $0x0;
	s5 =	sld [smem:$0x3FB1]  }
0x2b: {  	s6 =	sld [smem:$0x3FB2]  }
0x2c: {  	s7 =	sld [smem:$0x3FB3]  }
0x2d: {  	s3 =	simm.s32 $0x108;
	s8 =	sld [smem:$0x3FB4]  }
0x2e: {  	s3 =	simm.s32 @!p0 $0x1082;
	s9 =	sld [smem:$0x3FB5]  }
0x2f: {  	lr =	sadd.s32 s0, s3;
	s0 =	sld [smem:$0x3FAC]  }
0x30: {  	s3 =	sld [smem:$0x3FAF]  }
0x31: {  	[smem:$0x3FB8] =	sst s10  }
0x32: {  	s10 =	sld [smem:$0x3FB6];
	_ =	sdelay $0x3  }
0x33: {  	p0 =	seq.s32 s10, $0x1;
	s10 =	sld [smem:$0x3FB8];
	_ =	sdelay $0x3  }
0x34: {  	[smem:$0x3FB8] =	sst s10  }
0x35: {  	s10 =	sld [smem:$0x3FB7];
	_ =	sdelay $0x3  }
0x36: {  	p1 =	seq.s32 s10, $0x1;
	s10 =	sld [smem:$0x3FB8];
	_ =	sdelay $0x3  }
0x37: {  	[smem:$0x3FB8] =	sst s10  }
0x38: {  	s10 =	sld [smem:$0x3FB9]  }
0x39: {  	_ = 	snop;
	(pc) =	sbr.ind lr, $3  }
0x3a: {  	_ = 	snop  }
0x3b: {  	_ = 	snop  }
0x3c: {  	p2 =	seq.s32 s10, $0x1;
	s10 =	sld [smem:$0x3FB8]  }
0x3d: {  	_ =	shalt  }
0x3e: {  	_ =	shalt  }
0x3f: {  	_ =	shalt  }
0x40: {  	_ =	shalt  }
0x41: {  	_ =	shalt  }
0x42: {  	_ =	shalt  }
0x43: {  	_ =	shalt  }
0x44: {  	_ =	shalt  }
0x45: {  	_ =	shalt  }
0x46: {  	_ =	shalt  }
0x47: {  	_ =	shalt  }
0x48: {  	_ =	shalt  }
0x49: {  	_ =	shalt  }
0x4a: {  	_ =	shalt  }
0x4b: {  	_ =	shalt  }
0x4c: {  	_ =	shalt  }
0x4d: {  	_ =	shalt  }
0x4e: {  	_ =	shalt  }
0x4f: {  	_ =	shalt  }
0x50: {  	_ =	shalt  }
0x51: {  	_ =	shalt  }
0x52: {  	_ =	shalt  }
0x53: {  	_ =	shalt  }
0x54: {  	_ =	shalt  }
0x55: {  	_ =	shalt  }
0x56: {  	_ =	shalt  }
0x57: {  	_ =	shalt  }
0x58: {  	_ =	shalt  }
0x59: {  	_ =	shalt  }
0x5a: {  	_ =	shalt  }
0x5b: {  	_ =	shalt  }
0x5c: {  	_ =	shalt  }
0x5d: {  	_ =	shalt  }
0x5e: {  	_ =	shalt  }
0x5f: {  	_ =	shalt  }
0x60: {  	_ =	shalt  }
0x61: {  	_ =	shalt  }
0x62: {  	_ =	shalt  }
0x63: {  	_ =	shalt  }
0x64: {  	_ =	shalt  }
0x65: {  	_ =	shalt  }
0x66: {  	_ =	shalt  }
0x67: {  	_ =	shalt  }
0x68: {  	_ =	shalt  }
0x69: {  	_ =	shalt  }
0x6a: {  	_ =	shalt  }
0x6b: {  	_ =	shalt  }
0x6c: {  	_ =	shalt  }
0x6d: {  	_ =	shalt  }
0x6e: {  	_ =	shalt  }
0x6f: {  	_ =	shalt  }
0x70: {  	_ =	shalt  }
0x71: {  	_ =	shalt  }
0x72: {  	_ =	shalt  }
0x73: {  	_ =	shalt  }
0x74: {  	_ =	shalt  }
0x75: {  	_ =	shalt  }
0x76: {  	_ =	shalt  }
0x77: {  	_ =	shalt  }
0x78: {  	_ =	shalt  }
0x79: {  	_ =	shalt  }
0x7a: {  	_ =	shalt  }
0x7b: {  	_ =	shalt  }
0x7c: {  	_ =	shalt  }
0x7d: {  	_ =	shalt  }
0x7e: {  	_ =	shalt  }
0x7f: {  	_ =	shalt  }
0x80: {  	_ =	shalt  }
0x81: {  	_ =	shalt  }
0x82: {  	_ =	shalt  }
0x83: {  	_ =	shalt  }
0x84: {  	_ =	shalt  }
0x85: {  	_ =	shalt  }
0x86: {  	_ =	shalt  }
0x87: {  	_ =	shalt  }
.Lfunc_end0:
.L_simem_size_0:
called_computation_lowered:
.L_overlay_start_0:
0x88: {  	s2 =	sld [smem:$0x3FD9]  }
0x89: {  	s3 =	sld [smem:$0x3FFE];
	_ =	sdelay $0x1  }
0x8a: {  	s1 =	srdreg.scid  }
0x8b: {  	s0 =	sand.u32 $0x1, s1  }
0x8c: {  	s18 =	sshll.u32 s0, $0xA;
	s2 =	sadd.s32 s3, s2  }
0x8d: {  	s2 =	sadd.s32 s2, s18  }
0x8e: {  	[smem:$0x3FC4] =	sst s2  }
0x8f: {  	_ = 	snop  }
0x90: {  	s2 =	sld [smem:$0x3FC9]  }
0x91: {  	s19 =	sld [smem:$0x3FC8]  }
0x92: {  	s4 =	sld [smem:$0x3FC7]  }
0x93: {  	s5 =	sld [smem:$0x3FC6]  }
0x94: {  	s6 =	sld [smem:$0x3FD0];
	(tm) =	ssettm $0x1  }
0x95: {  	s7 =	sld [smem:$0x3FFB];
	_ =	sdelay $0x3  }
0x96: {  	_ =	strace s7  }
0x97: {  	s7 =	sld [smem:$0x3FFC];
	_ =	sdelay $0x3  }
0x98: {  	_ =	strace s7  }
0x99: {  	s7 =	sld [smem:$0x3FFD];
	_ =	sdelay $0x3  }
0x9a: {  	_ =	strace s7  }
0x9b: {  	_ =	strace $0x8FFFFFFF  }
0x9c: {  	s20 =	sld [smem:$0x3FDB];
	_ =	sdelay $0x1  }
0x9d: {  	s8 =	simm.s32 $_scs_section_size  }
0x9e: {  	s9 =	simm.s32 $_size__tile_overlayer_lowered;
	s10 =	simm.s32 $_tile_overlayer_lowered  }
0x9f: {  	s23 =	simm.s32 $0x1BFF;
	s22 =	sshll.u32 s10, $0x1;
	s7 =	sadd.s32 s8, s20  }
0xa0: {  	s11 =	simm.s32 $0x0;
	s21 =	sshll.u32 s9, $0x1;
	s9 =	sadd.s32 s22, s7  }
0xa1: {  	[timem:s11], [sflag:s23] =	dma.local [hbm:s9], s21  }
0xa2: {  	_ =	swait.ge [sflag:s23], s21  }
0xa3: {  	s8 =	ssub.s32 $0x0, s21;
	[sflag:s23] =	ssyncset.done $0x0  }
0xa4: {  	[sflag:s23] =	ssyncadd.s32 s8;
	_ =	sdelay $0x1  }
0xa5: {  	s24 =	simm.s32 $0x1B8B  }
0xa6: {  	_ =	swait.ge [sflag:s24], $0x1  }
0xa7: {  	[sflag:s24] =	ssyncset.done $0x0  }
0xa8: {  	s25 =	simm.s32 $0x1B8E;
	[sflag:s24] =	ssyncadd.s32 $0xFFFFFFFF  }
0xa9: {  	s26 =	simm.s32 $execute0_lowered;
	[smem:$0x3FD2] =	sst s25  }
0xaa: {  	s8 =	sshll.u32 s26, $0x1;
	_ =	strace $0x80000046;
	[dreg:$0x1] =	wrdreg $0xFFFFFFFF  }
0xab: {  	s28 =	simm.s32 $_size_execute0_lowered;
	s7 =	sadd.s32 s7, s8;
	[dreg:$0x0] =	wrdreg $0x0  }
0xac: {  	s8 =	sshll.u32 s28, $0x1;
	[dreg:$0x2] =	wrdreg s7  }
0xad: {  	[dreg:$0x3] =	wrdreg s8  }
0xae: {  	[dreg:$0x4] =	wrdreg $0xC0  }
0xaf: {  	_ =	task [dreg:s11], $0x5FFFF  }
0xb0: {  	[dreg:$0x1] =	wrdreg $0xFFFFFFFF  }
0xb1: {  	[dreg:$0x0] =	wrdreg $0x60  }
0xb2: {  	[dreg:$0x2] =	wrdreg s2  }
0xb3: {  	[dreg:$0x3] =	wrdreg s19  }
0xb4: {  	[dreg:$0x4] =	wrdreg s4  }
0xb5: {  	[dreg:$0x5] =	wrdreg s5  }
0xb6: {  	[dreg:$0x6] =	wrdreg s6  }
0xb7: {  	[dreg:$0x7] =	wrdreg $0x9  }
0xb8: {  	_ =	task.clear_ibuf [dreg:s11], $0x8FFFF;
	_ =	strace $0x90000046  }
0xb9: {  	s29 =	simm.s32 $0x9;
	_ =	strace $0x80000048  }
0xba: {  	_ =	swait.ge [sflag:s29], $0x1  }
0xbb: {  	[sflag:s29] =	ssyncadd.s32 $0xFFFFFFFF  }
0xbc: {  	_ =	strace $0x90000048  }
0xbd: {  	_ =	sfence  }
0xbe: {  	s30 =	sld [smem:$0x0];
	_ =	sdelay $0x2  }
0xbf: {  	s31 =	sshll.u32 s1, $0xD;
	s1 =	sshrl.u32 s1, $0x2  }
0xc0: {  	s3 =	sand.u32 $0x4000, s31;
	s1 =	sadd.s32 s1, s30  }
0xc1: {  	s0 =	sor.u32 s3, s0;
	s1 =	sshll.u32 s1, $0x11  }
0xc2: {  	s0 =	sor.u32 s1, s0  }
0xc3: {  	s0 =	sadd.s32 $0x8F2B, s0  }
0xc4: {  	[sflag:s0] =	ssyncadd.remote.s32 $0x1  }
0xc5: {  	_ =	sfence.sel $0xFFFF  }
0xc6: {  	[dreg:$0x0] =	wrdreg $0xFFFFFFFF;
	(pc) =	sbr.abs _section_cstart, $3  }
0xc7: {  	[dreg:$0x1] =	wrdreg $0xFFFFFFFF  }
0xc8: {  	_ =	task.clear_ibuf [dreg:s11], $0x2FFFF;
	_ =	strace $0x9FFFFFFF  }
0xc9: {  	(tm) =	ssettm $0x7FFFFFFF  }
tec
execute0_lowered:
.L_overlay_start_1:
0x0: {  	(tag) =	ssettag $0x1  }
0x1: {  	s0 =	rddreg [dreg:$0x0]  }
0x2: {  	s2 =	rddreg [dreg:$0x1]  }
0x3: {  	s3 =	rddreg [dreg:$0x2]  }
0x4: {  	s4 =	rddreg [dreg:$0x3]  }
0x5: {  	s1 =	srdreg.scid;
	s5 =	rddreg [dreg:$0x4]  }
0x6: {  	s7 =	simm.s32 $0x0;
	s6 =	stileid.u32;
	s11 =	simm.s32 $0x1  }
0x7: {  	s12 =	simm.s32 $0xC400;
	s13 =	simm.s32 $0x4000;
	s8 =	sand.u32 $0x1, s1  }
0x8: {  	s14 =	simm.s32 $0x8000;
	s15 =	simm.s32 $0x0;
	s9 =	ssub.s32 $0x2, s8  }
0x9: {  	[smem:$0x7FF] =	sst s7;
	s31 =	sshll.u32 s6, $0x12;
	s10 =	sshrl.u32 s9, $0x1  }
0xa: {  	s8 =	sshll.u32 s8, $0x11;
	_ =	strace $0x80000047;
	s9 =	ssub.s32 s9, s10  }
0xb: {  	s8 =	sor.u32 s8, s31;
	s10 =	simm.s32 $0xC000;
	s9 =	smax.u32 s9, $0x1  }
.LBB2_1:
0xc: {  	[tilespmem:s10], [sflag:$0x1] =	stream.linear.gather [hbm4b:s3+s7], $0x400, $0x38;
	[tilespmem:$0xC800] =	vst v63  }
0xd: {  	_ =	swait.ge [sflag:s11], $0x400  }
0xe: {  	[sflag:s11] =	ssyncset.done $0x0  }
0xf: {  	[sflag:s11] =	ssyncadd.s32 $0xFFFFFC00  }
0x10: {  	[tilespmem:s12], [sflag:$0x1] =	stream.linear.gather [hbm4b:s4+s7], $0x400, $0x38;
	[tilespmem:$0xC800] =	vst v63  }
0x11: {  	_ =	swait.ge [sflag:s11], $0x400  }
0x12: {  	[sflag:s11] =	ssyncset.done $0x0  }
0x13: {  	s16 =	simm.s32 $0x0;
	[sflag:s11] =	ssyncadd.s32 $0xFFFFFC00  }
.LBB2_2:
0x14: {  	s17 =	sshll.u32 s16, $0xB  }
0x15: {  	s17 =	sadd.s32 s8, s17  }
0x16: {  	s18 =	simm.s32 $0x0;
	s19 =	sadd.s32 s0, s17  }
0x17: {  	[tilespmem:s18], [sflag:$0x1] =	stream.linear.gather [hbm4b:s19+s18], $0x4000, $0x38;
	[tilespmem:$0xC800] =	vst v63  }
0x18: {  	_ =	swait.ge [sflag:s11], $0x4000  }
0x19: {  	s31 =	sand.u32 $0xFF800, s17;
	[sflag:s11] =	ssyncset.done $0x0  }
0x1a: {  	s19 =	sadd.s32 s2, s31;
	[sflag:s11] =	ssyncadd.s32 $0xFFFFC000  }
0x1b: {  	[tilespmem:s13], [sflag:$0x1] =	stream.linear.gather [hbm4b:s19+s18], $0x4000, $0x38;
	[tilespmem:$0xC800] =	vst v63  }
0x1c: {  	_ =	swait.ge [sflag:s11], $0x4000  }
0x1d: {  	s20 =	simm.s32 $0x0;
	[sflag:s11] =	ssyncset.done $0x0  }
0x1e: {  	s21 =	simm.s32 $0x0;
	s19 =	simm.s32 $0xFFFFC000;
	[sflag:s11] =	ssyncadd.s32 $0xFFFFC000  }
.LBB2_3:
0x1f: {  	s22 =	sadd.s32 $0x4000, s19  }
0x20: {  	s23 =	sand.u32 $0x380, s21;
	s22 =	sand.u32 $0x2000, s22  }
0x21: {  	s22 =	sor.u32 s23, s22  }
0x22: {  	v0 =	vld [tilespmem:s22+$0x0]  }
0x23: {  	v1 =	vld [tilespmem:s22+$0x4000]  }
0x24: {  	v2 =	vld [tilespmem:s22+$0x10]  }
0x25: {  	v3 =	vld [tilespmem:s22+$0x4010]  }
0x26: {  	v4 =	vld [tilespmem:s22+$0x20]  }
0x27: {  	v5 =	vld [tilespmem:s22+$0x4020]  }
0x28: {  	v6 =	vld [tilespmem:s22+$0x30]  }
0x29: {  	v7 =	vld [tilespmem:s22+$0x4030]  }
0x2a: {  	v8 =	vld [tilespmem:s22+$0x40]  }
0x2b: {  	v9 =	vld [tilespmem:s22+$0x4040]  }
0x2c: {  	v10 =	vld [tilespmem:s22+$0x50]  }
0x2d: {  	v59 =	vld [tilespmem:s22+$0x4050];
	v0 =	vadd.f32 v1, v0  }
0x2e: {  	v2 =	vadd.f32 v3, v2  }
0x2f: {  	v3 =	vadd.f32 v5, v4;
	[tilespmem:s22+$0x0] =	vst v0  }
0x30: {  	v4 =	vadd.f32 v7, v6;
	[tilespmem:s22+$0x10] =	vst v2  }
0x31: {  	v5 =	vadd.f32 v9, v8;
	[tilespmem:s22+$0x20] =	vst v3  }
0x32: {  	v1 =	vadd.f32 v59, v10;
	[tilespmem:s22+$0x30] =	vst v4  }
0x33: {  	[tilespmem:s22+$0x40] =	vst v5  }
0x34: {  	[tilespmem:s22+$0x50] =	vst v1  }
0x35: {  	v6 =	vld [tilespmem:s22+$0x60]  }
0x36: {  	v60 =	vld [tilespmem:s22+$0x4060]  }
0x37: {  	v61 =	vld [tilespmem:s22+$0x70]  }
0x38: {  	v62 =	vld [tilespmem:s22+$0x4070]  }
0x39: {  	v63 =	vld [tilespmem:s22+$0x400]  }
0x3a: {  	v11 =	vld [tilespmem:s22+$0x4400]  }
0x3b: {  	v12 =	vld [tilespmem:s22+$0x410]  }
0x3c: {  	v13 =	vld [tilespmem:s22+$0x4410]  }
0x3d: {  	v14 =	vld [tilespmem:s22+$0x420]  }
0x3e: {  	v15 =	vld [tilespmem:s22+$0x4420]  }
0x3f: {  	v16 =	vld [tilespmem:s22+$0x430]  }
0x40: {  	v17 =	vld [tilespmem:s22+$0x4430]  }
0x41: {  	v18 =	vld [tilespmem:s22+$0x440]  }
0x42: {  	v19 =	vld [tilespmem:s22+$0x4440]  }
0x43: {  	v20 =	vld [tilespmem:s22+$0x450]  }
0x44: {  	v21 =	vld [tilespmem:s22+$0x4450]  }
0x45: {  	v22 =	vld [tilespmem:s22+$0x460]  }
0x46: {  	v23 =	vld [tilespmem:s22+$0x4460]  }
0x47: {  	v24 =	vld [tilespmem:s22+$0x470]  }
0x48: {  	v25 =	vld [tilespmem:s22+$0x4470]  }
0x49: {  	v26 =	vld [tilespmem:s22+$0x800]  }
0x4a: {  	v27 =	vld [tilespmem:s22+$0x4800]  }
0x4b: {  	v28 =	vld [tilespmem:s22+$0x810]  }
0x4c: {  	v29 =	vld [tilespmem:s22+$0x4810]  }
0x4d: {  	v30 =	vld [tilespmem:s22+$0x820]  }
0x4e: {  	v31 =	vld [tilespmem:s22+$0x4820]  }
0x4f: {  	v32 =	vld [tilespmem:s22+$0x830]  }
0x50: {  	v33 =	vld [tilespmem:s22+$0x4830]  }
0x51: {  	v34 =	vld [tilespmem:s22+$0x840]  }
0x52: {  	v35 =	vld [tilespmem:s22+$0x4840]  }
0x53: {  	v36 =	vld [tilespmem:s22+$0x850]  }
0x54: {  	v37 =	vld [tilespmem:s22+$0x4850]  }
0x55: {  	v38 =	vld [tilespmem:s22+$0x860]  }
0x56: {  	v39 =	vld [tilespmem:s22+$0x4860]  }
0x57: {  	v40 =	vld [tilespmem:s22+$0x870]  }
0x58: {  	v41 =	vld [tilespmem:s22+$0x4870]  }
0x59: {  	v42 =	vld [tilespmem:s22+$0xC00]  }
0x5a: {  	v43 =	vld [tilespmem:s22+$0x4C00]  }
0x5b: {  	v44 =	vld [tilespmem:s22+$0xC10]  }
0x5c: {  	v45 =	vld [tilespmem:s22+$0x4C10]  }
0x5d: {  	v46 =	vld [tilespmem:s22+$0xC20]  }
0x5e: {  	v47 =	vld [tilespmem:s22+$0x4C20]  }
0x5f: {  	v48 =	vld [tilespmem:s22+$0xC30]  }
0x60: {  	v49 =	vld [tilespmem:s22+$0x4C30]  }
0x61: {  	v50 =	vld [tilespmem:s22+$0xC40]  }
0x62: {  	v51 =	vld [tilespmem:s22+$0x4C40]  }
0x63: {  	v52 =	vld [tilespmem:s22+$0xC50]  }
0x64: {  	v53 =	vld [tilespmem:s22+$0x4C50]  }
0x65: {  	v54 =	vld [tilespmem:s22+$0xC60]  }
0x66: {  	v55 =	vld [tilespmem:s22+$0x4C60]  }
0x67: {  	v56 =	vld [tilespmem:s22+$0xC70]  }
0x68: {  	v0 =	vadd.f32 $0.0e+00, v0;
	v57 =	vld [tilespmem:s22+$0x4C70]  }
0x69: {  	v58 =	vld [tilespmem:s22+$0x1000]  }
0x6a: {  	v59 =	vld [tilespmem:s22+$0x1010];
	v0 =	vadd.f32 v2, v0  }
0x6b: {  	v8 =	vld [tilespmem:s22+$0x1020]  }
0x6c: {  	v9 =	vld [tilespmem:s22+$0x5020];
	v0 =	vadd.f32 v3, v0;
	v3 =	vadd.f32 v60, v6  }
0x6d: {  	v2 =	vld [tilespmem:s22+$0x5000];
	v7 =	vadd.f32 v62, v61  }
0x6e: {  	v6 =	vld [tilespmem:s22+$0x5010];
	v0 =	vadd.f32 v4, v0;
	v60 =	vadd.f32 v11, v63;
	[tilespmem:s22+$0x60] =	vst v3  }
0x6f: {  	v61 =	vadd.f32 v13, v12;
	v11 =	vld [tilespmem:s22+$0x1030];
	[tilespmem:s22+$0x70] =	vst v7  }
0x70: {  	v62 =	vadd.f32 v15, v14;
	v12 =	vld [tilespmem:s22+$0x5030];
	v0 =	vadd.f32 v5, v0;
	[tilespmem:s22+$0x400] =	vst v60  }
0x71: {  	v63 =	vadd.f32 v17, v16;
	v14 =	vld [tilespmem:s22+$0x1040];
	[tilespmem:s22+$0x410] =	vst v61  }
0x72: {  	v15 =	vld [tilespmem:s22+$0x5040];
	v16 =	vadd.f32 v21, v20;
	[tilespmem:s22+$0x420] =	vst v62;
	v0 =	vadd.f32 v1, v0  }
0x73: {  	v17 =	vld [tilespmem:s22+$0x1050];
	v4 =	vadd.f32 v31, v30;
	[tilespmem:s22+$0x430] =	vst v63  }
0x74: {  	v20 =	vld [tilespmem:s22+$0x1060];
	v10 =	vadd.f32 v35, v34;
	[tilespmem:s22+$0x450] =	vst v16;
	v0 =	vadd.f32 v3, v0  }
0x75: {  	v21 =	vld [tilespmem:s22+$0x5060];
	v31 =	vadd.f32 v41, v40;
	[tilespmem:s22+$0x820] =	vst v4  }
0x76: {  	v13 =	vadd.f32 v43, v42;
	v35 =	vld [tilespmem:s22+$0x1430];
	[tilespmem:s22+$0x840] =	vst v10;
	v0 =	vadd.f32 v7, v0  }
0x77: {  	v34 =	vadd.f32 v45, v44;
	v40 =	vadd.f32 v53, v52;
	v52 =	vld [tilespmem:s22+$0x1460];
	[tilespmem:s22+$0x870] =	vst v31  }
0x78: {  	v53 =	vld [tilespmem:s22+$0x5460];
	[tilespmem:s22+$0xC00] =	vst v13;
	v0 =	vadd.f32 v60, v0  }
0x79: {  	v43 =	vadd.f32 v57, v56;
	v56 =	vld [tilespmem:s22+$0x1800];
	[tilespmem:s22+$0xC10] =	vst v34  }
0x7a: {  	v57 =	vld [tilespmem:s22+$0x5800];
	v2 =	vadd.f32 v2, v58;
	[tilespmem:s22+$0xC50] =	vst v40;
	v0 =	vadd.f32 v61, v0  }
0x7b: {  	v42 =	vld [tilespmem:s22+$0x5850];
	v5 =	vadd.f32 v39, v38;
	[tilespmem:s22+$0xC70] =	vst v43;
	v1 =	vadd.f32 v19, v18  }
0x7c: {  	v58 =	vld [tilespmem:s22+$0x1810];
	[tilespmem:s22+$0x1000] =	vst v2;
	v19 =	vadd.f32 v25, v24;
	v0 =	vadd.f32 v62, v0  }
0x7d: {  	v39 =	vld [tilespmem:s22+$0x1850];
	v25 =	vadd.f32 v33, v32;
	[tilespmem:s22+$0x860] =	vst v5;
	v6 =	vadd.f32 v6, v59  }
0x7e: {  	v18 =	vld [tilespmem:s22+$0x5050];
	v44 =	vadd.f32 v53, v52;
	[tilespmem:s22+$0x440] =	vst v1;
	v0 =	vadd.f32 v63, v0  }
0x7f: {  	v32 =	vld [tilespmem:s22+$0x1420];
	v3 =	vadd.f32 v23, v22;
	[tilespmem:s22+$0x470] =	vst v19;
	v22 =	vadd.f32 v29, v28  }
0x80: {  	[tilespmem:s22+$0x830] =	vst v25;
	v28 =	vadd.f32 v37, v36;
	v36 =	vld [tilespmem:s22+$0x5430];
	v0 =	vadd.f32 v1, v0  }
0x81: {  	v37 =	vadd.f32 v49, v48;
	v48 =	vld [tilespmem:s22+$0x1440];
	[tilespmem:s22+$0x1010] =	vst v6  }
0x82: {  	v49 =	vld [tilespmem:s22+$0x5440];
	[tilespmem:s22+$0x1460] =	vst v44;
	v0 =	vadd.f32 v16, v0  }
0x83: {  	v59 =	vld [tilespmem:s22+$0x5810];
	[tilespmem:s22+$0x460] =	vst v3  }
0x84: {  	v29 =	vld [tilespmem:s22+$0x1410];
	[tilespmem:s22+$0x810] =	vst v22;
	v0 =	vadd.f32 v3, v0  }
0x85: {  	v53 =	vadd.f32 v42, v39;
	v7 =	vadd.f32 v27, v26;
	[tilespmem:s22+$0x850] =	vst v28;
	v62 =	vld [tilespmem:s22+$0x5410]  }
0x86: {  	[tilespmem:s22+$0xC30] =	vst v37;
	v1 =	vadd.f32 v47, v46;
	v46 =	vld [tilespmem:s22+$0x1860];
	v0 =	vadd.f32 v19, v0  }
0x87: {  	[tilespmem:s22+$0x1850] =	vst v53;
	v27 =	vadd.f32 v36, v35;
	v38 =	vadd.f32 v49, v48;
	v47 =	vld [tilespmem:s22+$0x5860]  }
0x88: {  	[tilespmem:s22+$0x800] =	vst v7;
	v16 =	vadd.f32 v51, v50;
	v50 =	vld [tilespmem:s22+$0x1450];
	v0 =	vadd.f32 v7, v0  }
0x89: {  	[tilespmem:s22+$0x1430] =	vst v27;
	v51 =	vld [tilespmem:s22+$0x5450]  }
0x8a: {  	v23 =	vld [tilespmem:s22+$0x1070];
	[tilespmem:s22+$0x1440] =	vst v38;
	v24 =	vadd.f32 v62, v29;
	v0 =	vadd.f32 v22, v0  }
0x8b: {  	v26 =	vld [tilespmem:s22+$0x1400];
	[tilespmem:s22+$0xC20] =	vst v1  }
0x8c: {  	v48 =	vld [tilespmem:s22+$0x1870];
	[tilespmem:s22+$0x1410] =	vst v24;
	v3 =	vadd.f32 v55, v54;
	v0 =	vadd.f32 v4, v0  }
0x8d: {  	[tilespmem:s22+$0xC40] =	vst v16;
	v54 =	vld [tilespmem:s22+$0x1470];
	v19 =	vadd.f32 v47, v46  }
0x8e: {  	v55 =	vld [tilespmem:s22+$0x5470];
	[tilespmem:s22+$0xC60] =	vst v3;
	v41 =	vadd.f32 v51, v50;
	v0 =	vadd.f32 v25, v0  }
0x8f: {  	v49 =	vld [tilespmem:s22+$0x5870];
	v7 =	vadd.f32 v9, v8;
	[tilespmem:s22+$0x1860] =	vst v19  }
0x90: {  	v61 =	vld [tilespmem:s22+$0x5400];
	v9 =	vadd.f32 v12, v11;
	[tilespmem:s22+$0x1450] =	vst v41;
	v0 =	vadd.f32 v10, v0  }
0x91: {  	v60 =	vld [tilespmem:s22+$0x5070];
	v12 =	vadd.f32 v15, v14;
	v15 =	vadd.f32 v18, v17;
	[tilespmem:s22+$0x1020] =	vst v7  }
0x92: {  	v63 =	vld [tilespmem:s22+$0x5420];
	v11 =	vadd.f32 v57, v56;
	[tilespmem:s22+$0x1030] =	vst v9;
	v0 =	vadd.f32 v28, v0  }
0x93: {  	v36 =	vld [tilespmem:s22+$0x1840];
	v17 =	vadd.f32 v59, v58;
	v8 =	vadd.f32 v55, v54;
	[tilespmem:s22+$0x1040] =	vst v12  }
0x94: {  	v62 =	vld [tilespmem:s22+$0x1830];
	v54 =	vadd.f32 v49, v48;
	[tilespmem:s22+$0x1050] =	vst v15;
	v0 =	vadd.f32 v5, v0  }
0x95: {  	v22 =	vadd.f32 v61, v26;
	v61 =	vld [tilespmem:s22+$0x5820];
	[tilespmem:s22+$0x1800] =	vst v11;
	v4 =	vadd.f32 v21, v20  }
0x96: {  	[tilespmem:s22+$0x1810] =	vst v17;
	v20 =	vadd.f32 v60, v23;
	v60 =	vld [tilespmem:s22+$0x1820];
	v0 =	vadd.f32 v31, v0  }
0x97: {  	[tilespmem:s22+$0x1470] =	vst v8;
	v10 =	vadd.f32 v63, v32;
	v63 =	vld [tilespmem:s22+$0x5830]  }
0x98: {  	v51 =	vld [tilespmem:s22+$0x5840];
	[tilespmem:s22+$0x1870] =	vst v54;
	v0 =	vadd.f32 v13, v0  }
0x99: {  	[tilespmem:s22+$0x1400] =	vst v22  }
0x9a: {  	[tilespmem:s22+$0x1060] =	vst v4;
	v0 =	vadd.f32 v34, v0  }
0x9b: {  	s31 =	sand.u32 $0x7, s18;
	[tilespmem:s22+$0x1070] =	vst v20;
	v50 =	vadd.f32 v61, v60  }
0x9c: {  	s23 =	sshll.u32 s31, $0x7;
	[tilespmem:s22+$0x1420] =	vst v10;
	v52 =	vadd.f32 v63, v62;
	v0 =	vadd.f32 v1, v0  }
0x9d: {  	s30 =	sadd.s32 s23, s20;
	v55 =	vadd.f32 v51, v36;
	[tilespmem:s22+$0x1820] =	vst v50  }
0x9e: {  	s23 =	sor.u32 $0x1C00, s30;
	[tilespmem:s22+$0x1830] =	vst v52;
	v0 =	vadd.f32 v37, v0  }
0x9f: {  	[tilespmem:s22+$0x1840] =	vst v55;
	v56 =	vld [tilespmem:s23+$0x0]  }
0xa0: {  	v57 =	vld [tilespmem:s23+$0x4000];
	v0 =	vadd.f32 v16, v0;
	_ =	sdelay $0x1  }
0xa1: {  	v0 =	vadd.f32 v40, v0;
	_ =	sdelay $0x1  }
0xa2: {  	v0 =	vadd.f32 v3, v0  }
0xa3: {  	v58 =	vadd.f32 v57, v56  }
0xa4: {  	v0 =	vadd.f32 v43, v0  }
0xa5: {  	s24 =	sor.u32 $0x1C10, s30;
	[tilespmem:s23+$0x0] =	vst v58  }
0xa6: {  	v59 =	vld [tilespmem:s24+$0x0];
	v0 =	vadd.f32 v2, v0  }
0xa7: {  	v60 =	vld [tilespmem:s24+$0x4000]  }
0xa8: {  	v0 =	vadd.f32 v6, v0;
	_ =	sdelay $0x1  }
0xa9: {  	v0 =	vadd.f32 v7, v0;
	_ =	sdelay $0x1  }
0xaa: {  	v2 =	vadd.f32 v60, v59;
	v0 =	vadd.f32 v9, v0;
	_ =	sdelay $0x1  }
0xab: {  	s25 =	sor.u32 $0x1C20, s30;
	[tilespmem:s24+$0x0] =	vst v2;
	v0 =	vadd.f32 v12, v0  }
0xac: {  	v61 =	vld [tilespmem:s25+$0x0]  }
0xad: {  	v62 =	vld [tilespmem:s25+$0x4000];
	v0 =	vadd.f32 v15, v0;
	_ =	sdelay $0x1  }
0xae: {  	v0 =	vadd.f32 v4, v0;
	_ =	sdelay $0x1  }
0xaf: {  	v0 =	vadd.f32 v20, v0  }
0xb0: {  	v63 =	vadd.f32 v62, v61  }
0xb1: {  	v0 =	vadd.f32 v22, v0  }
0xb2: {  	s26 =	sor.u32 $0x1C30, s30;
	[tilespmem:s25+$0x0] =	vst v63  }
0xb3: {  	v9 =	vld [tilespmem:s26+$0x0];
	v0 =	vadd.f32 v24, v0  }
0xb4: {  	v12 =	vld [tilespmem:s26+$0x4000]  }
0xb5: {  	v0 =	vadd.f32 v10, v0;
	_ =	sdelay $0x1  }
0xb6: {  	v0 =	vadd.f32 v27, v0;
	_ =	sdelay $0x1  }
0xb7: {  	v6 =	vadd.f32 v12, v9;
	v0 =	vadd.f32 v38, v0;
	_ =	sdelay $0x1  }
0xb8: {  	s28 =	sor.u32 $0x1C40, s30;
	[tilespmem:s26+$0x0] =	vst v6;
	v0 =	vadd.f32 v41, v0  }
0xb9: {  	v15 =	vld [tilespmem:s28+$0x0]  }
0xba: {  	v16 =	vld [tilespmem:s28+$0x4000];
	v0 =	vadd.f32 v44, v0;
	_ =	sdelay $0x1  }
0xbb: {  	v0 =	vadd.f32 v8, v0;
	_ =	sdelay $0x1  }
0xbc: {  	v0 =	vadd.f32 v11, v0  }
0xbd: {  	v5 =	vadd.f32 v16, v15  }
0xbe: {  	v0 =	vadd.f32 v17, v0  }
0xbf: {  	s29 =	sor.u32 $0x1C50, s30;
	[tilespmem:s28+$0x0] =	vst v5  }
0xc0: {  	v18 =	vld [tilespmem:s29+$0x4000];
	v0 =	vadd.f32 v50, v0  }
0xc1: {  	v17 =	vld [tilespmem:s29+$0x0]  }
0xc2: {  	v0 =	vadd.f32 v52, v0;
	_ =	sdelay $0x1  }
0xc3: {  	v0 =	vadd.f32 v55, v0;
	_ =	sdelay $0x1  }
0xc4: {  	v7 =	vadd.f32 v18, v17;
	v0 =	vadd.f32 v53, v0;
	_ =	sdelay $0x1  }
0xc5: {  	s31 =	sor.u32 $0x1C60, s30;
	[tilespmem:s29+$0x0] =	vst v7;
	v0 =	vadd.f32 v19, v0  }
0xc6: {  	v20 =	vld [tilespmem:s31+$0x4000]  }
0xc7: {  	v19 =	vld [tilespmem:s31+$0x0];
	v0 =	vadd.f32 v54, v0;
	_ =	sdelay $0x1  }
0xc8: {  	v0 =	vadd.f32 v58, v0;
	_ =	sdelay $0x1  }
0xc9: {  	v0 =	vadd.f32 v2, v0  }
0xca: {  	v1 =	vadd.f32 v20, v19  }
0xcb: {  	v0 =	vadd.f32 v63, v0  }
0xcc: {  	s30 =	sor.u32 $0x1C70, s30;
	[tilespmem:s31+$0x0] =	vst v1  }
0xcd: {  	v21 =	vld [tilespmem:s30+$0x0];
	v0 =	vadd.f32 v6, v0  }
0xce: {  	v22 =	vld [tilespmem:s30+$0x4000]  }
0xcf: {  	v0 =	vadd.f32 v5, v0;
	_ =	sdelay $0x1  }
0xd0: {  	v0 =	vadd.f32 v7, v0;
	_ =	sdelay $0x1  }
0xd1: {  	v0 =	vadd.f32 v1, v0;
	v1 =	vadd.f32 v22, v21;
	_ =	sdelay $0x1  }
0xd2: {  	v0 =	vadd.f32 v1, v0;
	_ =	sdelay $0x1  }
0xd3: {  	(xrf2) =	vadd.scan.msk.f32 $0xffff, v0;
	_ =	sdelay $0x9  }
0xd4: {  	v0, _, _ =	vpop (xrf2)  }
0xd5: {  	(v2sf) =	vpush v0, $0xF;
	_ =	sdelay $0xb  }
0xd6: {  	[tilespmem:s30+$0x0] =	vst v1  }
0xd7: {  	v23 =	vld [tilespmem:s22+$0x0]  }
0xd8: {  	v24 =	vld [tilespmem:s22+$0x10]  }
0xd9: {  	s1 =	spop (v2sf)  }
0xda: {  	v25 =	vld [tilespmem:s22+$0x20];
	s1 =	smul.f32 $9.765625000e-04, s1;
	_ =	sdelay $0x1  }
0xdb: {  	v26 =	vld [tilespmem:s22+$0x30];
	v0 =	vmov s1  }
0xdc: {  	v2 =	vsub.f32 v23, v0;
	v3 =	vsub.f32 v24, v0  }
0xdd: {  	v27 =	vld [tilespmem:s22+$0x40]  }
0xde: {  	v4 =	vsub.f32 v25, v0;
	v28 =	vmul.f32 v2, v2;
	v3 =	vmul.f32 v3, v3  }
0xdf: {  	v29 =	vld [tilespmem:s22+$0x50]  }
0xe0: {  	v5 =	vsub.f32 v26, v0;
	v4 =	vmul.f32 v4, v4;
	v3 =	vadd.f32 v3, v28  }
0xe1: {  	v30 =	vld [tilespmem:s22+$0x60]  }
0xe2: {  	v32 =	vsub.f32 v27, v0;
	v31 =	vmul.f32 v5, v5;
	v3 =	vadd.f32 v3, v4  }
0xe3: {  	v33 =	vld [tilespmem:s22+$0x70]  }
0xe4: {  	v35 =	vsub.f32 v29, v0;
	v34 =	vmul.f32 v32, v32;
	v3 =	vadd.f32 v3, v31  }
0xe5: {  	v36 =	vld [tilespmem:s22+$0x400]  }
0xe6: {  	v38 =	vsub.f32 v30, v0;
	v37 =	vmul.f32 v35, v35;
	v3 =	vadd.f32 v3, v34  }
0xe7: {  	v39 =	vld [tilespmem:s22+$0x410]  }
0xe8: {  	v41 =	vsub.f32 v33, v0;
	v40 =	vmul.f32 v38, v38;
	v3 =	vadd.f32 v3, v37  }
0xe9: {  	v42 =	vld [tilespmem:s22+$0x420]  }
0xea: {  	v44 =	vsub.f32 v36, v0;
	v43 =	vmul.f32 v41, v41;
	v3 =	vadd.f32 v3, v40  }
0xeb: {  	v45 =	vld [tilespmem:s22+$0x430]  }
0xec: {  	v47 =	vsub.f32 v39, v0;
	v46 =	vmul.f32 v44, v44;
	v3 =	vadd.f32 v3, v43  }
0xed: {  	v48 =	vld [tilespmem:s22+$0x440]  }
0xee: {  	v50 =	vsub.f32 v42, v0;
	v49 =	vmul.f32 v47, v47;
	v3 =	vadd.f32 v3, v46  }
0xef: {  	v51 =	vld [tilespmem:s22+$0x450]  }
0xf0: {  	v53 =	vsub.f32 v45, v0;
	v52 =	vmul.f32 v50, v50;
	v3 =	vadd.f32 v3, v49  }
0xf1: {  	v54 =	vld [tilespmem:s22+$0x460]  }
0xf2: {  	v56 =	vsub.f32 v48, v0;
	v55 =	vmul.f32 v53, v53;
	v3 =	vadd.f32 v3, v52  }
0xf3: {  	v57 =	vld [tilespmem:s22+$0x470]  }
0xf4: {  	v59 =	vsub.f32 v51, v0;
	v58 =	vmul.f32 v56, v56;
	v3 =	vadd.f32 v3, v55  }
0xf5: {  	v60 =	vld [tilespmem:s22+$0x800]  }
0xf6: {  	v62 =	vsub.f32 v54, v0;
	v61 =	vmul.f32 v59, v59;
	v3 =	vadd.f32 v3, v58  }
0xf7: {  	v63 =	vld [tilespmem:s22+$0x810]  }
0xf8: {  	v11 =	vsub.f32 v57, v0;
	v10 =	vmul.f32 v62, v62;
	v3 =	vadd.f32 v3, v61  }
0xf9: {  	v12 =	vld [tilespmem:s22+$0x820]  }
0xfa: {  	v14 =	vsub.f32 v60, v0;
	v13 =	vmul.f32 v11, v11;
	v3 =	vadd.f32 v3, v10  }
0xfb: {  	v15 =	vld [tilespmem:s22+$0x830]  }
0xfc: {  	v17 =	vsub.f32 v63, v0;
	v16 =	vmul.f32 v14, v14;
	v3 =	vadd.f32 v3, v13  }
0xfd: {  	v18 =	vld [tilespmem:s22+$0x840]  }
0xfe: {  	v20 =	vsub.f32 v12, v0;
	v19 =	vmul.f32 v17, v17;
	v3 =	vadd.f32 v3, v16  }
0xff: {  	v21 =	vld [tilespmem:s22+$0x850]  }
0x100: {  	v23 =	vsub.f32 v15, v0;
	v22 =	vmul.f32 v20, v20;
	v3 =	vadd.f32 v3, v19  }
0x101: {  	v24 =	vld [tilespmem:s22+$0x860]  }
0x102: {  	v26 =	vsub.f32 v18, v0;
	v25 =	vmul.f32 v23, v23;
	v3 =	vadd.f32 v3, v22  }
0x103: {  	v27 =	vld [tilespmem:s22+$0x870]  }
0x104: {  	v29 =	vsub.f32 v21, v0;
	v28 =	vmul.f32 v26, v26;
	v3 =	vadd.f32 v3, v25  }
0x105: {  	v30 =	vld [tilespmem:s22+$0xC00]  }
0x106: {  	v32 =	vsub.f32 v24, v0;
	v31 =	vmul.f32 v29, v29;
	v3 =	vadd.f32 v3, v28  }
0x107: {  	v33 =	vld [tilespmem:s22+$0xC10]  }
0x108: {  	v35 =	vsub.f32 v27, v0;
	v34 =	vmul.f32 v32, v32;
	v3 =	vadd.f32 v3, v31  }
0x109: {  	v36 =	vld [tilespmem:s22+$0xC20]  }
0x10a: {  	v38 =	vsub.f32 v30, v0;
	v37 =	vmul.f32 v35, v35;
	v3 =	vadd.f32 v3, v34  }
0x10b: {  	v39 =	vld [tilespmem:s22+$0xC30]  }
0x10c: {  	v41 =	vsub.f32 v33, v0;
	v40 =	vmul.f32 v38, v38;
	v3 =	vadd.f32 v3, v37  }
0x10d: {  	v42 =	vld [tilespmem:s22+$0xC40]  }
0x10e: {  	v44 =	vsub.f32 v36, v0;
	v43 =	vmul.f32 v41, v41;
	v3 =	vadd.f32 v3, v40  }
0x10f: {  	v45 =	vld [tilespmem:s22+$0xC50]  }
0x110: {  	v47 =	vsub.f32 v39, v0;
	v46 =	vmul.f32 v44, v44;
	v3 =	vadd.f32 v3, v43  }
0x111: {  	v48 =	vld [tilespmem:s22+$0xC60]  }
0x112: {  	v50 =	vsub.f32 v42, v0;
	v49 =	vmul.f32 v47, v47;
	v3 =	vadd.f32 v3, v46  }
0x113: {  	v51 =	vld [tilespmem:s22+$0xC70]  }
0x114: {  	v53 =	vsub.f32 v45, v0;
	v52 =	vmul.f32 v50, v50;
	v3 =	vadd.f32 v3, v49  }
0x115: {  	v54 =	vld [tilespmem:s22+$0x1000]  }
0x116: {  	v56 =	vsub.f32 v48, v0;
	v55 =	vmul.f32 v53, v53;
	v3 =	vadd.f32 v3, v52  }
0x117: {  	v57 =	vld [tilespmem:s22+$0x1010]  }
0x118: {  	v59 =	vsub.f32 v51, v0;
	v58 =	vmul.f32 v56, v56;
	v3 =	vadd.f32 v3, v55  }
0x119: {  	v60 =	vld [tilespmem:s22+$0x1020]  }
0x11a: {  	v62 =	vsub.f32 v54, v0;
	v61 =	vmul.f32 v59, v59;
	v3 =	vadd.f32 v3, v58  }
0x11b: {  	v63 =	vld [tilespmem:s22+$0x1030]  }
0x11c: {  	v11 =	vsub.f32 v57, v0;
	v10 =	vmul.f32 v62, v62;
	v3 =	vadd.f32 v3, v61  }
0x11d: {  	v12 =	vld [tilespmem:s22+$0x1040]  }
0x11e: {  	v14 =	vsub.f32 v60, v0;
	v13 =	vmul.f32 v11, v11;
	v3 =	vadd.f32 v3, v10  }
0x11f: {  	v15 =	vld [tilespmem:s22+$0x1050]  }
0x120: {  	v17 =	vsub.f32 v63, v0;
	v16 =	vmul.f32 v14, v14;
	v3 =	vadd.f32 v3, v13  }
0x121: {  	v18 =	vld [tilespmem:s22+$0x1060]  }
0x122: {  	v20 =	vsub.f32 v12, v0;
	v19 =	vmul.f32 v17, v17;
	v3 =	vadd.f32 v3, v16  }
0x123: {  	v21 =	vld [tilespmem:s22+$0x1070]  }
0x124: {  	v23 =	vsub.f32 v15, v0;
	v22 =	vmul.f32 v20, v20;
	v3 =	vadd.f32 v3, v19  }
0x125: {  	v24 =	vld [tilespmem:s22+$0x1400]  }
0x126: {  	v26 =	vsub.f32 v18, v0;
	v25 =	vmul.f32 v23, v23;
	v3 =	vadd.f32 v3, v22  }
0x127: {  	v27 =	vld [tilespmem:s22+$0x1410]  }
0x128: {  	v29 =	vsub.f32 v21, v0;
	v28 =	vmul.f32 v26, v26;
	v3 =	vadd.f32 v3, v25  }
0x129: {  	v30 =	vld [tilespmem:s22+$0x1420]  }
0x12a: {  	v32 =	vsub.f32 v24, v0;
	v31 =	vmul.f32 v29, v29;
	v3 =	vadd.f32 v3, v28  }
0x12b: {  	v33 =	vld [tilespmem:s22+$0x1430]  }
0x12c: {  	v35 =	vsub.f32 v27, v0;
	v34 =	vmul.f32 v32, v32;
	v3 =	vadd.f32 v3, v31  }
0x12d: {  	v36 =	vld [tilespmem:s22+$0x1440]  }
0x12e: {  	v38 =	vsub.f32 v30, v0;
	v37 =	vmul.f32 v35, v35;
	v3 =	vadd.f32 v3, v34  }
0x12f: {  	v39 =	vld [tilespmem:s22+$0x1450]  }
0x130: {  	v41 =	vsub.f32 v33, v0;
	v40 =	vmul.f32 v38, v38;
	v3 =	vadd.f32 v3, v37  }
0x131: {  	v42 =	vld [tilespmem:s22+$0x1460]  }
0x132: {  	v44 =	vsub.f32 v36, v0;
	v43 =	vmul.f32 v41, v41;
	v3 =	vadd.f32 v3, v40  }
0x133: {  	v45 =	vld [tilespmem:s22+$0x1470]  }
0x134: {  	v47 =	vsub.f32 v39, v0;
	v46 =	vmul.f32 v44, v44;
	v3 =	vadd.f32 v3, v43  }
0x135: {  	v48 =	vld [tilespmem:s22+$0x1800]  }
0x136: {  	v50 =	vsub.f32 v42, v0;
	v49 =	vmul.f32 v47, v47;
	v3 =	vadd.f32 v3, v46  }
0x137: {  	v51 =	vld [tilespmem:s22+$0x1810]  }
0x138: {  	v53 =	vsub.f32 v45, v0;
	v52 =	vmul.f32 v50, v50;
	v3 =	vadd.f32 v3, v49  }
0x139: {  	v54 =	vld [tilespmem:s22+$0x1820]  }
0x13a: {  	v56 =	vsub.f32 v48, v0;
	v55 =	vmul.f32 v53, v53;
	v3 =	vadd.f32 v3, v52  }
0x13b: {  	v57 =	vld [tilespmem:s22+$0x1830]  }
0x13c: {  	v59 =	vsub.f32 v51, v0;
	v58 =	vmul.f32 v56, v56;
	v3 =	vadd.f32 v3, v55  }
0x13d: {  	v60 =	vld [tilespmem:s22+$0x1840]  }
0x13e: {  	v62 =	vsub.f32 v54, v0;
	v61 =	vmul.f32 v59, v59;
	v3 =	vadd.f32 v3, v58  }
0x13f: {  	v63 =	vld [tilespmem:s22+$0x1850]  }
0x140: {  	v11 =	vsub.f32 v57, v0;
	v10 =	vmul.f32 v62, v62;
	v3 =	vadd.f32 v3, v61  }
0x141: {  	v12 =	vld [tilespmem:s22+$0x1860]  }
0x142: {  	v14 =	vsub.f32 v60, v0;
	v13 =	vmul.f32 v11, v11;
	v3 =	vadd.f32 v3, v10  }
0x143: {  	v15 =	vld [tilespmem:s22+$0x1870]  }
0x144: {  	v17 =	vsub.f32 v63, v0;
	v16 =	vmul.f32 v14, v14;
	v3 =	vadd.f32 v3, v13  }
0x145: {  	v18 =	vld [tilespmem:s23+$0x0]  }
0x146: {  	v20 =	vsub.f32 v12, v0;
	v19 =	vmul.f32 v17, v17;
	v3 =	vadd.f32 v3, v16  }
0x147: {  	v21 =	vld [tilespmem:s24+$0x0]  }
0x148: {  	v23 =	vsub.f32 v15, v0;
	v22 =	vmul.f32 v20, v20;
	v3 =	vadd.f32 v3, v19  }
0x149: {  	v24 =	vld [tilespmem:s25+$0x0]  }
0x14a: {  	v26 =	vsub.f32 v18, v0;
	v25 =	vmul.f32 v23, v23;
	v3 =	vadd.f32 v3, v22  }
0x14b: {  	v27 =	vld [tilespmem:s26+$0x0]  }
0x14c: {  	v29 =	vsub.f32 v21, v0;
	v28 =	vmul.f32 v26, v26;
	v3 =	vadd.f32 v3, v25  }
0x14d: {  	v30 =	vld [tilespmem:s28+$0x0]  }
0x14e: {  	v32 =	vsub.f32 v24, v0;
	v31 =	vmul.f32 v29, v29;
	v3 =	vadd.f32 v3, v28  }
0x14f: {  	v33 =	vld [tilespmem:s29+$0x0]  }
0x150: {  	v35 =	vsub.f32 v27, v0;
	v34 =	vmul.f32 v32, v32;
	v3 =	vadd.f32 v3, v31  }
0x151: {  	v36 =	vld [tilespmem:s31+$0x0]  }
0x152: {  	v38 =	vsub.f32 v30, v0;
	v37 =	vmul.f32 v35, v35;
	v3 =	vadd.f32 v3, v34;
	_ =	sdelay $0x1  }
0x153: {  	v39 =	vmul.f32 v38, v38;
	v40 =	vsub.f32 v33, v0;
	v3 =	vadd.f32 v3, v37;
	_ =	sdelay $0x1  }
0x154: {  	v42 =	vsub.f32 v36, v0;
	v41 =	vmul.f32 v40, v40;
	v3 =	vadd.f32 v3, v39;
	_ =	sdelay $0x1  }
0x155: {  	v1 =	vsub.f32 v1, v0;
	v43 =	vmul.f32 v42, v42;
	v3 =	vadd.f32 v3, v41;
	_ =	sdelay $0x1  }
0x156: {  	v1 =	vmul.f32 v1, v1;
	v3 =	vadd.f32 v3, v43;
	_ =	sdelay $0x1  }
0x157: {  	v1 =	vadd.f32 v3, v1;
	_ =	sdelay $0x1  }
0x158: {  	(xrf2) =	vadd.scan.msk.f32 $0xffff, v1;
	_ =	sdelay $0x9  }
0x159: {  	v1, _, _ =	vpop (xrf2)  }
0x15a: {  	(v2sf) =	vpush v1, $0xF;
	_ =	sdelay $0xe  }
0x15b: {  	s1 =	spop (v2sf)  }
0x15c: {  	s1 =	smul.f32 $9.765625000e-04, s1;
	_ =	sdelay $0x1  }
0x15d: {  	s1 =	sadd.f32 $9.999999740e-06, s1;
	_ =	sdelay $0x1  }
0x15e: {  	v44 =	vmov s1  }
0x15f: {  	v45 =	vshrl.u32 v44, $0x1;
	v1 =	vmul.f32 $5.000000000e-01, v44  }
0x160: {  	v3 =	vsub.s32 $0x5F3759DF, v45  }
0x161: {  	v46 =	vmul.f32 v3, v1;
	_ =	sdelay $0x1  }
0x162: {  	v4 =	vmul.f32 v3, v46;
	_ =	sdelay $0x1  }
0x163: {  	v4 =	vsub.f32 $1.500000000e+00, v4;
	_ =	sdelay $0x1  }
0x164: {  	v3 =	vmul.f32 v3, v4;
	_ =	sdelay $0x1  }
0x165: {  	v4 =	vmul.f32 v3, v1;
	_ =	sdelay $0x1  }
0x166: {  	v4 =	vmul.f32 v4, v3;
	_ =	sdelay $0x1  }
0x167: {  	v4 =	vsub.f32 $1.500000000e+00, v4;
	_ =	sdelay $0x1  }
0x168: {  	v3 =	vmul.f32 v4, v3;
	_ =	sdelay $0x1  }
0x169: {  	v1 =	vmul.f32 v3, v1;
	_ =	sdelay $0x1  }
0x16a: {  	v1 =	vmul.f32 v1, v3;
	_ =	sdelay $0x1  }
0x16b: {  	v1 =	vsub.f32 $1.500000000e+00, v1  }
0x16c: {  	v47 =	vld [tilespmem:$0xC000]  }
0x16d: {  	v1 =	vmul.f32 v1, v3  }
0x16e: {  	v48 =	vld [tilespmem:$0xC400]  }
0x16f: {  	v2 =	vmul.f32 v1, v2;
	_ =	sdelay $0x1  }
0x170: {  	v2 =	vmul.f32 v2, v47  }
0x171: {  	v49 =	vld [tilespmem:s22+$0x10]  }
0x172: {  	v2 =	vadd.f32 v2, v48;
	_ =	sdelay $0x1  }
0x173: {  	[tilespmem:s22+$0x8000] =	vst v2  }
0x174: {  	v2 =	vld [tilespmem:$0xC010]  }
0x175: {  	v50 =	vsub.f32 v49, v0  }
0x176: {  	v51 =	vld [tilespmem:$0xC410]  }
0x177: {  	v3 =	vmul.f32 v1, v50;
	_ =	sdelay $0x1  }
0x178: {  	v2 =	vmul.f32 v3, v2  }
0x179: {  	v52 =	vld [tilespmem:s22+$0x20]  }
0x17a: {  	v2 =	vadd.f32 v2, v51;
	_ =	sdelay $0x1  }
0x17b: {  	[tilespmem:s22+$0x8010] =	vst v2  }
0x17c: {  	v2 =	vld [tilespmem:$0xC020]  }
0x17d: {  	v3 =	vsub.f32 v52, v0  }
0x17e: {  	v53 =	vld [tilespmem:$0xC420]  }
0x17f: {  	v3 =	vmul.f32 v1, v3;
	_ =	sdelay $0x1  }
0x180: {  	v2 =	vmul.f32 v3, v2  }
0x181: {  	v54 =	vld [tilespmem:s22+$0x30]  }
0x182: {  	v2 =	vadd.f32 v2, v53;
	_ =	sdelay $0x1  }
0x183: {  	[tilespmem:s22+$0x8020] =	vst v2  }
0x184: {  	v2 =	vld [tilespmem:$0xC030]  }
0x185: {  	v3 =	vsub.f32 v54, v0  }
0x186: {  	v55 =	vld [tilespmem:$0xC430]  }
0x187: {  	v3 =	vmul.f32 v1, v3;
	_ =	sdelay $0x1  }
0x188: {  	v2 =	vmul.f32 v3, v2  }
0x189: {  	v56 =	vld [tilespmem:s22+$0x40]  }
0x18a: {  	v2 =	vadd.f32 v2, v55;
	_ =	sdelay $0x1  }
0x18b: {  	[tilespmem:s22+$0x8030] =	vst v2  }
0x18c: {  	v2 =	vld [tilespmem:$0xC040]  }
0x18d: {  	v3 =	vsub.f32 v56, v0  }
0x18e: {  	v57 =	vld [tilespmem:$0xC440]  }
0x18f: {  	v3 =	vmul.f32 v1, v3;
	_ =	sdelay $0x1  }
0x190: {  	v2 =	vmul.f32 v3, v2  }
0x191: {  	v58 =	vld [tilespmem:s22+$0x50]  }
0x192: {  	v2 =	vadd.f32 v2, v57;
	_ =	sdelay $0x1  }
0x193: {  	[tilespmem:s22+$0x8040] =	vst v2  }
0x194: {  	v2 =	vld [tilespmem:$0xC050]  }
0x195: {  	v3 =	vsub.f32 v58, v0  }
0x196: {  	v59 =	vld [tilespmem:$0xC450]  }
0x197: {  	v3 =	vmul.f32 v1, v3;
	_ =	sdelay $0x1  }
0x198: {  	v2 =	vmul.f32 v3, v2  }
0x199: {  	v60 =	vld [tilespmem:s22+$0x60]  }
0x19a: {  	v2 =	vadd.f32 v2, v59;
	_ =	sdelay $0x1  }
0x19b: {  	[tilespmem:s22+$0x8050] =	vst v2  }
0x19c: {  	v2 =	vld [tilespmem:$0xC060]  }
0x19d: {  	v3 =	vsub.f32 v60, v0  }
0x19e: {  	v61 =	vld [tilespmem:$0xC460]  }
0x19f: {  	v3 =	vmul.f32 v1, v3;
	_ =	sdelay $0x1  }
0x1a0: {  	v2 =	vmul.f32 v3, v2  }
0x1a1: {  	v62 =	vld [tilespmem:s22+$0x70]  }
0x1a2: {  	v2 =	vadd.f32 v2, v61;
	_ =	sdelay $0x1  }
0x1a3: {  	[tilespmem:s22+$0x8060] =	vst v2  }
0x1a4: {  	v2 =	vld [tilespmem:$0xC070]  }
0x1a5: {  	v3 =	vsub.f32 v62, v0  }
0x1a6: {  	v63 =	vld [tilespmem:$0xC470]  }
0x1a7: {  	v3 =	vmul.f32 v1, v3;
	_ =	sdelay $0x1  }
0x1a8: {  	v2 =	vmul.f32 v3, v2  }
0x1a9: {  	v8 =	vld [tilespmem:s22+$0x400]  }
0x1aa: {  	v2 =	vadd.f32 v2, v63;
	_ =	sdelay $0x1  }
0x1ab: {  	[tilespmem:s22+$0x8070] =	vst v2  }
0x1ac: {  	v2 =	vld [tilespmem:$0xC080]  }
0x1ad: {  	v3 =	vsub.f32 v8, v0  }
0x1ae: {  	v9 =	vld [tilespmem:$0xC480]  }
0x1af: {  	v3 =	vmul.f32 v3, v1;
	_ =	sdelay $0x1  }
0x1b0: {  	v2 =	vmul.f32 v3, v2  }
0x1b1: {  	v10 =	vld [tilespmem:s22+$0x410]  }
0x1b2: {  	v2 =	vadd.f32 v2, v9;
	_ =	sdelay $0x1  }
0x1b3: {  	[tilespmem:s22+$0x8400] =	vst v2  }
0x1b4: {  	v2 =	vld [tilespmem:$0xC090]  }
0x1b5: {  	v3 =	vsub.f32 v10, v0  }
0x1b6: {  	v11 =	vld [tilespmem:$0xC490]  }
0x1b7: {  	v3 =	vmul.f32 v3, v1;
	_ =	sdelay $0x1  }
0x1b8: {  	v2 =	vmul.f32 v3, v2  }
0x1b9: {  	v12 =	vld [tilespmem:s22+$0x420]  }
0x1ba: {  	v2 =	vadd.f32 v2, v11;
	_ =	sdelay $0x1  }
0x1bb: {  	[tilespmem:s22+$0x8410] =	vst v2  }
0x1bc: {  	v2 =	vld [tilespmem:$0xC0A0]  }
0x1bd: {  	v3 =	vsub.f32 v12, v0  }
0x1be: {  	v13 =	vld [tilespmem:$0xC4A0]  }
0x1bf: {  	v3 =	vmul.f32 v3, v1;
	_ =	sdelay $0x1  }
0x1c0: {  	v2 =	vmul.f32 v3, v2  }
0x1c1: {  	v14 =	vld [tilespmem:s22+$0x430]  }
0x1c2: {  	v2 =	vadd.f32 v2, v13;
	_ =	sdelay $0x1  }
0x1c3: {  	[tilespmem:s22+$0x8420] =	vst v2  }
0x1c4: {  	v2 =	vld [tilespmem:$0xC0B0]  }
0x1c5: {  	v3 =	vsub.f32 v14, v0  }
0x1c6: {  	v15 =	vld [tilespmem:$0xC4B0]  }
0x1c7: {  	v3 =	vmul.f32 v3, v1;
	_ =	sdelay $0x1  }
0x1c8: {  	v2 =	vmul.f32 v3, v2  }
0x1c9: {  	v16 =	vld [tilespmem:s22+$0x440]  }
0x1ca: {  	v2 =	vadd.f32 v2, v15;
	_ =	sdelay $0x1  }
0x1cb: {  	[tilespmem:s22+$0x8430] =	vst v2  }
0x1cc: {  	v2 =	vld [tilespmem:$0xC0C0]  }
0x1cd: {  	v3 =	vsub.f32 v16, v0  }
0x1ce: {  	v17 =	vld [tilespmem:$0xC4C0]  }
0x1cf: {  	v3 =	vmul.f32 v3, v1;
	_ =	sdelay $0x1  }
0x1d0: {  	v2 =	vmul.f32 v3, v2  }
0x1d1: {  	v18 =	vld [tilespmem:s22+$0x450]  }
0x1d2: {  	v2 =	vadd.f32 v2, v17;
	_ =	sdelay $0x1  }
0x1d3: {  	[tilespmem:s22+$0x8440] =	vst v2  }
0x1d4: {  	v2 =	vld [tilespmem:$0xC0D0]  }
0x1d5: {  	v3 =	vsub.f32 v18, v0  }
0x1d6: {  	v19 =	vld [tilespmem:$0xC4D0]  }
0x1d7: {  	v3 =	vmul.f32 v3, v1;
	_ =	sdelay $0x1  }
0x1d8: {  	v2 =	vmul.f32 v3, v2  }
0x1d9: {  	v20 =	vld [tilespmem:s22+$0x460]  }
0x1da: {  	v2 =	vadd.f32 v2, v19;
	_ =	sdelay $0x1  }
0x1db: {  	[tilespmem:s22+$0x8450] =	vst v2  }
0x1dc: {  	v2 =	vld [tilespmem:$0xC0E0]  }
0x1dd: {  	v3 =	vsub.f32 v20, v0  }
0x1de: {  	v21 =	vld [tilespmem:$0xC4E0]  }
0x1df: {  	v3 =	vmul.f32 v3, v1;
	_ =	sdelay $0x1  }
0x1e0: {  	v2 =	vmul.f32 v3, v2  }
0x1e1: {  	v22 =	vld [tilespmem:s22+$0x470]  }
0x1e2: {  	v2 =	vadd.f32 v2, v21;
	_ =	sdelay $0x1  }
0x1e3: {  	[tilespmem:s22+$0x8460] =	vst v2  }
0x1e4: {  	v2 =	vld [tilespmem:$0xC0F0]  }
0x1e5: {  	v3 =	vsub.f32 v22, v0  }
0x1e6: {  	v23 =	vld [tilespmem:$0xC4F0]  }
0x1e7: {  	v3 =	vmul.f32 v3, v1;
	_ =	sdelay $0x1  }
0x1e8: {  	v2 =	vmul.f32 v3, v2  }
0x1e9: {  	v24 =	vld [tilespmem:s22+$0x800]  }
0x1ea: {  	v2 =	vadd.f32 v2, v23;
	_ =	sdelay $0x1  }
0x1eb: {  	[tilespmem:s22+$0x8470] =	vst v2  }
0x1ec: {  	v2 =	vld [tilespmem:$0xC100]  }
0x1ed: {  	v3 =	vsub.f32 v24, v0  }
0x1ee: {  	v25 =	vld [tilespmem:$0xC500]  }
0x1ef: {  	v3 =	vmul.f32 v3, v1;
	_ =	sdelay $0x1  }
0x1f0: {  	v2 =	vmul.f32 v3, v2  }
0x1f1: {  	v26 =	vld [tilespmem:s22+$0x810]  }
0x1f2: {  	v2 =	vadd.f32 v2, v25;
	_ =	sdelay $0x1  }
0x1f3: {  	[tilespmem:s22+$0x8800] =	vst v2  }
0x1f4: {  	v2 =	vld [tilespmem:$0xC110]  }
0x1f5: {  	v3 =	vsub.f32 v26, v0  }
0x1f6: {  	v27 =	vld [tilespmem:$0xC510]  }
0x1f7: {  	v3 =	vmul.f32 v3, v1;
	_ =	sdelay $0x1  }
0x1f8: {  	v2 =	vmul.f32 v3, v2  }
0x1f9: {  	v28 =	vld [tilespmem:s22+$0x820]  }
0x1fa: {  	v2 =	vadd.f32 v2, v27;
	_ =	sdelay $0x1  }
0x1fb: {  	[tilespmem:s22+$0x8810] =	vst v2  }
0x1fc: {  	v2 =	vld [tilespmem:$0xC120]  }
0x1fd: {  	v3 =	vsub.f32 v28, v0  }
0x1fe: {  	v29 =	vld [tilespmem:$0xC520]  }
0x1ff: {  	v3 =	vmul.f32 v3, v1;
	_ =	sdelay $0x1  }
0x200: {  	v2 =	vmul.f32 v3, v2  }
0x201: {  	v30 =	vld [tilespmem:s22+$0x830]  }
0x202: {  	v2 =	vadd.f32 v2, v29;
	_ =	sdelay $0x1  }
0x203: {  	[tilespmem:s22+$0x8820] =	vst v2  }
0x204: {  	v2 =	vld [tilespmem:$0xC130]  }
0x205: {  	v3 =	vsub.f32 v30, v0  }
0x206: {  	v31 =	vld [tilespmem:$0xC530]  }
0x207: {  	v3 =	vmul.f32 v3, v1;
	_ =	sdelay $0x1  }
0x208: {  	v2 =	vmul.f32 v3, v2  }
0x209: {  	v32 =	vld [tilespmem:s22+$0x840]  }
0x20a: {  	v2 =	vadd.f32 v2, v31;
	_ =	sdelay $0x1  }
0x20b: {  	[tilespmem:s22+$0x8830] =	vst v2  }
0x20c: {  	v2 =	vld [tilespmem:$0xC140]  }
0x20d: {  	v3 =	vsub.f32 v32, v0  }
0x20e: {  	v33 =	vld [tilespmem:$0xC540]  }
0x20f: {  	v3 =	vmul.f32 v3, v1;
	_ =	sdelay $0x1  }
0x210: {  	v2 =	vmul.f32 v3, v2  }
0x211: {  	v34 =	vld [tilespmem:s22+$0x850]  }
0x212: {  	v2 =	vadd.f32 v2, v33;
	_ =	sdelay $0x1  }
0x213: {  	[tilespmem:s22+$0x8840] =	vst v2  }
0x214: {  	v2 =	vld [tilespmem:$0xC150]  }
0x215: {  	v3 =	vsub.f32 v34, v0  }
0x216: {  	v35 =	vld [tilespmem:$0xC550]  }
0x217: {  	v3 =	vmul.f32 v3, v1;
	_ =	sdelay $0x1  }
0x218: {  	v2 =	vmul.f32 v3, v2  }
0x219: {  	v36 =	vld [tilespmem:s22+$0x860]  }
0x21a: {  	v2 =	vadd.f32 v2, v35;
	_ =	sdelay $0x1  }
0x21b: {  	[tilespmem:s22+$0x8850] =	vst v2  }
0x21c: {  	v2 =	vld [tilespmem:$0xC160]  }
0x21d: {  	v3 =	vsub.f32 v36, v0  }
0x21e: {  	v37 =	vld [tilespmem:$0xC560]  }
0x21f: {  	v3 =	vmul.f32 v3, v1;
	_ =	sdelay $0x1  }
0x220: {  	v2 =	vmul.f32 v3, v2  }
0x221: {  	v38 =	vld [tilespmem:s22+$0x870]  }
0x222: {  	v2 =	vadd.f32 v2, v37;
	_ =	sdelay $0x1  }
0x223: {  	[tilespmem:s22+$0x8860] =	vst v2  }
0x224: {  	v2 =	vld [tilespmem:$0xC170]  }
0x225: {  	v3 =	vsub.f32 v38, v0  }
0x226: {  	v39 =	vld [tilespmem:$0xC570]  }
0x227: {  	v3 =	vmul.f32 v3, v1;
	_ =	sdelay $0x1  }
0x228: {  	v2 =	vmul.f32 v3, v2  }
0x229: {  	v40 =	vld [tilespmem:s22+$0xC00]  }
0x22a: {  	v2 =	vadd.f32 v2, v39;
	_ =	sdelay $0x1  }
0x22b: {  	[tilespmem:s22+$0x8870] =	vst v2  }
0x22c: {  	v2 =	vld [tilespmem:$0xC180]  }
0x22d: {  	v3 =	vsub.f32 v40, v0  }
0x22e: {  	v41 =	vld [tilespmem:$0xC580]  }
0x22f: {  	v3 =	vmul.f32 v3, v1;
	_ =	sdelay $0x1  }
0x230: {  	v2 =	vmul.f32 v3, v2  }
0x231: {  	v42 =	vld [tilespmem:s22+$0xC10]  }
0x232: {  	v2 =	vadd.f32 v2, v41;
	_ =	sdelay $0x1  }
0x233: {  	[tilespmem:s22+$0x8C00] =	vst v2  }
0x234: {  	v2 =	vld [tilespmem:$0xC190]  }
0x235: {  	v3 =	vsub.f32 v42, v0  }
0x236: {  	v43 =	vld [tilespmem:$0xC590]  }
0x237: {  	v3 =	vmul.f32 v3, v1;
	_ =	sdelay $0x1  }
0x238: {  	v2 =	vmul.f32 v3, v2  }
0x239: {  	v44 =	vld [tilespmem:s22+$0xC20]  }
0x23a: {  	v2 =	vadd.f32 v2, v43;
	_ =	sdelay $0x1  }
0x23b: {  	[tilespmem:s22+$0x8C10] =	vst v2  }
0x23c: {  	v2 =	vld [tilespmem:$0xC1A0]  }
0x23d: {  	v3 =	vsub.f32 v44, v0  }
0x23e: {  	v45 =	vld [tilespmem:$0xC5A0]  }
0x23f: {  	v3 =	vmul.f32 v3, v1;
	_ =	sdelay $0x1  }
0x240: {  	v2 =	vmul.f32 v3, v2  }
0x241: {  	v46 =	vld [tilespmem:s22+$0xC30]  }
0x242: {  	v2 =	vadd.f32 v2, v45;
	_ =	sdelay $0x1  }
0x243: {  	[tilespmem:s22+$0x8C20] =	vst v2  }
0x244: {  	v2 =	vld [tilespmem:$0xC1B0]  }
0x245: {  	v3 =	vsub.f32 v46, v0  }
0x246: {  	v47 =	vld [tilespmem:$0xC5B0]  }
0x247: {  	v3 =	vmul.f32 v3, v1;
	_ =	sdelay $0x1  }
0x248: {  	v2 =	vmul.f32 v3, v2  }
0x249: {  	v48 =	vld [tilespmem:s22+$0xC40]  }
0x24a: {  	v2 =	vadd.f32 v2, v47;
	_ =	sdelay $0x1  }
0x24b: {  	[tilespmem:s22+$0x8C30] =	vst v2  }
0x24c: {  	v2 =	vld [tilespmem:$0xC1C0]  }
0x24d: {  	v3 =	vsub.f32 v48, v0  }
0x24e: {  	v49 =	vld [tilespmem:$0xC5C0]  }
0x24f: {  	v3 =	vmul.f32 v3, v1;
	_ =	sdelay $0x1  }
0x250: {  	v2 =	vmul.f32 v3, v2  }
0x251: {  	v50 =	vld [tilespmem:s22+$0xC50]  }
0x252: {  	v2 =	vadd.f32 v2, v49;
	_ =	sdelay $0x1  }
0x253: {  	[tilespmem:s22+$0x8C40] =	vst v2  }
0x254: {  	v2 =	vld [tilespmem:$0xC1D0]  }
0x255: {  	v3 =	vsub.f32 v50, v0  }
0x256: {  	v51 =	vld [tilespmem:$0xC5D0]  }
0x257: {  	v3 =	vmul.f32 v3, v1;
	_ =	sdelay $0x1  }
0x258: {  	v2 =	vmul.f32 v3, v2  }
0x259: {  	v52 =	vld [tilespmem:s22+$0xC60]  }
0x25a: {  	v2 =	vadd.f32 v2, v51;
	_ =	sdelay $0x1  }
0x25b: {  	[tilespmem:s22+$0x8C50] =	vst v2  }
0x25c: {  	v2 =	vld [tilespmem:$0xC1E0]  }
0x25d: {  	v3 =	vsub.f32 v52, v0  }
0x25e: {  	v53 =	vld [tilespmem:$0xC5E0]  }
0x25f: {  	v3 =	vmul.f32 v3, v1;
	_ =	sdelay $0x1  }
0x260: {  	v2 =	vmul.f32 v3, v2  }
0x261: {  	v54 =	vld [tilespmem:s22+$0xC70]  }
0x262: {  	v2 =	vadd.f32 v2, v53;
	_ =	sdelay $0x1  }
0x263: {  	[tilespmem:s22+$0x8C60] =	vst v2  }
0x264: {  	v2 =	vld [tilespmem:$0xC1F0]  }
0x265: {  	v3 =	vsub.f32 v54, v0  }
0x266: {  	v55 =	vld [tilespmem:$0xC5F0]  }
0x267: {  	v3 =	vmul.f32 v3, v1;
	_ =	sdelay $0x1  }
0x268: {  	v2 =	vmul.f32 v3, v2  }
0x269: {  	v56 =	vld [tilespmem:s22+$0x1000]  }
0x26a: {  	v2 =	vadd.f32 v2, v55;
	_ =	sdelay $0x1  }
0x26b: {  	[tilespmem:s22+$0x8C70] =	vst v2  }
0x26c: {  	v2 =	vld [tilespmem:$0xC200]  }
0x26d: {  	v3 =	vsub.f32 v56, v0  }
0x26e: {  	v57 =	vld [tilespmem:$0xC600]  }
0x26f: {  	v3 =	vmul.f32 v3, v1;
	_ =	sdelay $0x1  }
0x270: {  	v2 =	vmul.f32 v3, v2  }
0x271: {  	v58 =	vld [tilespmem:s22+$0x1010]  }
0x272: {  	v2 =	vadd.f32 v2, v57;
	_ =	sdelay $0x1  }
0x273: {  	[tilespmem:s22+$0x9000] =	vst v2  }
0x274: {  	v2 =	vld [tilespmem:$0xC210]  }
0x275: {  	v3 =	vsub.f32 v58, v0  }
0x276: {  	v59 =	vld [tilespmem:$0xC610]  }
0x277: {  	v3 =	vmul.f32 v3, v1;
	_ =	sdelay $0x1  }
0x278: {  	v2 =	vmul.f32 v3, v2  }
0x279: {  	v60 =	vld [tilespmem:s22+$0x1020]  }
0x27a: {  	v2 =	vadd.f32 v2, v59;
	_ =	sdelay $0x1  }
0x27b: {  	[tilespmem:s22+$0x9010] =	vst v2  }
0x27c: {  	v2 =	vld [tilespmem:$0xC220]  }
0x27d: {  	v3 =	vsub.f32 v60, v0  }
0x27e: {  	v61 =	vld [tilespmem:$0xC620]  }
0x27f: {  	v3 =	vmul.f32 v3, v1;
	_ =	sdelay $0x1  }
0x280: {  	v2 =	vmul.f32 v3, v2  }
0x281: {  	v62 =	vld [tilespmem:s22+$0x1030]  }
0x282: {  	v2 =	vadd.f32 v2, v61;
	_ =	sdelay $0x1  }
0x283: {  	[tilespmem:s22+$0x9020] =	vst v2  }
0x284: {  	v2 =	vld [tilespmem:$0xC230]  }
0x285: {  	v3 =	vsub.f32 v62, v0  }
0x286: {  	v63 =	vld [tilespmem:$0xC630]  }
0x287: {  	v3 =	vmul.f32 v3, v1;
	_ =	sdelay $0x1  }
0x288: {  	v2 =	vmul.f32 v3, v2  }
0x289: {  	v8 =	vld [tilespmem:s22+$0x1040]  }
0x28a: {  	v2 =	vadd.f32 v2, v63;
	_ =	sdelay $0x1  }
0x28b: {  	[tilespmem:s22+$0x9030] =	vst v2  }
0x28c: {  	v2 =	vld [tilespmem:$0xC240]  }
0x28d: {  	v3 =	vsub.f32 v8, v0  }
0x28e: {  	v9 =	vld [tilespmem:$0xC640]  }
0x28f: {  	v3 =	vmul.f32 v3, v1;
	_ =	sdelay $0x1  }
0x290: {  	v2 =	vmul.f32 v3, v2  }
0x291: {  	v10 =	vld [tilespmem:s22+$0x1050]  }
0x292: {  	v2 =	vadd.f32 v2, v9;
	_ =	sdelay $0x1  }
0x293: {  	[tilespmem:s22+$0x9040] =	vst v2  }
0x294: {  	v2 =	vld [tilespmem:$0xC250]  }
0x295: {  	v3 =	vsub.f32 v10, v0  }
0x296: {  	v11 =	vld [tilespmem:$0xC650]  }
0x297: {  	v3 =	vmul.f32 v3, v1;
	_ =	sdelay $0x1  }
0x298: {  	v2 =	vmul.f32 v3, v2  }
0x299: {  	v12 =	vld [tilespmem:s22+$0x1060]  }
0x29a: {  	v2 =	vadd.f32 v2, v11;
	_ =	sdelay $0x1  }
0x29b: {  	[tilespmem:s22+$0x9050] =	vst v2  }
0x29c: {  	v2 =	vld [tilespmem:$0xC260]  }
0x29d: {  	v3 =	vsub.f32 v12, v0  }
0x29e: {  	v13 =	vld [tilespmem:$0xC660]  }
0x29f: {  	v3 =	vmul.f32 v3, v1;
	_ =	sdelay $0x1  }
0x2a0: {  	v2 =	vmul.f32 v3, v2  }
0x2a1: {  	v14 =	vld [tilespmem:s22+$0x1070]  }
0x2a2: {  	v2 =	vadd.f32 v2, v13;
	_ =	sdelay $0x1  }
0x2a3: {  	[tilespmem:s22+$0x9060] =	vst v2  }
0x2a4: {  	v2 =	vld [tilespmem:$0xC270]  }
0x2a5: {  	v3 =	vsub.f32 v14, v0  }
0x2a6: {  	v15 =	vld [tilespmem:$0xC670]  }
0x2a7: {  	v3 =	vmul.f32 v3, v1;
	_ =	sdelay $0x1  }
0x2a8: {  	v2 =	vmul.f32 v3, v2  }
0x2a9: {  	v16 =	vld [tilespmem:s22+$0x1400]  }
0x2aa: {  	v2 =	vadd.f32 v2, v15;
	_ =	sdelay $0x1  }
0x2ab: {  	[tilespmem:s22+$0x9070] =	vst v2  }
0x2ac: {  	v2 =	vld [tilespmem:$0xC280]  }
0x2ad: {  	v3 =	vsub.f32 v16, v0  }
0x2ae: {  	v17 =	vld [tilespmem:$0xC680]  }
0x2af: {  	v3 =	vmul.f32 v3, v1;
	_ =	sdelay $0x1  }
0x2b0: {  	v2 =	vmul.f32 v3, v2  }
0x2b1: {  	v18 =	vld [tilespmem:s22+$0x1410]  }
0x2b2: {  	v2 =	vadd.f32 v2, v17;
	_ =	sdelay $0x1  }
0x2b3: {  	[tilespmem:s22+$0x9400] =	vst v2  }
0x2b4: {  	v2 =	vld [tilespmem:$0xC290]  }
0x2b5: {  	v3 =	vsub.f32 v18, v0  }
0x2b6: {  	v19 =	vld [tilespmem:$0xC690]  }
0x2b7: {  	v3 =	vmul.f32 v3, v1;
	_ =	sdelay $0x1  }
0x2b8: {  	v2 =	vmul.f32 v3, v2  }
0x2b9: {  	v20 =	vld [tilespmem:s22+$0x1420]  }
0x2ba: {  	v2 =	vadd.f32 v2, v19;
	_ =	sdelay $0x1  }
0x2bb: {  	[tilespmem:s22+$0x9410] =	vst v2  }
0x2bc: {  	v2 =	vld [tilespmem:$0xC2A0]  }
0x2bd: {  	v3 =	vsub.f32 v20, v0  }
0x2be: {  	v21 =	vld [tilespmem:$0xC6A0]  }
0x2bf: {  	v3 =	vmul.f32 v3, v1;
	_ =	sdelay $0x1  }
0x2c0: {  	v2 =	vmul.f32 v3, v2  }
0x2c1: {  	v22 =	vld [tilespmem:s22+$0x1430]  }
0x2c2: {  	v2 =	vadd.f32 v2, v21;
	_ =	sdelay $0x1  }
0x2c3: {  	[tilespmem:s22+$0x9420] =	vst v2  }
0x2c4: {  	v2 =	vld [tilespmem:$0xC2B0]  }
0x2c5: {  	v3 =	vsub.f32 v22, v0  }
0x2c6: {  	v23 =	vld [tilespmem:$0xC6B0]  }
0x2c7: {  	v3 =	vmul.f32 v3, v1;
	_ =	sdelay $0x1  }
0x2c8: {  	v2 =	vmul.f32 v3, v2  }
0x2c9: {  	v24 =	vld [tilespmem:s22+$0x1440]  }
0x2ca: {  	v2 =	vadd.f32 v2, v23;
	_ =	sdelay $0x1  }
0x2cb: {  	[tilespmem:s22+$0x9430] =	vst v2  }
0x2cc: {  	v2 =	vld [tilespmem:$0xC2C0]  }
0x2cd: {  	v3 =	vsub.f32 v24, v0  }
0x2ce: {  	v25 =	vld [tilespmem:$0xC6C0]  }
0x2cf: {  	v3 =	vmul.f32 v3, v1;
	_ =	sdelay $0x1  }
0x2d0: {  	v2 =	vmul.f32 v3, v2  }
0x2d1: {  	v26 =	vld [tilespmem:s22+$0x1450]  }
0x2d2: {  	v2 =	vadd.f32 v2, v25;
	_ =	sdelay $0x1  }
0x2d3: {  	[tilespmem:s22+$0x9440] =	vst v2  }
0x2d4: {  	v2 =	vld [tilespmem:$0xC2D0]  }
0x2d5: {  	v3 =	vsub.f32 v26, v0  }
0x2d6: {  	v27 =	vld [tilespmem:$0xC6D0]  }
0x2d7: {  	v3 =	vmul.f32 v3, v1;
	_ =	sdelay $0x1  }
0x2d8: {  	v2 =	vmul.f32 v3, v2  }
0x2d9: {  	v28 =	vld [tilespmem:s22+$0x1460]  }
0x2da: {  	v2 =	vadd.f32 v2, v27;
	_ =	sdelay $0x1  }
0x2db: {  	[tilespmem:s22+$0x9450] =	vst v2  }
0x2dc: {  	v2 =	vld [tilespmem:$0xC2E0]  }
0x2dd: {  	v3 =	vsub.f32 v28, v0  }
0x2de: {  	v29 =	vld [tilespmem:$0xC6E0]  }
0x2df: {  	v3 =	vmul.f32 v3, v1;
	_ =	sdelay $0x1  }
0x2e0: {  	v2 =	vmul.f32 v3, v2  }
0x2e1: {  	v30 =	vld [tilespmem:s22+$0x1470]  }
0x2e2: {  	v2 =	vadd.f32 v2, v29;
	_ =	sdelay $0x1  }
0x2e3: {  	[tilespmem:s22+$0x9460] =	vst v2  }
0x2e4: {  	v2 =	vld [tilespmem:$0xC2F0]  }
0x2e5: {  	v3 =	vsub.f32 v30, v0  }
0x2e6: {  	v31 =	vld [tilespmem:$0xC6F0]  }
0x2e7: {  	v3 =	vmul.f32 v3, v1;
	_ =	sdelay $0x1  }
0x2e8: {  	v2 =	vmul.f32 v3, v2  }
0x2e9: {  	v32 =	vld [tilespmem:s22+$0x1800]  }
0x2ea: {  	v2 =	vadd.f32 v2, v31;
	_ =	sdelay $0x1  }
0x2eb: {  	[tilespmem:s22+$0x9470] =	vst v2  }
0x2ec: {  	v2 =	vld [tilespmem:$0xC300]  }
0x2ed: {  	v3 =	vsub.f32 v32, v0  }
0x2ee: {  	v33 =	vld [tilespmem:$0xC700]  }
0x2ef: {  	v3 =	vmul.f32 v3, v1;
	_ =	sdelay $0x1  }
0x2f0: {  	v2 =	vmul.f32 v3, v2  }
0x2f1: {  	v34 =	vld [tilespmem:s22+$0x1810]  }
0x2f2: {  	v2 =	vadd.f32 v2, v33;
	_ =	sdelay $0x1  }
0x2f3: {  	[tilespmem:s22+$0x9800] =	vst v2  }
0x2f4: {  	v2 =	vld [tilespmem:$0xC310]  }
0x2f5: {  	v3 =	vsub.f32 v34, v0  }
0x2f6: {  	v35 =	vld [tilespmem:$0xC710]  }
0x2f7: {  	v3 =	vmul.f32 v3, v1;
	_ =	sdelay $0x1  }
0x2f8: {  	v2 =	vmul.f32 v3, v2  }
0x2f9: {  	v36 =	vld [tilespmem:s22+$0x1820]  }
0x2fa: {  	v2 =	vadd.f32 v2, v35;
	_ =	sdelay $0x1  }
0x2fb: {  	[tilespmem:s22+$0x9810] =	vst v2  }
0x2fc: {  	v2 =	vld [tilespmem:$0xC320]  }
0x2fd: {  	v3 =	vsub.f32 v36, v0  }
0x2fe: {  	v37 =	vld [tilespmem:$0xC720]  }
0x2ff: {  	v3 =	vmul.f32 v3, v1;
	_ =	sdelay $0x1  }
0x300: {  	v2 =	vmul.f32 v3, v2  }
0x301: {  	v38 =	vld [tilespmem:s22+$0x1830]  }
0x302: {  	v2 =	vadd.f32 v2, v37;
	_ =	sdelay $0x1  }
0x303: {  	[tilespmem:s22+$0x9820] =	vst v2  }
0x304: {  	v2 =	vld [tilespmem:$0xC330]  }
0x305: {  	v3 =	vsub.f32 v38, v0  }
0x306: {  	v39 =	vld [tilespmem:$0xC730]  }
0x307: {  	v3 =	vmul.f32 v3, v1;
	_ =	sdelay $0x1  }
0x308: {  	v2 =	vmul.f32 v3, v2  }
0x309: {  	v40 =	vld [tilespmem:s22+$0x1840]  }
0x30a: {  	v2 =	vadd.f32 v2, v39;
	_ =	sdelay $0x1  }
0x30b: {  	[tilespmem:s22+$0x9830] =	vst v2  }
0x30c: {  	v2 =	vld [tilespmem:$0xC340]  }
0x30d: {  	v3 =	vsub.f32 v40, v0  }
0x30e: {  	v41 =	vld [tilespmem:$0xC740]  }
0x30f: {  	v3 =	vmul.f32 v3, v1;
	_ =	sdelay $0x1  }
0x310: {  	v2 =	vmul.f32 v3, v2  }
0x311: {  	v42 =	vld [tilespmem:s22+$0x1850]  }
0x312: {  	v2 =	vadd.f32 v2, v41;
	_ =	sdelay $0x1  }
0x313: {  	[tilespmem:s22+$0x9840] =	vst v2  }
0x314: {  	v2 =	vld [tilespmem:$0xC350]  }
0x315: {  	v3 =	vsub.f32 v42, v0  }
0x316: {  	v43 =	vld [tilespmem:$0xC750]  }
0x317: {  	v3 =	vmul.f32 v3, v1;
	_ =	sdelay $0x1  }
0x318: {  	v2 =	vmul.f32 v3, v2  }
0x319: {  	v44 =	vld [tilespmem:s22+$0x1860]  }
0x31a: {  	v2 =	vadd.f32 v2, v43;
	_ =	sdelay $0x1  }
0x31b: {  	[tilespmem:s22+$0x9850] =	vst v2  }
0x31c: {  	v2 =	vld [tilespmem:$0xC360]  }
0x31d: {  	v3 =	vsub.f32 v44, v0  }
0x31e: {  	v45 =	vld [tilespmem:$0xC760]  }
0x31f: {  	v3 =	vmul.f32 v3, v1;
	_ =	sdelay $0x1  }
0x320: {  	v2 =	vmul.f32 v3, v2  }
0x321: {  	v46 =	vld [tilespmem:s22+$0x1870]  }
0x322: {  	v2 =	vadd.f32 v2, v45;
	_ =	sdelay $0x1  }
0x323: {  	[tilespmem:s22+$0x9860] =	vst v2  }
0x324: {  	v2 =	vld [tilespmem:$0xC370]  }
0x325: {  	v3 =	vsub.f32 v46, v0  }
0x326: {  	v47 =	vld [tilespmem:$0xC770]  }
0x327: {  	v3 =	vmul.f32 v3, v1;
	_ =	sdelay $0x1  }
0x328: {  	v2 =	vmul.f32 v3, v2;
	_ =	sdelay $0x1  }
0x329: {  	v2 =	vadd.f32 v2, v47;
	_ =	sdelay $0x1  }
0x32a: {  	[tilespmem:s22+$0x9870] =	vst v2  }
0x32b: {  	v2 =	vld [tilespmem:s23+$0x0];
	_ =	sdelay $0x3  }
0x32c: {  	v48 =	vld [tilespmem:$0xC380]  }
0x32d: {  	v2 =	vsub.f32 v2, v0  }
0x32e: {  	v49 =	vld [tilespmem:$0xC780]  }
0x32f: {  	v2 =	vmul.f32 v2, v1;
	_ =	sdelay $0x1  }
0x330: {  	v2 =	vmul.f32 v2, v48;
	_ =	sdelay $0x1  }
0x331: {  	v2 =	vadd.f32 v2, v49;
	_ =	sdelay $0x1  }
0x332: {  	[tilespmem:s23+$0x8000] =	vst v2  }
0x333: {  	v2 =	vld [tilespmem:s24+$0x0];
	_ =	sdelay $0x3  }
0x334: {  	v50 =	vld [tilespmem:$0xC390]  }
0x335: {  	v2 =	vsub.f32 v2, v0  }
0x336: {  	v51 =	vld [tilespmem:$0xC790]  }
0x337: {  	v2 =	vmul.f32 v2, v1;
	_ =	sdelay $0x1  }
0x338: {  	v2 =	vmul.f32 v2, v50;
	_ =	sdelay $0x1  }
0x339: {  	v2 =	vadd.f32 v2, v51;
	_ =	sdelay $0x1  }
0x33a: {  	[tilespmem:s24+$0x8000] =	vst v2  }
0x33b: {  	v2 =	vld [tilespmem:s25+$0x0];
	_ =	sdelay $0x3  }
0x33c: {  	v52 =	vld [tilespmem:$0xC3A0]  }
0x33d: {  	v2 =	vsub.f32 v2, v0  }
0x33e: {  	v53 =	vld [tilespmem:$0xC7A0]  }
0x33f: {  	v2 =	vmul.f32 v2, v1;
	_ =	sdelay $0x1  }
0x340: {  	v2 =	vmul.f32 v2, v52;
	_ =	sdelay $0x1  }
0x341: {  	v2 =	vadd.f32 v2, v53;
	_ =	sdelay $0x1  }
0x342: {  	[tilespmem:s25+$0x8000] =	vst v2  }
0x343: {  	v2 =	vld [tilespmem:s26+$0x0];
	_ =	sdelay $0x3  }
0x344: {  	v54 =	vld [tilespmem:$0xC3B0]  }
0x345: {  	v2 =	vsub.f32 v2, v0  }
0x346: {  	v55 =	vld [tilespmem:$0xC7B0]  }
0x347: {  	v2 =	vmul.f32 v2, v1;
	_ =	sdelay $0x1  }
0x348: {  	v2 =	vmul.f32 v2, v54;
	_ =	sdelay $0x1  }
0x349: {  	v2 =	vadd.f32 v2, v55;
	_ =	sdelay $0x1  }
0x34a: {  	[tilespmem:s26+$0x8000] =	vst v2  }
0x34b: {  	v2 =	vld [tilespmem:s28+$0x0];
	_ =	sdelay $0x3  }
0x34c: {  	v56 =	vld [tilespmem:$0xC3C0]  }
0x34d: {  	v2 =	vsub.f32 v2, v0  }
0x34e: {  	v57 =	vld [tilespmem:$0xC7C0]  }
0x34f: {  	v2 =	vmul.f32 v2, v1;
	_ =	sdelay $0x1  }
0x350: {  	v2 =	vmul.f32 v2, v56;
	_ =	sdelay $0x1  }
0x351: {  	v2 =	vadd.f32 v2, v57;
	_ =	sdelay $0x1  }
0x352: {  	[tilespmem:s28+$0x8000] =	vst v2  }
0x353: {  	v2 =	vld [tilespmem:s29+$0x0];
	_ =	sdelay $0x3  }
0x354: {  	v58 =	vld [tilespmem:$0xC3D0]  }
0x355: {  	v2 =	vsub.f32 v2, v0  }
0x356: {  	v59 =	vld [tilespmem:$0xC7D0]  }
0x357: {  	v2 =	vmul.f32 v2, v1;
	_ =	sdelay $0x1  }
0x358: {  	v2 =	vmul.f32 v2, v58;
	_ =	sdelay $0x1  }
0x359: {  	v2 =	vadd.f32 v2, v59;
	_ =	sdelay $0x1  }
0x35a: {  	[tilespmem:s29+$0x8000] =	vst v2  }
0x35b: {  	v2 =	vld [tilespmem:s31+$0x0];
	_ =	sdelay $0x3  }
0x35c: {  	v60 =	vld [tilespmem:$0xC3E0]  }
0x35d: {  	v2 =	vsub.f32 v2, v0  }
0x35e: {  	v61 =	vld [tilespmem:$0xC7E0]  }
0x35f: {  	v2 =	vmul.f32 v2, v1;
	_ =	sdelay $0x1  }
0x360: {  	v2 =	vmul.f32 v2, v60;
	_ =	sdelay $0x1  }
0x361: {  	v2 =	vadd.f32 v2, v61;
	_ =	sdelay $0x1  }
0x362: {  	[tilespmem:s31+$0x8000] =	vst v2  }
0x363: {  	v2 =	vld [tilespmem:s30+$0x0];
	_ =	sdelay $0x3  }
0x364: {  	v62 =	vld [tilespmem:$0xC3F0]  }
0x365: {  	v0 =	vsub.f32 v2, v0  }
0x366: {  	v63 =	vld [tilespmem:$0xC7F0]  }
0x367: {  	v0 =	vmul.f32 v0, v1  }
0x368: {  	p0 =	sne.s32 s21, $0x780  }
.Ltmp0:
0x369: {  	v0 =	vmul.f32 v0, v62;
	(pc) =	sbr.rel @p0 .LBB2_3-.Ltmp0, $4  }
0x36a: {  	_ = 	snop  }
0x36b: {  	v0 =	vadd.f32 v0, v63  }
0x36c: {  	s18 =	sadd.s32 $0x1, s18  }
0x36d: {  	s19 =	sadd.s32 $0x400, s19;
	s21 =	sadd.s32 $0x80, s21;
	s20 =	sadd.s32 $0x400, s20;
	[tilespmem:s30+$0x8000] =	vst v0  }
0x36e: {  	s16 =	sadd.s32 $0x1, s16  }
0x36f: {  	p0 =	sne.s32 s16, $0x40  }
.Ltmp1:
0x370: {  	s1 =	sadd.s32 s5, s17;
	(pc) =	sbr.rel @p0 .LBB2_2-.Ltmp1, $4  }
0x371: {  	[hbm4b:s1+s7] =	stream.linear.scatter [tilespmem:s14], [sflag:$0x1], $0x4000, $0x38;
	[tilespmem:$0xC800] =	vst v63  }
0x372: {  	_ =	swait.ge [sflag:s11], $0x4000  }
0x373: {  	[sflag:s11] =	ssyncset.done $0x0  }
0x374: {  	[sflag:s11] =	ssyncadd.s32 $0xFFFFC000  }
0x375: {  	s15 =	sadd.s32 $0x1, s15  }
0x376: {  	p0 =	sne.s32 s15, s9  }
.Ltmp2:
0x377: {  	_ = 	snop;
	(pc) =	sbr.rel @p0 .LBB2_1-.Ltmp2, $1  }
0x378: {  	_ =	sdelay $0x3  }
0x379: {  	_ =	sfence.sel $0x180000  }
0x37a: {  	[bflag:$0x0] =	sbarrier.arrive $0xFFFF  }
0x37b: {  	_ =	strace $0x90000047  }
0x37c: {  	[bflag:$0x2] =	sbarrier.arrive $0xFFFF  }
0x37d: {  	p0 =	sne.s32 s6, $0x0;
	s0 =	rddreg [dreg:$0x5]  }
0x37e: {  	s0 =	sadd.s32 @!p0 $0x100000, s0  }
0x37f: {  	[sflag:s0] =	ssyncadd.tile.s32 @!p0 $0x1;
	_ =	shalt  }
.Lfunc_end2:
_tile_overlayer_lowered:
.L_overlay_start_2:
0x380: {  	(tag) =	ssettag $0x2  }
0x381: {  	s0 =	rddreg [dreg:$0x0];
	s2 =	stileid.u32  }
0x382: {  	s1 =	rddreg [dreg:$0x1];
	p0 =	sne.s32 s2, $0x0  }
0x383: {  	s3 =	rddreg [dreg:$0x2];
	[bflag:$0x3] =	sbarrier.arrive $0xFFFF;
	s2 =	simm.s32 @!p0 $0x1C01  }
0x384: {  	[timem:s3], [sflag:s2] =	dma.local @!p0 [hbm:s0], s1  }
0x385: {  	s0 =	simm.s32 @!p0 $0x1  }
0x386: {  	_ =	swait.ge @!p0 [sflag:s0], s1  }
0x387: {  	s1 =	ssub.s32 @!p0 $0x0, s1;
	[sflag:s0] =	ssyncset.done @!p0 $0x0  }
0x388: {  	[sflag:s0] =	ssyncadd.s32 @!p0 s1  }
0x389: {  	[bflag:$0x3] =	sbarrier.arrive $0xFFFF  }
0x38a: {  	_ =	shalt  }

</sc_bundles>
